<compile_context>
chip_gen: v7x
topology: tpu7x:2x2x1
jax: 0.10.2.dev20260603
libtpu: 0.0.44.dev20260713+nightly
codegen_flags: <defaults>
</compile_context>

<pallas_src>
import functools

import jax
import jax.numpy as jnp
from jax import lax
from jax.experimental import pallas as pl
from jax.experimental.pallas import tpu as pltpu
from jax.experimental.pallas import tpu_sc as plsc

N_NODES = 10000
N_EDGES = 320000
D_FEAT = 128

NC = 2
NS = 16
NW = NC * NS

CHUNK = 128
N_CHUNKS = N_EDGES // CHUNK
N_ACC = 10240
ROWS_PER_TILE = N_ACC // NS
ZCOPIES = ROWS_PER_TILE // CHUNK
CG = 40
NBUF = 2

NBIG = 24
BIGN = 80
SMALLN = 72
SMALL_BASE = NBIG * BIGN
TAIL_BASE = SMALL_BASE + (NW - NBIG) * SMALLN
TAILN = N_CHUNKS - TAIL_BASE

_mesh = plsc.VectorSubcoreMesh(core_axis_name="c", subcore_axis_name="s")


def _chunk_base(wid):
    return jnp.where(wid < NBIG, wid * BIGN,
                     SMALL_BASE + (wid - NBIG) * SMALLN)


@functools.partial(
    pl.kernel,
    out_type=(
        jax.ShapeDtypeStruct((NC, N_ACC), jnp.float32),
        jax.ShapeDtypeStruct((NC, N_ACC), jnp.float32),
    ),
    mesh=_mesh,
    scratch_types=[
        pltpu.VMEM((BIGN, CHUNK), jnp.int32),
        pltpu.VMEM((BIGN, CHUNK), jnp.int32),
        pltpu.VMEM((CHUNK,), jnp.float32),
        pltpu.VMEM((ROWS_PER_TILE,), jnp.float32),
        pltpu.VMEM_SHARED((N_ACC,), jnp.float32),
        pltpu.VMEM_SHARED((N_ACC,), jnp.float32),
        pltpu.SemaphoreType.DMA,
        pltpu.SemaphoreType.DMA,
    ],
)
def _hist_kernel(e_hbm, hs_out, hd_out,
                 srcv, dstv, ones_v, zv, hs_sp, hd_sp, hsem0, hsem1):
    cid = lax.axis_index("c")
    sid = lax.axis_index("s")
    wid = sid * NC + cid
    base = _chunk_base(wid)
    src_hbm = e_hbm.at[0]
    dst_hbm = e_hbm.at[1]

    @pl.when(wid < NBIG)
    def _():
        pltpu.sync_copy(src_hbm.at[pl.ds(base, BIGN)], srcv)
        pltpu.sync_copy(dst_hbm.at[pl.ds(base, BIGN)], dstv)

    @pl.when(wid >= NBIG)
    def _():
        pltpu.sync_copy(src_hbm.at[pl.ds(base, SMALLN)],
                        srcv.at[pl.ds(0, SMALLN)])
        pltpu.sync_copy(dst_hbm.at[pl.ds(base, SMALLN)],
                        dstv.at[pl.ds(0, SMALLN)])

    @pl.when(wid == NW - 1)
    def _():
        pltpu.sync_copy(src_hbm.at[pl.ds(TAIL_BASE, TAILN)],
                        srcv.at[pl.ds(SMALLN, TAILN)])
        pltpu.sync_copy(dst_hbm.at[pl.ds(TAIL_BASE, TAILN)],
                        dstv.at[pl.ds(SMALLN, TAILN)])

    cnt = jnp.where(wid < NBIG, BIGN,
                    jnp.where(wid == NW - 1, SMALLN + TAILN, SMALLN))

    @pl.loop(0, CHUNK // 16)
    def _(k):
        ones_v[pl.ds(k * 16, 16)] = jnp.ones((16,), jnp.float32)

    @pl.loop(0, ROWS_PER_TILE // 16)
    def _(k):
        zv[pl.ds(k * 16, 16)] = jnp.zeros((16,), jnp.float32)

    zbase = sid * ROWS_PER_TILE
    pltpu.sync_copy(zv, hs_sp.at[pl.ds(zbase, ROWS_PER_TILE)])
    pltpu.sync_copy(zv, hd_sp.at[pl.ds(zbase, ROWS_PER_TILE)])
    plsc.subcore_barrier()

    @pl.loop(0, cnt)
    def _(j):
        d0 = pltpu.async_copy(ones_v, hs_sp.at[srcv.at[j]], hsem0, add=True)
        d1 = pltpu.async_copy(ones_v, hd_sp.at[dstv.at[j]], hsem1, add=True)
        d0.wait()
        d1.wait()

    plsc.subcore_barrier()
    pltpu.sync_copy(hs_sp.at[pl.ds(zbase, ROWS_PER_TILE)],
                    hs_out.at[cid].at[pl.ds(zbase, ROWS_PER_TILE)])
    pltpu.sync_copy(hd_sp.at[pl.ds(zbase, ROWS_PER_TILE)],
                    hd_out.at[cid].at[pl.ds(zbase, ROWS_PER_TILE)])


@functools.partial(
    pl.kernel,
    out_type=jax.ShapeDtypeStruct((NC, N_ACC, D_FEAT), jnp.float32),
    mesh=_mesh,
    scratch_types=[
        pltpu.VMEM((CG, CHUNK), jnp.int32),
        pltpu.VMEM((CG, CHUNK), jnp.int32),
        [pltpu.VMEM((CHUNK, D_FEAT), jnp.float32)] * NBUF,
        pltpu.VMEM_SHARED((N_ACC, D_FEAT), jnp.float32),
        [pltpu.SemaphoreType.DMA] * NBUF,
    ],
)
def _agg_kernel(h_hbm, e_hbm, out,
                srcv, dstv, rows, acc_sp, sems):
    cid = lax.axis_index("c")
    sid = lax.axis_index("s")
    wid = sid * NC + cid
    base = _chunk_base(wid)
    src_hbm = e_hbm.at[0]
    dst_hbm = e_hbm.at[1]

    @pl.loop(0, CHUNK)
    def _(r):
        for c in range(D_FEAT // 16):
            rows[0][r, pl.ds(c * 16, 16)] = jnp.zeros((16,), jnp.float32)

    for k in range(ZCOPIES):
        off = (sid * ZCOPIES + k) * CHUNK
        pltpu.sync_copy(rows[0], acc_sp.at[pl.ds(off, CHUNK)])
    plsc.subcore_barrier()

    def process(base_chunk, n):
        pltpu.sync_copy(src_hbm.at[pl.ds(base_chunk, n)], srcv.at[pl.ds(0, n)])
        pltpu.sync_copy(dst_hbm.at[pl.ds(base_chunk, n)], dstv.at[pl.ds(0, n)])
        for k in range(NBUF - 1):
            pltpu.async_copy(h_hbm.at[srcv.at[k]], rows[k], sems[k])

        @pl.loop(0, n // NBUF)
        def _(i):
            j0 = NBUF * i
            for k in range(NBUF):
                j = j0 + k
                kn = (k + NBUF - 1) % NBUF

                @pl.when(j + NBUF - 1 < n)
                def _():
                    pltpu.async_copy(h_hbm.at[srcv.at[j + NBUF - 1]],
                                     rows[kn], sems[kn])

                pltpu.make_async_copy(h_hbm.at[srcv.at[j]],
                                      rows[k], sems[k]).wait()
                pltpu.sync_copy(rows[k], acc_sp.at[dstv.at[j]], add=True)

    @pl.when(wid < NBIG)
    def _():
        for g in range(BIGN // CG):
            process(base + g * CG, CG)

    @pl.when(wid >= NBIG)
    def _():
        process(base, CG)
        process(base + CG, SMALLN - CG)

    @pl.when(wid == NW - 1)
    def _():
        process(TAIL_BASE, TAILN)

    plsc.subcore_barrier()
    for k in range(ZCOPIES):
        off = (sid * ZCOPIES + k) * CHUNK
        pltpu.sync_copy(acc_sp.at[pl.ds(off, CHUNK)],
                        out.at[cid].at[pl.ds(off, CHUNK)])


def _scale_body(feat_ref, hs_ref, hd_ref, h_ref, nd_ref):
    deg_s = hs_ref[0] + hs_ref[1]
    deg_d = hd_ref[0] + hd_ref[1]
    norm_s = lax.rsqrt(jnp.maximum(deg_s[:N_NODES], 1.0))
    h_ref[...] = feat_ref[...] * jnp.reshape(norm_s, (N_NODES, 1))
    nd_ref[...] = lax.rsqrt(jnp.maximum(deg_d[:N_NODES], 1.0))


def _final_body(p_ref, nd_ref, o_ref):
    nd = jnp.reshape(nd_ref[...], (N_NODES, 1))
    o_ref[...] = (p_ref[0, :N_NODES] + p_ref[1, :N_NODES]) * nd


def kernel(feat, edge_index):
    er = edge_index.reshape(2, N_CHUNKS, CHUNK)

    hs, hd = _hist_kernel(er)

    h, norm_dst = pl.pallas_call(
        _scale_body,
        out_shape=(
            jax.ShapeDtypeStruct((N_NODES, D_FEAT), jnp.float32),
            jax.ShapeDtypeStruct((N_NODES,), jnp.float32),
        ),
    )(feat, hs, hd)

    partials = _agg_kernel(h, er)

    out = pl.pallas_call(
        _final_body,
        out_shape=jax.ShapeDtypeStruct((N_NODES, D_FEAT), jnp.float32),
    )(partials, norm_dst)

    return out

# --- scband reference (transcript-rebuilt; emitter-appended) ---
"""Pipeline reference for scband-graph-conv-927712936226 (READ-ONLY COPY).

The authoritative reference and input builder live on the scoring server;
editing this copy changes nothing except your own understanding.
"""

import jax, jax.numpy as jnp
import numpy as np

N_NODES = 10000
N_EDGES = 320000
D_FEAT = 128


def setup_inputs(seed: int = 0) -> dict:
    key = jax.random.key(seed)
    k1, k2 = jax.random.split(key)
    feat = jax.random.normal(k1, (N_NODES, D_FEAT), dtype=jnp.float32)
    edge_index = jax.random.randint(k2, (2, N_EDGES), 0, N_NODES, dtype=jnp.int32)
    return {"feat": feat, "edge_index": edge_index}


def reference(feat, edge_index):
    # DGL GraphConv with norm='both', weight=None, activation=None.
    src = edge_index[0]
    dst = edge_index[1]
    # out-degree normalization on source nodes
    out_deg = jnp.bincount(src, length=N_NODES).astype(jnp.float32)
    out_deg = jnp.clip(out_deg, 1.0)
    norm_src = jnp.power(out_deg, -0.5)
    h = feat * norm_src[:, None]
    # message passing: copy_u + sum reduce == gather from src, scatter-add by dst
    msgs = jnp.take(h, src, axis=0)
    rst = jax.ops.segment_sum(msgs, dst, num_segments=N_NODES)
    # in-degree normalization on destination nodes
    in_deg = jnp.bincount(dst, length=N_NODES).astype(jnp.float32)
    in_deg = jnp.clip(in_deg, 1.0)
    norm_dst = jnp.power(in_deg, -0.5)
    rst = rst * norm_dst[:, None]
    return rst

if __name__ == "__main__":
    import jax
    _d = setup_inputs()
    print(jax.jit(kernel)(*tuple(_d.values())))

</pallas_src>

<mosaic_0001>
#map = affine_map<(d0, d1) -> (0, 0, 0)>
#map1 = affine_map<(d0, d1) -> (0, 0)>
module attributes {stable_mosaic.version = 14 : i64} {
  func.func @_hist_kernel(%arg0: i32, %arg1: i32, %arg2: memref<2x2500x128xi32, #tpu.memory_space<hbm>>, %arg3: memref<2x10240xf32, #tpu.memory_space<hbm>>, %arg4: memref<2x10240xf32, #tpu.memory_space<hbm>>, %arg5: memref<80x128xi32, #tpu.memory_space<vmem>>, %arg6: memref<80x128xi32, #tpu.memory_space<vmem>>, %arg7: memref<128xf32, #tpu.memory_space<vmem>>, %arg8: memref<640xf32, #tpu.memory_space<vmem>>, %arg9: memref<10240xf32, #tpu.memory_space<vmem_shared>>, %arg10: memref<10240xf32, #tpu.memory_space<vmem_shared>>, %arg11: memref<!tpu.dma_semaphore, #tpu.memory_space<semaphore_mem>>, %arg12: memref<!tpu.dma_semaphore, #tpu.memory_space<semaphore_mem>>) attributes {dimension_semantics = [#tpu.dimension_semantics<core_parallel>, #tpu.dimension_semantics<subcore_parallel>], iteration_bounds = array<i64: 2, 16>, scalar_prefetch = 0 : i64, scratch_operands = 8 : i64, tpu.core_type = #tpu.core_type<sc_vector_subcore>, window_params = [{transform_indices = #map}, {transform_indices = #map1}, {transform_indices = #map1}]} {
    %mul3A = arith.constant 2 : i32
    %mul3A_0 = arith.muli %arg1, %mul3A : i32
    %add3A = arith.addi %mul3A_0, %arg0 : i32
    %lt3A = arith.constant 24 : i32
    %lt3A_1 = arith.cmpi slt, %add3A, %lt3A : i32
    %mul3A_2 = arith.constant 80 : i32
    %mul3A_3 = arith.muli %add3A, %mul3A_2 : i32
    %sub3A = arith.constant 24 : i32
    %sub3A_4 = arith.subi %add3A, %sub3A : i32
    %mul3A_5 = arith.constant 72 : i32
    %mul3A_6 = arith.muli %sub3A_4, %mul3A_5 : i32
    %add3A_7 = arith.constant 1920 : i32
    %add3A_8 = arith.addi %add3A_7, %mul3A_6 : i32
    %select_n3A = arith.select %lt3A_1, %mul3A_3, %add3A_8 : i32
    %lt3A_9 = arith.constant 24 : i32
    %lt3A_10 = arith.cmpi slt, %add3A, %lt3A_9 : i32
    %convert_element_type3A = arith.extui %lt3A_10 : i1 to i32
    %cond3A = arith.constant 0 : i32
    %cond3A_11 = arith.constant 1 : i32
    %cond3A_12 = arith.constant 0 : i32
    %cond3A_13 = arith.cmpi ne, %convert_element_type3A, %cond3A_12 : i32
    scf.if %cond3A_13 {
      "tpu.region"() ({
        %run_scoped3A = tpu.sem_alloc : memref<!tpu.dma_semaphore, #tpu.memory_space<semaphore_mem>>
        %dma_start3A = arith.constant 0 : i32
        %dma_start3A_63 = arith.constant 0 : i32
        %dma_start3A_64 = tpu.memref_slice %arg2[%cond3A, %dma_start3A, %dma_start3A_63] : memref<2x2500x128xi32, #tpu.memory_space<hbm>> -> memref<1x2500x128xi32, #tpu.memory_space<hbm>>
        %dma_start3A_65 = tpu.memref_squeeze %dma_start3A_64 : memref<1x2500x128xi32, #tpu.memory_space<hbm>> -> memref<2500x128xi32, #tpu.memory_space<hbm>>
        %dma_start3A_66 = arith.constant 0 : i32
        %dma_start3A_67 = tpu.memref_slice %dma_start3A_65[%select_n3A, %dma_start3A_66] : memref<2500x128xi32, #tpu.memory_space<hbm>> -> memref<80x128xi32, #tpu.memory_space<hbm>>
        %dma_start3A_68 = arith.constant 0 : i32
        %dma_start3A_69 = arith.constant 0 : i32
        %dma_start3A_70 = tpu.memref_slice %arg2[%cond3A, %dma_start3A_68, %dma_start3A_69] : memref<2x2500x128xi32, #tpu.memory_space<hbm>> -> memref<1x2500x128xi32, #tpu.memory_space<hbm>>
        %dma_start3A_71 = tpu.memref_squeeze %dma_start3A_70 : memref<1x2500x128xi32, #tpu.memory_space<hbm>> -> memref<2500x128xi32, #tpu.memory_space<hbm>>
        %dma_start3A_72 = arith.constant 0 : i32
        %dma_start3A_73 = tpu.memref_slice %dma_start3A_71[%select_n3A, %dma_start3A_72] : memref<2500x128xi32, #tpu.memory_space<hbm>> -> memref<80x128xi32, #tpu.memory_space<hbm>>
        tpu.enqueue_dma source(%dma_start3A_73 : memref<80x128xi32, #tpu.memory_space<hbm>>) target(%arg5 : memref<80x128xi32, #tpu.memory_space<vmem>>) target_semaphore(%run_scoped3A : memref<!tpu.dma_semaphore, #tpu.memory_space<semaphore_mem>>)
        %dma_wait3A = arith.constant 0 : i32
        %dma_wait3A_74 = arith.constant 0 : i32
        %dma_wait3A_75 = tpu.memref_slice %arg2[%cond3A, %dma_wait3A, %dma_wait3A_74] : memref<2x2500x128xi32, #tpu.memory_space<hbm>> -> memref<1x2500x128xi32, #tpu.memory_space<hbm>>
        %dma_wait3A_76 = tpu.memref_squeeze %dma_wait3A_75 : memref<1x2500x128xi32, #tpu.memory_space<hbm>> -> memref<2500x128xi32, #tpu.memory_space<hbm>>
        %dma_wait3A_77 = arith.constant 0 : i32
        %dma_wait3A_78 = tpu.memref_slice %dma_wait3A_76[%select_n3A, %dma_wait3A_77] : memref<2500x128xi32, #tpu.memory_space<hbm>> -> memref<80x128xi32, #tpu.memory_space<hbm>>
        %dma_wait3A_79 = arith.constant 0 : i32
        %dma_wait3A_80 = arith.constant 0 : i32
        %dma_wait3A_81 = tpu.memref_slice %arg2[%cond3A, %dma_wait3A_79, %dma_wait3A_80] : memref<2x2500x128xi32, #tpu.memory_space<hbm>> -> memref<1x2500x128xi32, #tpu.memory_space<hbm>>
        %dma_wait3A_82 = tpu.memref_squeeze %dma_wait3A_81 : memref<1x2500x128xi32, #tpu.memory_space<hbm>> -> memref<2500x128xi32, #tpu.memory_space<hbm>>
        %dma_wait3A_83 = arith.constant 0 : i32
        %dma_wait3A_84 = tpu.memref_slice %dma_wait3A_82[%select_n3A, %dma_wait3A_83] : memref<2500x128xi32, #tpu.memory_space<hbm>> -> memref<80x128xi32, #tpu.memory_space<hbm>>
        tpu.wait_dma2 semaphore(%run_scoped3A : memref<!tpu.dma_semaphore, #tpu.memory_space<semaphore_mem>>) src(%dma_wait3A_84 : memref<80x128xi32, #tpu.memory_space<hbm>>) dst(%arg5 : memref<80x128xi32, #tpu.memory_space<vmem>>)
        tpu.yield
      }) : () -> ()
      "tpu.region"() ({
        %run_scoped3A = tpu.sem_alloc : memref<!tpu.dma_semaphore, #tpu.memory_space<semaphore_mem>>
        %dma_start3A = arith.constant 0 : i32
        %dma_start3A_63 = arith.constant 0 : i32
        %dma_start3A_64 = tpu.memref_slice %arg2[%cond3A_11, %dma_start3A, %dma_start3A_63] : memref<2x2500x128xi32, #tpu.memory_space<hbm>> -> memref<1x2500x128xi32, #tpu.memory_space<hbm>>
        %dma_start3A_65 = tpu.memref_squeeze %dma_start3A_64 : memref<1x2500x128xi32, #tpu.memory_space<hbm>> -> memref<2500x128xi32, #tpu.memory_space<hbm>>
        %dma_start3A_66 = arith.constant 0 : i32
        %dma_start3A_67 = tpu.memref_slice %dma_start3A_65[%select_n3A, %dma_start3A_66] : memref<2500x128xi32, #tpu.memory_space<hbm>> -> memref<80x128xi32, #tpu.memory_space<hbm>>
        %dma_start3A_68 = arith.constant 0 : i32
        %dma_start3A_69 = arith.constant 0 : i32
        %dma_start3A_70 = tpu.memref_slice %arg2[%cond3A_11, %dma_start3A_68, %dma_start3A_69] : memref<2x2500x128xi32, #tpu.memory_space<hbm>> -> memref<1x2500x128xi32, #tpu.memory_space<hbm>>
        %dma_start3A_71 = tpu.memref_squeeze %dma_start3A_70 : memref<1x2500x128xi32, #tpu.memory_space<hbm>> -> memref<2500x128xi32, #tpu.memory_space<hbm>>
        %dma_start3A_72 = arith.constant 0 : i32
        %dma_start3A_73 = tpu.memref_slice %dma_start3A_71[%select_n3A, %dma_start3A_72] : memref<2500x128xi32, #tpu.memory_space<hbm>> -> memref<80x128xi32, #tpu.memory_space<hbm>>
        tpu.enqueue_dma source(%dma_start3A_73 : memref<80x128xi32, #tpu.memory_space<hbm>>) target(%arg6 : memref<80x128xi32, #tpu.memory_space<vmem>>) target_semaphore(%run_scoped3A : memref<!tpu.dma_semaphore, #tpu.memory_space<semaphore_mem>>)
        %dma_wait3A = arith.constant 0 : i32
        %dma_wait3A_74 = arith.constant 0 : i32
        %dma_wait3A_75 = tpu.memref_slice %arg2[%cond3A_11, %dma_wait3A, %dma_wait3A_74] : memref<2x2500x128xi32, #tpu.memory_space<hbm>> -> memref<1x2500x128xi32, #tpu.memory_space<hbm>>
        %dma_wait3A_76 = tpu.memref_squeeze %dma_wait3A_75 : memref<1x2500x128xi32, #tpu.memory_space<hbm>> -> memref<2500x128xi32, #tpu.memory_space<hbm>>
        %dma_wait3A_77 = arith.constant 0 : i32
        %dma_wait3A_78 = tpu.memref_slice %dma_wait3A_76[%select_n3A, %dma_wait3A_77] : memref<2500x128xi32, #tpu.memory_space<hbm>> -> memref<80x128xi32, #tpu.memory_space<hbm>>
        %dma_wait3A_79 = arith.constant 0 : i32
        %dma_wait3A_80 = arith.constant 0 : i32
        %dma_wait3A_81 = tpu.memref_slice %arg2[%cond3A_11, %dma_wait3A_79, %dma_wait3A_80] : memref<2x2500x128xi32, #tpu.memory_space<hbm>> -> memref<1x2500x128xi32, #tpu.memory_space<hbm>>
        %dma_wait3A_82 = tpu.memref_squeeze %dma_wait3A_81 : memref<1x2500x128xi32, #tpu.memory_space<hbm>> -> memref<2500x128xi32, #tpu.memory_space<hbm>>
        %dma_wait3A_83 = arith.constant 0 : i32
        %dma_wait3A_84 = tpu.memref_slice %dma_wait3A_82[%select_n3A, %dma_wait3A_83] : memref<2500x128xi32, #tpu.memory_space<hbm>> -> memref<80x128xi32, #tpu.memory_space<hbm>>
        tpu.wait_dma2 semaphore(%run_scoped3A : memref<!tpu.dma_semaphore, #tpu.memory_space<semaphore_mem>>) src(%dma_wait3A_84 : memref<80x128xi32, #tpu.memory_space<hbm>>) dst(%arg6 : memref<80x128xi32, #tpu.memory_space<vmem>>)
        tpu.yield
      }) : () -> ()
    } else {
    }
    %ge3A = arith.constant 24 : i32
    %ge3A_14 = arith.cmpi sge, %add3A, %ge3A : i32
    %convert_element_type3A_15 = arith.extui %ge3A_14 : i1 to i32
    %cond3A_16 = arith.constant 0 : i32
    %cond3A_17 = arith.constant 1 : i32
    %cond3A_18 = arith.constant 0 : i32
    %cond3A_19 = arith.cmpi ne, %convert_element_type3A_15, %cond3A_18 : i32
    scf.if %cond3A_19 {
      "tpu.region"() ({
        %run_scoped3A = tpu.sem_alloc : memref<!tpu.dma_semaphore, #tpu.memory_space<semaphore_mem>>
        %dma_start3A = arith.constant 0 : i32
        %dma_start3A_63 = arith.constant 0 : i32
        %dma_start3A_64 = tpu.memref_slice %arg5[%dma_start3A, %dma_start3A_63] : memref<80x128xi32, #tpu.memory_space<vmem>> -> memref<72x128xi32, #tpu.memory_space<vmem>>
        %dma_start3A_65 = arith.constant 0 : i32
        %dma_start3A_66 = arith.constant 0 : i32
        %dma_start3A_67 = tpu.memref_slice %arg2[%cond3A_16, %dma_start3A_65, %dma_start3A_66] : memref<2x2500x128xi32, #tpu.memory_space<hbm>> -> memref<1x2500x128xi32, #tpu.memory_space<hbm>>
        %dma_start3A_68 = tpu.memref_squeeze %dma_start3A_67 : memref<1x2500x128xi32, #tpu.memory_space<hbm>> -> memref<2500x128xi32, #tpu.memory_space<hbm>>
        %dma_start3A_69 = arith.constant 0 : i32
        %dma_start3A_70 = tpu.memref_slice %dma_start3A_68[%select_n3A, %dma_start3A_69] : memref<2500x128xi32, #tpu.memory_space<hbm>> -> memref<72x128xi32, #tpu.memory_space<hbm>>
        %dma_start3A_71 = arith.constant 0 : i32
        %dma_start3A_72 = arith.constant 0 : i32
        %dma_start3A_73 = tpu.memref_slice %arg5[%dma_start3A_71, %dma_start3A_72] : memref<80x128xi32, #tpu.memory_space<vmem>> -> memref<72x128xi32, #tpu.memory_space<vmem>>
        %dma_start3A_74 = arith.constant 0 : i32
        %dma_start3A_75 = arith.constant 0 : i32
        %dma_start3A_76 = tpu.memref_slice %arg2[%cond3A_16, %dma_start3A_74, %dma_start3A_75] : memref<2x2500x128xi32, #tpu.memory_space<hbm>> -> memref<1x2500x128xi32, #tpu.memory_space<hbm>>
        %dma_start3A_77 = tpu.memref_squeeze %dma_start3A_76 : memref<1x2500x128xi32, #tpu.memory_space<hbm>> -> memref<2500x128xi32, #tpu.memory_space<hbm>>
        %dma_start3A_78 = arith.constant 0 : i32
        %dma_start3A_79 = tpu.memref_slice %dma_start3A_77[%select_n3A, %dma_start3A_78] : memref<2500x128xi32, #tpu.memory_space<hbm>> -> memref<72x128xi32, #tpu.memory_space<hbm>>
        tpu.enqueue_dma source(%dma_start3A_79 : memref<72x128xi32, #tpu.memory_space<hbm>>) target(%dma_start3A_73 : memref<72x128xi32, #tpu.memory_space<vmem>>) target_semaphore(%run_scoped3A : memref<!tpu.dma_semaphore, #tpu.memory_space<semaphore_mem>>)
        %dma_wait3A = arith.constant 0 : i32
        %dma_wait3A_80 = arith.constant 0 : i32
        %dma_wait3A_81 = tpu.memref_slice %arg5[%dma_wait3A, %dma_wait3A_80] : memref<80x128xi32, #tpu.memory_space<vmem>> -> memref<72x128xi32, #tpu.memory_space<vmem>>
        %dma_wait3A_82 = arith.constant 0 : i32
        %dma_wait3A_83 = arith.constant 0 : i32
        %dma_wait3A_84 = tpu.memref_slice %arg2[%cond3A_16, %dma_wait3A_82, %dma_wait3A_83] : memref<2x2500x128xi32, #tpu.memory_space<hbm>> -> memref<1x2500x128xi32, #tpu.memory_space<hbm>>
        %dma_wait3A_85 = tpu.memref_squeeze %dma_wait3A_84 : memref<1x2500x128xi32, #tpu.memory_space<hbm>> -> memref<2500x128xi32, #tpu.memory_space<hbm>>
        %dma_wait3A_86 = arith.constant 0 : i32
        %dma_wait3A_87 = tpu.memref_slice %dma_wait3A_85[%select_n3A, %dma_wait3A_86] : memref<2500x128xi32, #tpu.memory_space<hbm>> -> memref<72x128xi32, #tpu.memory_space<hbm>>
        %dma_wait3A_88 = arith.constant 0 : i32
        %dma_wait3A_89 = arith.constant 0 : i32
        %dma_wait3A_90 = tpu.memref_slice %arg5[%dma_wait3A_88, %dma_wait3A_89] : memref<80x128xi32, #tpu.memory_space<vmem>> -> memref<72x128xi32, #tpu.memory_space<vmem>>
        %dma_wait3A_91 = arith.constant 0 : i32
        %dma_wait3A_92 = arith.constant 0 : i32
        %dma_wait3A_93 = tpu.memref_slice %arg2[%cond3A_16, %dma_wait3A_91, %dma_wait3A_92] : memref<2x2500x128xi32, #tpu.memory_space<hbm>> -> memref<1x2500x128xi32, #tpu.memory_space<hbm>>
        %dma_wait3A_94 = tpu.memref_squeeze %dma_wait3A_93 : memref<1x2500x128xi32, #tpu.memory_space<hbm>> -> memref<2500x128xi32, #tpu.memory_space<hbm>>
        %dma_wait3A_95 = arith.constant 0 : i32
        %dma_wait3A_96 = tpu.memref_slice %dma_wait3A_94[%select_n3A, %dma_wait3A_95] : memref<2500x128xi32, #tpu.memory_space<hbm>> -> memref<72x128xi32, #tpu.memory_space<hbm>>
        tpu.wait_dma2 semaphore(%run_scoped3A : memref<!tpu.dma_semaphore, #tpu.memory_space<semaphore_mem>>) src(%dma_wait3A_96 : memref<72x128xi32, #tpu.memory_space<hbm>>) dst(%dma_wait3A_90 : memref<72x128xi32, #tpu.memory_space<vmem>>)
        tpu.yield
      }) : () -> ()
      "tpu.region"() ({
        %run_scoped3A = tpu.sem_alloc : memref<!tpu.dma_semaphore, #tpu.memory_space<semaphore_mem>>
        %dma_start3A = arith.constant 0 : i32
        %dma_start3A_63 = arith.constant 0 : i32
        %dma_start3A_64 = tpu.memref_slice %arg6[%dma_start3A, %dma_start3A_63] : memref<80x128xi32, #tpu.memory_space<vmem>> -> memref<72x128xi32, #tpu.memory_space<vmem>>
        %dma_start3A_65 = arith.constant 0 : i32
        %dma_start3A_66 = arith.constant 0 : i32
        %dma_start3A_67 = tpu.memref_slice %arg2[%cond3A_17, %dma_start3A_65, %dma_start3A_66] : memref<2x2500x128xi32, #tpu.memory_space<hbm>> -> memref<1x2500x128xi32, #tpu.memory_space<hbm>>
        %dma_start3A_68 = tpu.memref_squeeze %dma_start3A_67 : memref<1x2500x128xi32, #tpu.memory_space<hbm>> -> memref<2500x128xi32, #tpu.memory_space<hbm>>
        %dma_start3A_69 = arith.constant 0 : i32
        %dma_start3A_70 = tpu.memref_slice %dma_start3A_68[%select_n3A, %dma_start3A_69] : memref<2500x128xi32, #tpu.memory_space<hbm>> -> memref<72x128xi32, #tpu.memory_space<hbm>>
        %dma_start3A_71 = arith.constant 0 : i32
        %dma_start3A_72 = arith.constant 0 : i32
        %dma_start3A_73 = tpu.memref_slice %arg6[%dma_start3A_71, %dma_start3A_72] : memref<80x128xi32, #tpu.memory_space<vmem>> -> memref<72x128xi32, #tpu.memory_space<vmem>>
        %dma_start3A_74 = arith.constant 0 : i32
        %dma_start3A_75 = arith.constant 0 : i32
        %dma_start3A_76 = tpu.memref_slice %arg2[%cond3A_17, %dma_start3A_74, %dma_start3A_75] : memref<2x2500x128xi32, #tpu.memory_space<hbm>> -> memref<1x2500x128xi32, #tpu.memory_space<hbm>>
        %dma_start3A_77 = tpu.memref_squeeze %dma_start3A_76 : memref<1x2500x128xi32, #tpu.memory_space<hbm>> -> memref<2500x128xi32, #tpu.memory_space<hbm>>
        %dma_start3A_78 = arith.constant 0 : i32
        %dma_start3A_79 = tpu.memref_slice %dma_start3A_77[%select_n3A, %dma_start3A_78] : memref<2500x128xi32, #tpu.memory_space<hbm>> -> memref<72x128xi32, #tpu.memory_space<hbm>>
        tpu.enqueue_dma source(%dma_start3A_79 : memref<72x128xi32, #tpu.memory_space<hbm>>) target(%dma_start3A_73 : memref<72x128xi32, #tpu.memory_space<vmem>>) target_semaphore(%run_scoped3A : memref<!tpu.dma_semaphore, #tpu.memory_space<semaphore_mem>>)
        %dma_wait3A = arith.constant 0 : i32
        %dma_wait3A_80 = arith.constant 0 : i32
        %dma_wait3A_81 = tpu.memref_slice %arg6[%dma_wait3A, %dma_wait3A_80] : memref<80x128xi32, #tpu.memory_space<vmem>> -> memref<72x128xi32, #tpu.memory_space<vmem>>
        %dma_wait3A_82 = arith.constant 0 : i32
        %dma_wait3A_83 = arith.constant 0 : i32
        %dma_wait3A_84 = tpu.memref_slice %arg2[%cond3A_17, %dma_wait3A_82, %dma_wait3A_83] : memref<2x2500x128xi32, #tpu.memory_space<hbm>> -> memref<1x2500x128xi32, #tpu.memory_space<hbm>>
        %dma_wait3A_85 = tpu.memref_squeeze %dma_wait3A_84 : memref<1x2500x128xi32, #tpu.memory_space<hbm>> -> memref<2500x128xi32, #tpu.memory_space<hbm>>
        %dma_wait3A_86 = arith.constant 0 : i32
        %dma_wait3A_87 = tpu.memref_slice %dma_wait3A_85[%select_n3A, %dma_wait3A_86] : memref<2500x128xi32, #tpu.memory_space<hbm>> -> memref<72x128xi32, #tpu.memory_space<hbm>>
        %dma_wait3A_88 = arith.constant 0 : i32
        %dma_wait3A_89 = arith.constant 0 : i32
        %dma_wait3A_90 = tpu.memref_slice %arg6[%dma_wait3A_88, %dma_wait3A_89] : memref<80x128xi32, #tpu.memory_space<vmem>> -> memref<72x128xi32, #tpu.memory_space<vmem>>
        %dma_wait3A_91 = arith.constant 0 : i32
        %dma_wait3A_92 = arith.constant 0 : i32
        %dma_wait3A_93 = tpu.memref_slice %arg2[%cond3A_17, %dma_wait3A_91, %dma_wait3A_92] : memref<2x2500x128xi32, #tpu.memory_space<hbm>> -> memref<1x2500x128xi32, #tpu.memory_space<hbm>>
        %dma_wait3A_94 = tpu.memref_squeeze %dma_wait3A_93 : memref<1x2500x128xi32, #tpu.memory_space<hbm>> -> memref<2500x128xi32, #tpu.memory_space<hbm>>
        %dma_wait3A_95 = arith.constant 0 : i32
        %dma_wait3A_96 = tpu.memref_slice %dma_wait3A_94[%select_n3A, %dma_wait3A_95] : memref<2500x128xi32, #tpu.memory_space<hbm>> -> memref<72x128xi32, #tpu.memory_space<hbm>>
        tpu.wait_dma2 semaphore(%run_scoped3A : memref<!tpu.dma_semaphore, #tpu.memory_space<semaphore_mem>>) src(%dma_wait3A_96 : memref<72x128xi32, #tpu.memory_space<hbm>>) dst(%dma_wait3A_90 : memref<72x128xi32, #tpu.memory_space<vmem>>)
        tpu.yield
      }) : () -> ()
    } else {
    }
    %eq3A = arith.constant 31 : i32
    %eq3A_20 = arith.cmpi eq, %add3A, %eq3A : i32
    %convert_element_type3A_21 = arith.extui %eq3A_20 : i1 to i32
    %cond3A_22 = arith.constant 0 : i32
    %cond3A_23 = arith.constant 1 : i32
    %cond3A_24 = arith.constant 0 : i32
    %cond3A_25 = arith.cmpi ne, %convert_element_type3A_21, %cond3A_24 : i32
    scf.if %cond3A_25 {
      "tpu.region"() ({
        %run_scoped3A = tpu.sem_alloc : memref<!tpu.dma_semaphore, #tpu.memory_space<semaphore_mem>>
        %dma_start3A = arith.constant 72 : i32
        %dma_start3A_63 = arith.constant 0 : i32
        %dma_start3A_64 = tpu.memref_slice %arg5[%dma_start3A, %dma_start3A_63] : memref<80x128xi32, #tpu.memory_space<vmem>> -> memref<4x128xi32, #tpu.memory_space<vmem>>
        %dma_start3A_65 = arith.constant 0 : i32
        %dma_start3A_66 = arith.constant 0 : i32
        %dma_start3A_67 = tpu.memref_slice %arg2[%cond3A_22, %dma_start3A_65, %dma_start3A_66] : memref<2x2500x128xi32, #tpu.memory_space<hbm>> -> memref<1x2500x128xi32, #tpu.memory_space<hbm>>
        %dma_start3A_68 = tpu.memref_squeeze %dma_start3A_67 : memref<1x2500x128xi32, #tpu.memory_space<hbm>> -> memref<2500x128xi32, #tpu.memory_space<hbm>>
        %dma_start3A_69 = arith.constant 2496 : i32
        %dma_start3A_70 = arith.constant 0 : i32
        %dma_start3A_71 = tpu.memref_slice %dma_start3A_68[%dma_start3A_69, %dma_start3A_70] : memref<2500x128xi32, #tpu.memory_space<hbm>> -> memref<4x128xi32, #tpu.memory_space<hbm>>
        %dma_start3A_72 = arith.constant 72 : i32
        %dma_start3A_73 = arith.constant 0 : i32
        %dma_start3A_74 = tpu.memref_slice %arg5[%dma_start3A_72, %dma_start3A_73] : memref<80x128xi32, #tpu.memory_space<vmem>> -> memref<4x128xi32, #tpu.memory_space<vmem>>
        %dma_start3A_75 = arith.constant 0 : i32
        %dma_start3A_76 = arith.constant 0 : i32
        %dma_start3A_77 = tpu.memref_slice %arg2[%cond3A_22, %dma_start3A_75, %dma_start3A_76] : memref<2x2500x128xi32, #tpu.memory_space<hbm>> -> memref<1x2500x128xi32, #tpu.memory_space<hbm>>
        %dma_start3A_78 = tpu.memref_squeeze %dma_start3A_77 : memref<1x2500x128xi32, #tpu.memory_space<hbm>> -> memref<2500x128xi32, #tpu.memory_space<hbm>>
        %dma_start3A_79 = arith.constant 2496 : i32
        %dma_start3A_80 = arith.constant 0 : i32
        %dma_start3A_81 = tpu.memref_slice %dma_start3A_78[%dma_start3A_79, %dma_start3A_80] : memref<2500x128xi32, #tpu.memory_space<hbm>> -> memref<4x128xi32, #tpu.memory_space<hbm>>
        tpu.enqueue_dma source(%dma_start3A_81 : memref<4x128xi32, #tpu.memory_space<hbm>>) target(%dma_start3A_74 : memref<4x128xi32, #tpu.memory_space<vmem>>) target_semaphore(%run_scoped3A : memref<!tpu.dma_semaphore, #tpu.memory_space<semaphore_mem>>)
        %dma_wait3A = arith.constant 72 : i32
        %dma_wait3A_82 = arith.constant 0 : i32
        %dma_wait3A_83 = tpu.memref_slice %arg5[%dma_wait3A, %dma_wait3A_82] : memref<80x128xi32, #tpu.memory_space<vmem>> -> memref<4x128xi32, #tpu.memory_space<vmem>>
        %dma_wait3A_84 = arith.constant 0 : i32
        %dma_wait3A_85 = arith.constant 0 : i32
        %dma_wait3A_86 = tpu.memref_slice %arg2[%cond3A_22, %dma_wait3A_84, %dma_wait3A_85] : memref<2x2500x128xi32, #tpu.memory_space<hbm>> -> memref<1x2500x128xi32, #tpu.memory_space<hbm>>
        %dma_wait3A_87 = tpu.memref_squeeze %dma_wait3A_86 : memref<1x2500x128xi32, #tpu.memory_space<hbm>> -> memref<2500x128xi32, #tpu.memory_space<hbm>>
        %dma_wait3A_88 = arith.constant 2496 : i32
        %dma_wait3A_89 = arith.constant 0 : i32
        %dma_wait3A_90 = tpu.memref_slice %dma_wait3A_87[%dma_wait3A_88, %dma_wait3A_89] : memref<2500x128xi32, #tpu.memory_space<hbm>> -> memref<4x128xi32, #tpu.memory_space<hbm>>
        %dma_wait3A_91 = arith.constant 72 : i32
        %dma_wait3A_92 = arith.constant 0 : i32
        %dma_wait3A_93 = tpu.memref_slice %arg5[%dma_wait3A_91, %dma_wait3A_92] : memref<80x128xi32, #tpu.memory_space<vmem>> -> memref<4x128xi32, #tpu.memory_space<vmem>>
        %dma_wait3A_94 = arith.constant 0 : i32
        %dma_wait3A_95 = arith.constant 0 : i32
        %dma_wait3A_96 = tpu.memref_slice %arg2[%cond3A_22, %dma_wait3A_94, %dma_wait3A_95] : memref<2x2500x128xi32, #tpu.memory_space<hbm>> -> memref<1x2500x128xi32, #tpu.memory_space<hbm>>
        %dma_wait3A_97 = tpu.memref_squeeze %dma_wait3A_96 : memref<1x2500x128xi32, #tpu.memory_space<hbm>> -> memref<2500x128xi32, #tpu.memory_space<hbm>>
        %dma_wait3A_98 = arith.constant 2496 : i32
        %dma_wait3A_99 = arith.constant 0 : i32
        %dma_wait3A_100 = tpu.memref_slice %dma_wait3A_97[%dma_wait3A_98, %dma_wait3A_99] : memref<2500x128xi32, #tpu.memory_space<hbm>> -> memref<4x128xi32, #tpu.memory_space<hbm>>
        tpu.wait_dma2 semaphore(%run_scoped3A : memref<!tpu.dma_semaphore, #tpu.memory_space<semaphore_mem>>) src(%dma_wait3A_100 : memref<4x128xi32, #tpu.memory_space<hbm>>) dst(%dma_wait3A_93 : memref<4x128xi32, #tpu.memory_space<vmem>>)
        tpu.yield
      }) : () -> ()
      "tpu.region"() ({
        %run_scoped3A = tpu.sem_alloc : memref<!tpu.dma_semaphore, #tpu.memory_space<semaphore_mem>>
        %dma_start3A = arith.constant 72 : i32
        %dma_start3A_63 = arith.constant 0 : i32
        %dma_start3A_64 = tpu.memref_slice %arg6[%dma_start3A, %dma_start3A_63] : memref<80x128xi32, #tpu.memory_space<vmem>> -> memref<4x128xi32, #tpu.memory_space<vmem>>
        %dma_start3A_65 = arith.constant 0 : i32
        %dma_start3A_66 = arith.constant 0 : i32
        %dma_start3A_67 = tpu.memref_slice %arg2[%cond3A_23, %dma_start3A_65, %dma_start3A_66] : memref<2x2500x128xi32, #tpu.memory_space<hbm>> -> memref<1x2500x128xi32, #tpu.memory_space<hbm>>
        %dma_start3A_68 = tpu.memref_squeeze %dma_start3A_67 : memref<1x2500x128xi32, #tpu.memory_space<hbm>> -> memref<2500x128xi32, #tpu.memory_space<hbm>>
        %dma_start3A_69 = arith.constant 2496 : i32
        %dma_start3A_70 = arith.constant 0 : i32
        %dma_start3A_71 = tpu.memref_slice %dma_start3A_68[%dma_start3A_69, %dma_start3A_70] : memref<2500x128xi32, #tpu.memory_space<hbm>> -> memref<4x128xi32, #tpu.memory_space<hbm>>
        %dma_start3A_72 = arith.constant 72 : i32
        %dma_start3A_73 = arith.constant 0 : i32
        %dma_start3A_74 = tpu.memref_slice %arg6[%dma_start3A_72, %dma_start3A_73] : memref<80x128xi32, #tpu.memory_space<vmem>> -> memref<4x128xi32, #tpu.memory_space<vmem>>
        %dma_start3A_75 = arith.constant 0 : i32
        %dma_start3A_76 = arith.constant 0 : i32
        %dma_start3A_77 = tpu.memref_slice %arg2[%cond3A_23, %dma_start3A_75, %dma_start3A_76] : memref<2x2500x128xi32, #tpu.memory_space<hbm>> -> memref<1x2500x128xi32, #tpu.memory_space<hbm>>
        %dma_start3A_78 = tpu.memref_squeeze %dma_start3A_77 : memref<1x2500x128xi32, #tpu.memory_space<hbm>> -> memref<2500x128xi32, #tpu.memory_space<hbm>>
        %dma_start3A_79 = arith.constant 2496 : i32
        %dma_start3A_80 = arith.constant 0 : i32
        %dma_start3A_81 = tpu.memref_slice %dma_start3A_78[%dma_start3A_79, %dma_start3A_80] : memref<2500x128xi32, #tpu.memory_space<hbm>> -> memref<4x128xi32, #tpu.memory_space<hbm>>
        tpu.enqueue_dma source(%dma_start3A_81 : memref<4x128xi32, #tpu.memory_space<hbm>>) target(%dma_start3A_74 : memref<4x128xi32, #tpu.memory_space<vmem>>) target_semaphore(%run_scoped3A : memref<!tpu.dma_semaphore, #tpu.memory_space<semaphore_mem>>)
        %dma_wait3A = arith.constant 72 : i32
        %dma_wait3A_82 = arith.constant 0 : i32
        %dma_wait3A_83 = tpu.memref_slice %arg6[%dma_wait3A, %dma_wait3A_82] : memref<80x128xi32, #tpu.memory_space<vmem>> -> memref<4x128xi32, #tpu.memory_space<vmem>>
        %dma_wait3A_84 = arith.constant 0 : i32
        %dma_wait3A_85 = arith.constant 0 : i32
        %dma_wait3A_86 = tpu.memref_slice %arg2[%cond3A_23, %dma_wait3A_84, %dma_wait3A_85] : memref<2x2500x128xi32, #tpu.memory_space<hbm>> -> memref<1x2500x128xi32, #tpu.memory_space<hbm>>
        %dma_wait3A_87 = tpu.memref_squeeze %dma_wait3A_86 : memref<1x2500x128xi32, #tpu.memory_space<hbm>> -> memref<2500x128xi32, #tpu.memory_space<hbm>>
        %dma_wait3A_88 = arith.constant 2496 : i32
        %dma_wait3A_89 = arith.constant 0 : i32
        %dma_wait3A_90 = tpu.memref_slice %dma_wait3A_87[%dma_wait3A_88, %dma_wait3A_89] : memref<2500x128xi32, #tpu.memory_space<hbm>> -> memref<4x128xi32, #tpu.memory_space<hbm>>
        %dma_wait3A_91 = arith.constant 72 : i32
        %dma_wait3A_92 = arith.constant 0 : i32
        %dma_wait3A_93 = tpu.memref_slice %arg6[%dma_wait3A_91, %dma_wait3A_92] : memref<80x128xi32, #tpu.memory_space<vmem>> -> memref<4x128xi32, #tpu.memory_space<vmem>>
        %dma_wait3A_94 = arith.constant 0 : i32
        %dma_wait3A_95 = arith.constant 0 : i32
        %dma_wait3A_96 = tpu.memref_slice %arg2[%cond3A_23, %dma_wait3A_94, %dma_wait3A_95] : memref<2x2500x128xi32, #tpu.memory_space<hbm>> -> memref<1x2500x128xi32, #tpu.memory_space<hbm>>
        %dma_wait3A_97 = tpu.memref_squeeze %dma_wait3A_96 : memref<1x2500x128xi32, #tpu.memory_space<hbm>> -> memref<2500x128xi32, #tpu.memory_space<hbm>>
        %dma_wait3A_98 = arith.constant 2496 : i32
        %dma_wait3A_99 = arith.constant 0 : i32
        %dma_wait3A_100 = tpu.memref_slice %dma_wait3A_97[%dma_wait3A_98, %dma_wait3A_99] : memref<2500x128xi32, #tpu.memory_space<hbm>> -> memref<4x128xi32, #tpu.memory_space<hbm>>
        tpu.wait_dma2 semaphore(%run_scoped3A : memref<!tpu.dma_semaphore, #tpu.memory_space<semaphore_mem>>) src(%dma_wait3A_100 : memref<4x128xi32, #tpu.memory_space<hbm>>) dst(%dma_wait3A_93 : memref<4x128xi32, #tpu.memory_space<vmem>>)
        tpu.yield
      }) : () -> ()
    } else {
    }
    %lt3A_26 = arith.constant 24 : i32
    %lt3A_27 = arith.cmpi slt, %add3A, %lt3A_26 : i32
    %eq3A_28 = arith.constant 31 : i32
    %eq3A_29 = arith.cmpi eq, %add3A, %eq3A_28 : i32
    %jit3A = arith.constant 76 : i32
    %jit3A_30 = arith.constant 72 : i32
    %select_n3A_31 = arith.select %eq3A_29, %jit3A, %jit3A_30 : i32
    %jit3A_32 = arith.constant 80 : i32
    %select_n3A_33 = arith.select %lt3A_27, %jit3A_32, %select_n3A_31 : i32
    %scan3A = arith.constant 0 : i32
    %scan3A_34 = arith.constant 8 : i32
    %scan3A_35 = arith.addi %scan3A, %scan3A_34 : i32
    %scan3A_36 = arith.constant 1 : i32
    scf.for %scan3A_63 = %scan3A to %scan3A_35 step %scan3A_36  : i32 {
      %mul3A_64 = arith.constant 1 : i32
      %mul3A_65 = arith.muli %scan3A_63, %mul3A_64 : i32
      %add3A_66 = arith.constant 0 : i32
      %add3A_67 = arith.addi %add3A_66, %mul3A_65 : i32
      %broadcast_in_dim3A = arith.constant 1.000000e+00 : f32
      %broadcast_in_dim3A_68 = vector.broadcast %broadcast_in_dim3A : f32 to vector<16xf32>
      %mul3A_69 = arith.constant 16 : i32
      %mul3A_70 = arith.muli %add3A_67, %mul3A_69 : i32
      %swap3A = arith.index_cast %mul3A_70 : i32 to index
      %swap3A_71 = tpu.vector_load %arg7[%swap3A] {strides = array<i32>} : memref<128xf32, #tpu.memory_space<vmem>>, vector<16xf32>,
      %swap3A_72 = vector.shape_cast %swap3A_71 : vector<16xf32> to vector<16xf32>
      %swap3A_73 = vector.shape_cast %broadcast_in_dim3A_68 : vector<16xf32> to vector<16xf32>
      tpu.vector_store %arg7[%swap3A], %swap3A_73 {strides = array<i32>} : memref<128xf32, #tpu.memory_space<vmem>>, vector<16xf32>,
    }
    %scan3A_37 = arith.constant 8 : i32
    %scan3A_38 = arith.constant 0 : i32
    %scan3A_39 = arith.constant 40 : i32
    %scan3A_40 = arith.addi %scan3A_38, %scan3A_39 : i32
    %scan3A_41 = arith.constant 1 : i32
    scf.for %scan3A_63 = %scan3A_38 to %scan3A_40 step %scan3A_41  : i32 {
      %mul3A_64 = arith.constant 1 : i32
      %mul3A_65 = arith.muli %scan3A_63, %mul3A_64 : i32
      %add3A_66 = arith.constant 0 : i32
      %add3A_67 = arith.addi %add3A_66, %mul3A_65 : i32
      %broadcast_in_dim3A = arith.constant 0.000000e+00 : f32
      %broadcast_in_dim3A_68 = vector.broadcast %broadcast_in_dim3A : f32 to vector<16xf32>
      %mul3A_69 = arith.constant 16 : i32
      %mul3A_70 = arith.muli %add3A_67, %mul3A_69 : i32
      %swap3A = arith.index_cast %mul3A_70 : i32 to index
      %swap3A_71 = tpu.vector_load %arg8[%swap3A] {strides = array<i32>} : memref<640xf32, #tpu.memory_space<vmem>>, vector<16xf32>,
      %swap3A_72 = vector.shape_cast %swap3A_71 : vector<16xf32> to vector<16xf32>
      %swap3A_73 = vector.shape_cast %broadcast_in_dim3A_68 : vector<16xf32> to vector<16xf32>
      tpu.vector_store %arg8[%swap3A], %swap3A_73 {strides = array<i32>} : memref<640xf32, #tpu.memory_space<vmem>>, vector<16xf32>,
    }
    %scan3A_42 = arith.constant 40 : i32
    %mul3A_43 = arith.constant 640 : i32
    %mul3A_44 = arith.muli %arg1, %mul3A_43 : i32
    "tpu.region"() ({
      %run_scoped3A = tpu.sem_alloc : memref<!tpu.dma_semaphore, #tpu.memory_space<semaphore_mem>>
      %dma_start3A = tpu.memref_slice %arg9[%mul3A_44] : memref<10240xf32, #tpu.memory_space<vmem_shared>> -> memref<640xf32, #tpu.memory_space<vmem_shared>>
      %dma_start3A_63 = tpu.memref_slice %arg9[%mul3A_44] : memref<10240xf32, #tpu.memory_space<vmem_shared>> -> memref<640xf32, #tpu.memory_space<vmem_shared>>
      tpu.enqueue_dma source(%arg8 : memref<640xf32, #tpu.memory_space<vmem>>) target(%dma_start3A_63 : memref<640xf32, #tpu.memory_space<vmem_shared>>) target_semaphore(%run_scoped3A : memref<!tpu.dma_semaphore, #tpu.memory_space<semaphore_mem>>)
      %dma_wait3A = tpu.memref_slice %arg9[%mul3A_44] : memref<10240xf32, #tpu.memory_space<vmem_shared>> -> memref<640xf32, #tpu.memory_space<vmem_shared>>
      %dma_wait3A_64 = tpu.memref_slice %arg9[%mul3A_44] : memref<10240xf32, #tpu.memory_space<vmem_shared>> -> memref<640xf32, #tpu.memory_space<vmem_shared>>
      tpu.wait_dma2 semaphore(%run_scoped3A : memref<!tpu.dma_semaphore, #tpu.memory_space<semaphore_mem>>) src(%arg8 : memref<640xf32, #tpu.memory_space<vmem>>) dst(%dma_wait3A_64 : memref<640xf32, #tpu.memory_space<vmem_shared>>)
      tpu.yield
    }) : () -> ()
    "tpu.region"() ({
      %run_scoped3A = tpu.sem_alloc : memref<!tpu.dma_semaphore, #tpu.memory_space<semaphore_mem>>
      %dma_start3A = tpu.memref_slice %arg10[%mul3A_44] : memref<10240xf32, #tpu.memory_space<vmem_shared>> -> memref<640xf32, #tpu.memory_space<vmem_shared>>
      %dma_start3A_63 = tpu.memref_slice %arg10[%mul3A_44] : memref<10240xf32, #tpu.memory_space<vmem_shared>> -> memref<640xf32, #tpu.memory_space<vmem_shared>>
      tpu.enqueue_dma source(%arg8 : memref<640xf32, #tpu.memory_space<vmem>>) target(%dma_start3A_63 : memref<640xf32, #tpu.memory_space<vmem_shared>>) target_semaphore(%run_scoped3A : memref<!tpu.dma_semaphore, #tpu.memory_space<semaphore_mem>>)
      %dma_wait3A = tpu.memref_slice %arg10[%mul3A_44] : memref<10240xf32, #tpu.memory_space<vmem_shared>> -> memref<640xf32, #tpu.memory_space<vmem_shared>>
      %dma_wait3A_64 = tpu.memref_slice %arg10[%mul3A_44] : memref<10240xf32, #tpu.memory_space<vmem_shared>> -> memref<640xf32, #tpu.memory_space<vmem_shared>>
      tpu.wait_dma2 semaphore(%run_scoped3A : memref<!tpu.dma_semaphore, #tpu.memory_space<semaphore_mem>>) src(%arg8 : memref<640xf32, #tpu.memory_space<vmem>>) dst(%dma_wait3A_64 : memref<640xf32, #tpu.memory_space<vmem_shared>>)
      tpu.yield
    }) : () -> ()
    %barrier3A = arith.constant 0 : index
    tpu.barrier barrier_id(%barrier3A)
    %sub3A_45 = arith.constant 0 : i32
    %sub3A_46 = arith.subi %select_n3A_33, %sub3A_45 : i32
    %sub3A_47 = arith.constant 1 : i32
    %sub3A_48 = arith.constant 1 : i32
    %sub3A_49 = arith.subi %sub3A_47, %sub3A_48 : i32
    %add3A_50 = arith.addi %sub3A_46, %sub3A_49 : i32
    %div3A = arith.constant 1 : i32
    %div3A_51 = arith.divsi %add3A_50, %div3A : i32
    %while3A = arith.constant 1 : i32
    %while3A_52 = arith.constant 0 : i32
    %while3A_53 = arith.constant 0 : i32
    %while3A_54 = arith.subi %div3A_51, %while3A_53 : i32
    %while3A_55 = arith.addi %while3A_53, %while3A_54 : i32
    %while3A_56 = arith.constant 1 : i32
    %while3A_57 = arith.divsi %while3A_54, %while3A_56 : i32
    %while3A_58 = arith.muli %while3A_57, %while3A_56 : i32
    %while3A_59 = arith.addi %while3A_53, %while3A_58 : i32
    %while3A_60 = arith.constant 1 : i32
    scf.for %while3A_63 = %while3A_53 to %while3A_59 step %while3A_60  : i32 {
      %mul3A_64 = arith.muli %while3A_63, %while3A : i32
      %add3A_65 = arith.addi %while3A_52, %mul3A_64 : i32
      %dma_start3A = arith.constant 0 : i32
      %dma_start3A_66 = tpu.memref_slice %arg5[%add3A_65, %dma_start3A] : memref<80x128xi32, #tpu.memory_space<vmem>> -> memref<1x128xi32, #tpu.memory_space<vmem>>
      %dma_start3A_67 = tpu.memref_squeeze %dma_start3A_66 : memref<1x128xi32, #tpu.memory_space<vmem>> -> memref<128xi32, #tpu.memory_space<vmem>>
      %dma_start3A_68 = arith.constant 0 : i32
      %dma_start3A_69 = tpu.memref_slice %arg9[%dma_start3A_68] : memref<10240xf32, #tpu.memory_space<vmem_shared>> -> memref<10240xf32, #tpu.memory_space<vmem_shared>>
      tpu.enqueue_indirect_dma source(%arg7 : memref<128xf32, #tpu.memory_space<vmem>>) target(%dma_start3A_69 : memref<10240xf32, #tpu.memory_space<vmem_shared>>) offsets(%dma_start3A_67 : memref<128xi32, #tpu.memory_space<vmem>>) semaphore(%arg11 : memref<!tpu.dma_semaphore, #tpu.memory_space<semaphore_mem>>) {add = true}
      %dma_start3A_70 = arith.constant 0 : i32
      %dma_start3A_71 = tpu.memref_slice %arg6[%add3A_65, %dma_start3A_70] : memref<80x128xi32, #tpu.memory_space<vmem>> -> memref<1x128xi32, #tpu.memory_space<vmem>>
      %dma_start3A_72 = tpu.memref_squeeze %dma_start3A_71 : memref<1x128xi32, #tpu.memory_space<vmem>> -> memref<128xi32, #tpu.memory_space<vmem>>
      %dma_start3A_73 = arith.constant 0 : i32
      %dma_start3A_74 = tpu.memref_slice %arg10[%dma_start3A_73] : memref<10240xf32, #tpu.memory_space<vmem_shared>> -> memref<10240xf32, #tpu.memory_space<vmem_shared>>
      tpu.enqueue_indirect_dma source(%arg7 : memref<128xf32, #tpu.memory_space<vmem>>) target(%dma_start3A_74 : memref<10240xf32, #tpu.memory_space<vmem_shared>>) offsets(%dma_start3A_72 : memref<128xi32, #tpu.memory_space<vmem>>) semaphore(%arg12 : memref<!tpu.dma_semaphore, #tpu.memory_space<semaphore_mem>>) {add = true}
      %dma_wait3A = arith.constant 0 : i32
      %dma_wait3A_75 = tpu.memref_slice %arg5[%add3A_65, %dma_wait3A] : memref<80x128xi32, #tpu.memory_space<vmem>> -> memref<1x128xi32, #tpu.memory_space<vmem>>
      %dma_wait3A_76 = tpu.memref_squeeze %dma_wait3A_75 : memref<1x128xi32, #tpu.memory_space<vmem>> -> memref<128xi32, #tpu.memory_space<vmem>>
      %dma_wait3A_77 = arith.constant 0 : i32
      %dma_wait3A_78 = tpu.memref_slice %arg9[%dma_wait3A_77] : memref<10240xf32, #tpu.memory_space<vmem_shared>> -> memref<10240xf32, #tpu.memory_space<vmem_shared>>
      tpu.wait_indirect_dma semaphore(%arg11 : memref<!tpu.dma_semaphore, #tpu.memory_space<semaphore_mem>>) src(%arg7 : memref<128xf32, #tpu.memory_space<vmem>>) dst(%dma_wait3A_78 : memref<10240xf32, #tpu.memory_space<vmem_shared>>)
      %dma_wait3A_79 = arith.constant 0 : i32
      %dma_wait3A_80 = tpu.memref_slice %arg6[%add3A_65, %dma_wait3A_79] : memref<80x128xi32, #tpu.memory_space<vmem>> -> memref<1x128xi32, #tpu.memory_space<vmem>>
      %dma_wait3A_81 = tpu.memref_squeeze %dma_wait3A_80 : memref<1x128xi32, #tpu.memory_space<vmem>> -> memref<128xi32, #tpu.memory_space<vmem>>
      %dma_wait3A_82 = arith.constant 0 : i32
      %dma_wait3A_83 = tpu.memref_slice %arg10[%dma_wait3A_82] : memref<10240xf32, #tpu.memory_space<vmem_shared>> -> memref<10240xf32, #tpu.memory_space<vmem_shared>>
      tpu.wait_indirect_dma semaphore(%arg12 : memref<!tpu.dma_semaphore, #tpu.memory_space<semaphore_mem>>) src(%arg7 : memref<128xf32, #tpu.memory_space<vmem>>) dst(%dma_wait3A_83 : memref<10240xf32, #tpu.memory_space<vmem_shared>>)
    }
    %while3A_61 = arith.constant 1 : i32
    scf.for %while3A_63 = %while3A_59 to %while3A_55 step %while3A_61  : i32 {
      %mul3A_64 = arith.muli %while3A_63, %while3A : i32
      %add3A_65 = arith.addi %while3A_52, %mul3A_64 : i32
      %dma_start3A = arith.constant 0 : i32
      %dma_start3A_66 = tpu.memref_slice %arg5[%add3A_65, %dma_start3A] : memref<80x128xi32, #tpu.memory_space<vmem>> -> memref<1x128xi32, #tpu.memory_space<vmem>>
      %dma_start3A_67 = tpu.memref_squeeze %dma_start3A_66 : memref<1x128xi32, #tpu.memory_space<vmem>> -> memref<128xi32, #tpu.memory_space<vmem>>
      %dma_start3A_68 = arith.constant 0 : i32
      %dma_start3A_69 = tpu.memref_slice %arg9[%dma_start3A_68] : memref<10240xf32, #tpu.memory_space<vmem_shared>> -> memref<10240xf32, #tpu.memory_space<vmem_shared>>
      tpu.enqueue_indirect_dma source(%arg7 : memref<128xf32, #tpu.memory_space<vmem>>) target(%dma_start3A_69 : memref<10240xf32, #tpu.memory_space<vmem_shared>>) offsets(%dma_start3A_67 : memref<128xi32, #tpu.memory_space<vmem>>) semaphore(%arg11 : memref<!tpu.dma_semaphore, #tpu.memory_space<semaphore_mem>>) {add = true}
      %dma_start3A_70 = arith.constant 0 : i32
      %dma_start3A_71 = tpu.memref_slice %arg6[%add3A_65, %dma_start3A_70] : memref<80x128xi32, #tpu.memory_space<vmem>> -> memref<1x128xi32, #tpu.memory_space<vmem>>
      %dma_start3A_72 = tpu.memref_squeeze %dma_start3A_71 : memref<1x128xi32, #tpu.memory_space<vmem>> -> memref<128xi32, #tpu.memory_space<vmem>>
      %dma_start3A_73 = arith.constant 0 : i32
      %dma_start3A_74 = tpu.memref_slice %arg10[%dma_start3A_73] : memref<10240xf32, #tpu.memory_space<vmem_shared>> -> memref<10240xf32, #tpu.memory_space<vmem_shared>>
      tpu.enqueue_indirect_dma source(%arg7 : memref<128xf32, #tpu.memory_space<vmem>>) target(%dma_start3A_74 : memref<10240xf32, #tpu.memory_space<vmem_shared>>) offsets(%dma_start3A_72 : memref<128xi32, #tpu.memory_space<vmem>>) semaphore(%arg12 : memref<!tpu.dma_semaphore, #tpu.memory_space<semaphore_mem>>) {add = true}
      %dma_wait3A = arith.constant 0 : i32
      %dma_wait3A_75 = tpu.memref_slice %arg5[%add3A_65, %dma_wait3A] : memref<80x128xi32, #tpu.memory_space<vmem>> -> memref<1x128xi32, #tpu.memory_space<vmem>>
      %dma_wait3A_76 = tpu.memref_squeeze %dma_wait3A_75 : memref<1x128xi32, #tpu.memory_space<vmem>> -> memref<128xi32, #tpu.memory_space<vmem>>
      %dma_wait3A_77 = arith.constant 0 : i32
      %dma_wait3A_78 = tpu.memref_slice %arg9[%dma_wait3A_77] : memref<10240xf32, #tpu.memory_space<vmem_shared>> -> memref<10240xf32, #tpu.memory_space<vmem_shared>>
      tpu.wait_indirect_dma semaphore(%arg11 : memref<!tpu.dma_semaphore, #tpu.memory_space<semaphore_mem>>) src(%arg7 : memref<128xf32, #tpu.memory_space<vmem>>) dst(%dma_wait3A_78 : memref<10240xf32, #tpu.memory_space<vmem_shared>>)
      %dma_wait3A_79 = arith.constant 0 : i32
      %dma_wait3A_80 = tpu.memref_slice %arg6[%add3A_65, %dma_wait3A_79] : memref<80x128xi32, #tpu.memory_space<vmem>> -> memref<1x128xi32, #tpu.memory_space<vmem>>
      %dma_wait3A_81 = tpu.memref_squeeze %dma_wait3A_80 : memref<1x128xi32, #tpu.memory_space<vmem>> -> memref<128xi32, #tpu.memory_space<vmem>>
      %dma_wait3A_82 = arith.constant 0 : i32
      %dma_wait3A_83 = tpu.memref_slice %arg10[%dma_wait3A_82] : memref<10240xf32, #tpu.memory_space<vmem_shared>> -> memref<10240xf32, #tpu.memory_space<vmem_shared>>
      tpu.wait_indirect_dma semaphore(%arg12 : memref<!tpu.dma_semaphore, #tpu.memory_space<semaphore_mem>>) src(%arg7 : memref<128xf32, #tpu.memory_space<vmem>>) dst(%dma_wait3A_83 : memref<10240xf32, #tpu.memory_space<vmem_shared>>)
    }
    %barrier3A_62 = arith.constant 0 : index
    tpu.barrier barrier_id(%barrier3A_62)
    "tpu.region"() ({
      %run_scoped3A = tpu.sem_alloc : memref<!tpu.dma_semaphore, #tpu.memory_space<semaphore_mem>>
      %dma_start3A = arith.constant 0 : i32
      %dma_start3A_63 = tpu.memref_slice %arg3[%arg0, %dma_start3A] : memref<2x10240xf32, #tpu.memory_space<hbm>> -> memref<1x10240xf32, #tpu.memory_space<hbm>>
      %dma_start3A_64 = tpu.memref_squeeze %dma_start3A_63 : memref<1x10240xf32, #tpu.memory_space<hbm>> -> memref<10240xf32, #tpu.memory_space<hbm>>
      %dma_start3A_65 = tpu.memref_slice %dma_start3A_64[%mul3A_44] : memref<10240xf32, #tpu.memory_space<hbm>> -> memref<640xf32, #tpu.memory_space<hbm>>
      %dma_start3A_66 = tpu.memref_slice %arg9[%mul3A_44] : memref<10240xf32, #tpu.memory_space<vmem_shared>> -> memref<640xf32, #tpu.memory_space<vmem_shared>>
      tpu.enqueue_dma source(%dma_start3A_66 : memref<640xf32, #tpu.memory_space<vmem_shared>>) target(%dma_start3A_65 : memref<640xf32, #tpu.memory_space<hbm>>) target_semaphore(%run_scoped3A : memref<!tpu.dma_semaphore, #tpu.memory_space<semaphore_mem>>)
      %dma_wait3A = arith.constant 0 : i32
      %dma_wait3A_67 = tpu.memref_slice %arg3[%arg0, %dma_wait3A] : memref<2x10240xf32, #tpu.memory_space<hbm>> -> memref<1x10240xf32, #tpu.memory_space<hbm>>
      %dma_wait3A_68 = tpu.memref_squeeze %dma_wait3A_67 : memref<1x10240xf32, #tpu.memory_space<hbm>> -> memref<10240xf32, #tpu.memory_space<hbm>>
      %dma_wait3A_69 = tpu.memref_slice %dma_wait3A_68[%mul3A_44] : memref<10240xf32, #tpu.memory_space<hbm>> -> memref<640xf32, #tpu.memory_space<hbm>>
      %dma_wait3A_70 = tpu.memref_slice %arg9[%mul3A_44] : memref<10240xf32, #tpu.memory_space<vmem_shared>> -> memref<640xf32, #tpu.memory_space<vmem_shared>>
      tpu.wait_dma2 semaphore(%run_scoped3A : memref<!tpu.dma_semaphore, #tpu.memory_space<semaphore_mem>>) src(%dma_wait3A_70 : memref<640xf32, #tpu.memory_space<vmem_shared>>) dst(%dma_wait3A_69 : memref<640xf32, #tpu.memory_space<hbm>>)
      tpu.yield
    }) : () -> ()
    "tpu.region"() ({
      %run_scoped3A = tpu.sem_alloc : memref<!tpu.dma_semaphore, #tpu.memory_space<semaphore_mem>>
      %dma_start3A = arith.constant 0 : i32
      %dma_start3A_63 = tpu.memref_slice %arg4[%arg0, %dma_start3A] : memref<2x10240xf32, #tpu.memory_space<hbm>> -> memref<1x10240xf32, #tpu.memory_space<hbm>>
      %dma_start3A_64 = tpu.memref_squeeze %dma_start3A_63 : memref<1x10240xf32, #tpu.memory_space<hbm>> -> memref<10240xf32, #tpu.memory_space<hbm>>
      %dma_start3A_65 = tpu.memref_slice %dma_start3A_64[%mul3A_44] : memref<10240xf32, #tpu.memory_space<hbm>> -> memref<640xf32, #tpu.memory_space<hbm>>
      %dma_start3A_66 = tpu.memref_slice %arg10[%mul3A_44] : memref<10240xf32, #tpu.memory_space<vmem_shared>> -> memref<640xf32, #tpu.memory_space<vmem_shared>>
      tpu.enqueue_dma source(%dma_start3A_66 : memref<640xf32, #tpu.memory_space<vmem_shared>>) target(%dma_start3A_65 : memref<640xf32, #tpu.memory_space<hbm>>) target_semaphore(%run_scoped3A : memref<!tpu.dma_semaphore, #tpu.memory_space<semaphore_mem>>)
      %dma_wait3A = arith.constant 0 : i32
      %dma_wait3A_67 = tpu.memref_slice %arg4[%arg0, %dma_wait3A] : memref<2x10240xf32, #tpu.memory_space<hbm>> -> memref<1x10240xf32, #tpu.memory_space<hbm>>
      %dma_wait3A_68 = tpu.memref_squeeze %dma_wait3A_67 : memref<1x10240xf32, #tpu.memory_space<hbm>> -> memref<10240xf32, #tpu.memory_space<hbm>>
      %dma_wait3A_69 = tpu.memref_slice %dma_wait3A_68[%mul3A_44] : memref<10240xf32, #tpu.memory_space<hbm>> -> memref<640xf32, #tpu.memory_space<hbm>>
      %dma_wait3A_70 = tpu.memref_slice %arg10[%mul3A_44] : memref<10240xf32, #tpu.memory_space<vmem_shared>> -> memref<640xf32, #tpu.memory_space<vmem_shared>>
      tpu.wait_dma2 semaphore(%run_scoped3A : memref<!tpu.dma_semaphore, #tpu.memory_space<semaphore_mem>>) src(%dma_wait3A_70 : memref<640xf32, #tpu.memory_space<vmem_shared>>) dst(%dma_wait3A_69 : memref<640xf32, #tpu.memory_space<hbm>>)
      tpu.yield
    }) : () -> ()
    return
  }
}

#map = affine_map<(d0, d1) -> (0, 0)>
#map1 = affine_map<(d0, d1) -> (0, 0, 0)>
module attributes {stable_mosaic.version = 14 : i64} {
  func.func @_agg_kernel(%arg0: i32, %arg1: i32, %arg2: memref<10000x128xf32, #tpu.memory_space<hbm>>, %arg3: memref<2x2500x128xi32, #tpu.memory_space<hbm>>, %arg4: memref<2x10240x128xf32, #tpu.memory_space<hbm>>, %arg5: memref<40x128xi32, #tpu.memory_space<vmem>>, %arg6: memref<40x128xi32, #tpu.memory_space<vmem>>, %arg7: memref<128x128xf32, #tpu.memory_space<vmem>>, %arg8: memref<128x128xf32, #tpu.memory_space<vmem>>, %arg9: memref<10240x128xf32, #tpu.memory_space<vmem_shared>>, %arg10: memref<!tpu.dma_semaphore, #tpu.memory_space<semaphore_mem>>, %arg11: memref<!tpu.dma_semaphore, #tpu.memory_space<semaphore_mem>>) attributes {dimension_semantics = [#tpu.dimension_semantics<core_parallel>, #tpu.dimension_semantics<subcore_parallel>], iteration_bounds = array<i64: 2, 16>, scalar_prefetch = 0 : i64, scratch_operands = 7 : i64, tpu.core_type = #tpu.core_type<sc_vector_subcore>, window_params = [{transform_indices = #map}, {transform_indices = #map1}, {transform_indices = #map1}]} {
    %mul3A = arith.constant 2 : i32
    %mul3A_0 = arith.muli %arg1, %mul3A : i32
    %add3A = arith.addi %mul3A_0, %arg0 : i32
    %lt3A = arith.constant 24 : i32
    %lt3A_1 = arith.cmpi slt, %add3A, %lt3A : i32
    %mul3A_2 = arith.constant 80 : i32
    %mul3A_3 = arith.muli %add3A, %mul3A_2 : i32
    %sub3A = arith.constant 24 : i32
    %sub3A_4 = arith.subi %add3A, %sub3A : i32
    %mul3A_5 = arith.constant 72 : i32
    %mul3A_6 = arith.muli %sub3A_4, %mul3A_5 : i32
    %add3A_7 = arith.constant 1920 : i32
    %add3A_8 = arith.addi %add3A_7, %mul3A_6 : i32
    %select_n3A = arith.select %lt3A_1, %mul3A_3, %add3A_8 : i32
    %scan3A = arith.constant 0 : i32
    %scan3A_9 = arith.constant 128 : i32
    %scan3A_10 = arith.addi %scan3A, %scan3A_9 : i32
    %scan3A_11 = arith.constant 1 : i32
    scf.for %scan3A_91 = %scan3A to %scan3A_10 step %scan3A_11  : i32 {
      %mul3A_92 = arith.constant 1 : i32
      %mul3A_93 = arith.muli %scan3A_91, %mul3A_92 : i32
      %add3A_94 = arith.constant 0 : i32
      %add3A_95 = arith.addi %add3A_94, %mul3A_93 : i32
      %broadcast_in_dim3A = arith.constant 0.000000e+00 : f32
      %broadcast_in_dim3A_96 = vector.broadcast %broadcast_in_dim3A : f32 to vector<16xf32>
      %swap3A = arith.index_cast %add3A_95 : i32 to index
      %swap3A_97 = arith.constant 0 : index
      %swap3A_98 = tpu.vector_load %arg7[%swap3A, %swap3A_97] {strides = array<i32>} : memref<128x128xf32, #tpu.memory_space<vmem>>, vector<1x16xf32>,
      %swap3A_99 = vector.shape_cast %swap3A_98 : vector<1x16xf32> to vector<16xf32>
      %swap3A_100 = vector.shape_cast %broadcast_in_dim3A_96 : vector<16xf32> to vector<1x16xf32>
      tpu.vector_store %arg7[%swap3A, %swap3A_97], %swap3A_100 {strides = array<i32>} : memref<128x128xf32, #tpu.memory_space<vmem>>, vector<1x16xf32>,
      %broadcast_in_dim3A_101 = arith.constant 0.000000e+00 : f32
      %broadcast_in_dim3A_102 = vector.broadcast %broadcast_in_dim3A_101 : f32 to vector<16xf32>
      %swap3A_103 = arith.index_cast %add3A_95 : i32 to index
      %swap3A_104 = arith.constant 16 : index
      %swap3A_105 = tpu.vector_load %arg7[%swap3A_103, %swap3A_104] {strides = array<i32>} : memref<128x128xf32, #tpu.memory_space<vmem>>, vector<1x16xf32>,
      %swap3A_106 = vector.shape_cast %swap3A_105 : vector<1x16xf32> to vector<16xf32>
      %swap3A_107 = vector.shape_cast %broadcast_in_dim3A_102 : vector<16xf32> to vector<1x16xf32>
      tpu.vector_store %arg7[%swap3A_103, %swap3A_104], %swap3A_107 {strides = array<i32>} : memref<128x128xf32, #tpu.memory_space<vmem>>, vector<1x16xf32>,
      %broadcast_in_dim3A_108 = arith.constant 0.000000e+00 : f32
      %broadcast_in_dim3A_109 = vector.broadcast %broadcast_in_dim3A_108 : f32 to vector<16xf32>
      %swap3A_110 = arith.index_cast %add3A_95 : i32 to index
      %swap3A_111 = arith.constant 32 : index
      %swap3A_112 = tpu.vector_load %arg7[%swap3A_110, %swap3A_111] {strides = array<i32>} : memref<128x128xf32, #tpu.memory_space<vmem>>, vector<1x16xf32>,
      %swap3A_113 = vector.shape_cast %swap3A_112 : vector<1x16xf32> to vector<16xf32>
      %swap3A_114 = vector.shape_cast %broadcast_in_dim3A_109 : vector<16xf32> to vector<1x16xf32>
      tpu.vector_store %arg7[%swap3A_110, %swap3A_111], %swap3A_114 {strides = array<i32>} : memref<128x128xf32, #tpu.memory_space<vmem>>, vector<1x16xf32>,
      %broadcast_in_dim3A_115 = arith.constant 0.000000e+00 : f32
      %broadcast_in_dim3A_116 = vector.broadcast %broadcast_in_dim3A_115 : f32 to vector<16xf32>
      %swap3A_117 = arith.index_cast %add3A_95 : i32 to index
      %swap3A_118 = arith.constant 48 : index
      %swap3A_119 = tpu.vector_load %arg7[%swap3A_117, %swap3A_118] {strides = array<i32>} : memref<128x128xf32, #tpu.memory_space<vmem>>, vector<1x16xf32>,
      %swap3A_120 = vector.shape_cast %swap3A_119 : vector<1x16xf32> to vector<16xf32>
      %swap3A_121 = vector.shape_cast %broadcast_in_dim3A_116 : vector<16xf32> to vector<1x16xf32>
      tpu.vector_store %arg7[%swap3A_117, %swap3A_118], %swap3A_121 {strides = array<i32>} : memref<128x128xf32, #tpu.memory_space<vmem>>, vector<1x16xf32>,
      %broadcast_in_dim3A_122 = arith.constant 0.000000e+00 : f32
      %broadcast_in_dim3A_123 = vector.broadcast %broadcast_in_dim3A_122 : f32 to vector<16xf32>
      %swap3A_124 = arith.index_cast %add3A_95 : i32 to index
      %swap3A_125 = arith.constant 64 : index
      %swap3A_126 = tpu.vector_load %arg7[%swap3A_124, %swap3A_125] {strides = array<i32>} : memref<128x128xf32, #tpu.memory_space<vmem>>, vector<1x16xf32>,
      %swap3A_127 = vector.shape_cast %swap3A_126 : vector<1x16xf32> to vector<16xf32>
      %swap3A_128 = vector.shape_cast %broadcast_in_dim3A_123 : vector<16xf32> to vector<1x16xf32>
      tpu.vector_store %arg7[%swap3A_124, %swap3A_125], %swap3A_128 {strides = array<i32>} : memref<128x128xf32, #tpu.memory_space<vmem>>, vector<1x16xf32>,
      %broadcast_in_dim3A_129 = arith.constant 0.000000e+00 : f32
      %broadcast_in_dim3A_130 = vector.broadcast %broadcast_in_dim3A_129 : f32 to vector<16xf32>
      %swap3A_131 = arith.index_cast %add3A_95 : i32 to index
      %swap3A_132 = arith.constant 80 : index
      %swap3A_133 = tpu.vector_load %arg7[%swap3A_131, %swap3A_132] {strides = array<i32>} : memref<128x128xf32, #tpu.memory_space<vmem>>, vector<1x16xf32>,
      %swap3A_134 = vector.shape_cast %swap3A_133 : vector<1x16xf32> to vector<16xf32>
      %swap3A_135 = vector.shape_cast %broadcast_in_dim3A_130 : vector<16xf32> to vector<1x16xf32>
      tpu.vector_store %arg7[%swap3A_131, %swap3A_132], %swap3A_135 {strides = array<i32>} : memref<128x128xf32, #tpu.memory_space<vmem>>, vector<1x16xf32>,
      %broadcast_in_dim3A_136 = arith.constant 0.000000e+00 : f32
      %broadcast_in_dim3A_137 = vector.broadcast %broadcast_in_dim3A_136 : f32 to vector<16xf32>
      %swap3A_138 = arith.index_cast %add3A_95 : i32 to index
      %swap3A_139 = arith.constant 96 : index
      %swap3A_140 = tpu.vector_load %arg7[%swap3A_138, %swap3A_139] {strides = array<i32>} : memref<128x128xf32, #tpu.memory_space<vmem>>, vector<1x16xf32>,
      %swap3A_141 = vector.shape_cast %swap3A_140 : vector<1x16xf32> to vector<16xf32>
      %swap3A_142 = vector.shape_cast %broadcast_in_dim3A_137 : vector<16xf32> to vector<1x16xf32>
      tpu.vector_store %arg7[%swap3A_138, %swap3A_139], %swap3A_142 {strides = array<i32>} : memref<128x128xf32, #tpu.memory_space<vmem>>, vector<1x16xf32>,
      %broadcast_in_dim3A_143 = arith.constant 0.000000e+00 : f32
      %broadcast_in_dim3A_144 = vector.broadcast %broadcast_in_dim3A_143 : f32 to vector<16xf32>
      %swap3A_145 = arith.index_cast %add3A_95 : i32 to index
      %swap3A_146 = arith.constant 112 : index
      %swap3A_147 = tpu.vector_load %arg7[%swap3A_145, %swap3A_146] {strides = array<i32>} : memref<128x128xf32, #tpu.memory_space<vmem>>, vector<1x16xf32>,
      %swap3A_148 = vector.shape_cast %swap3A_147 : vector<1x16xf32> to vector<16xf32>
      %swap3A_149 = vector.shape_cast %broadcast_in_dim3A_144 : vector<16xf32> to vector<1x16xf32>
      tpu.vector_store %arg7[%swap3A_145, %swap3A_146], %swap3A_149 {strides = array<i32>} : memref<128x128xf32, #tpu.memory_space<vmem>>, vector<1x16xf32>,
    }
    %scan3A_12 = arith.constant 128 : i32
    %mul3A_13 = arith.constant 5 : i32
    %mul3A_14 = arith.muli %arg1, %mul3A_13 : i32
    %add3A_15 = arith.constant 0 : i32
    %add3A_16 = arith.addi %mul3A_14, %add3A_15 : i32
    %mul3A_17 = arith.constant 128 : i32
    %mul3A_18 = arith.muli %add3A_16, %mul3A_17 : i32
    "tpu.region"() ({
      %run_scoped3A = tpu.sem_alloc : memref<!tpu.dma_semaphore, #tpu.memory_space<semaphore_mem>>
      %dma_start3A = arith.constant 0 : i32
      %dma_start3A_91 = tpu.memref_slice %arg9[%mul3A_18, %dma_start3A] : memref<10240x128xf32, #tpu.memory_space<vmem_shared>> -> memref<128x128xf32, #tpu.memory_space<vmem_shared>>
      %dma_start3A_92 = arith.constant 0 : i32
      %dma_start3A_93 = tpu.memref_slice %arg9[%mul3A_18, %dma_start3A_92] : memref<10240x128xf32, #tpu.memory_space<vmem_shared>> -> memref<128x128xf32, #tpu.memory_space<vmem_shared>>
      tpu.enqueue_dma source(%arg7 : memref<128x128xf32, #tpu.memory_space<vmem>>) target(%dma_start3A_93 : memref<128x128xf32, #tpu.memory_space<vmem_shared>>) target_semaphore(%run_scoped3A : memref<!tpu.dma_semaphore, #tpu.memory_space<semaphore_mem>>)
      %dma_wait3A = arith.constant 0 : i32
      %dma_wait3A_94 = tpu.memref_slice %arg9[%mul3A_18, %dma_wait3A] : memref<10240x128xf32, #tpu.memory_space<vmem_shared>> -> memref<128x128xf32, #tpu.memory_space<vmem_shared>>
      %dma_wait3A_95 = arith.constant 0 : i32
      %dma_wait3A_96 = tpu.memref_slice %arg9[%mul3A_18, %dma_wait3A_95] : memref<10240x128xf32, #tpu.memory_space<vmem_shared>> -> memref<128x128xf32, #tpu.memory_space<vmem_shared>>
      tpu.wait_dma2 semaphore(%run_scoped3A : memref<!tpu.dma_semaphore, #tpu.memory_space<semaphore_mem>>) src(%arg7 : memref<128x128xf32, #tpu.memory_space<vmem>>) dst(%dma_wait3A_96 : memref<128x128xf32, #tpu.memory_space<vmem_shared>>)
      tpu.yield
    }) : () -> ()
    %mul3A_19 = arith.constant 5 : i32
    %mul3A_20 = arith.muli %arg1, %mul3A_19 : i32
    %add3A_21 = arith.constant 1 : i32
    %add3A_22 = arith.addi %mul3A_20, %add3A_21 : i32
    %mul3A_23 = arith.constant 128 : i32
    %mul3A_24 = arith.muli %add3A_22, %mul3A_23 : i32
    "tpu.region"() ({
      %run_scoped3A = tpu.sem_alloc : memref<!tpu.dma_semaphore, #tpu.memory_space<semaphore_mem>>
      %dma_start3A = arith.constant 0 : i32
      %dma_start3A_91 = tpu.memref_slice %arg9[%mul3A_24, %dma_start3A] : memref<10240x128xf32, #tpu.memory_space<vmem_shared>> -> memref<128x128xf32, #tpu.memory_space<vmem_shared>>
      %dma_start3A_92 = arith.constant 0 : i32
      %dma_start3A_93 = tpu.memref_slice %arg9[%mul3A_24, %dma_start3A_92] : memref<10240x128xf32, #tpu.memory_space<vmem_shared>> -> memref<128x128xf32, #tpu.memory_space<vmem_shared>>
      tpu.enqueue_dma source(%arg7 : memref<128x128xf32, #tpu.memory_space<vmem>>) target(%dma_start3A_93 : memref<128x128xf32, #tpu.memory_space<vmem_shared>>) target_semaphore(%run_scoped3A : memref<!tpu.dma_semaphore, #tpu.memory_space<semaphore_mem>>)
      %dma_wait3A = arith.constant 0 : i32
      %dma_wait3A_94 = tpu.memref_slice %arg9[%mul3A_24, %dma_wait3A] : memref<10240x128xf32, #tpu.memory_space<vmem_shared>> -> memref<128x128xf32, #tpu.memory_space<vmem_shared>>
      %dma_wait3A_95 = arith.constant 0 : i32
      %dma_wait3A_96 = tpu.memref_slice %arg9[%mul3A_24, %dma_wait3A_95] : memref<10240x128xf32, #tpu.memory_space<vmem_shared>> -> memref<128x128xf32, #tpu.memory_space<vmem_shared>>
      tpu.wait_dma2 semaphore(%run_scoped3A : memref<!tpu.dma_semaphore, #tpu.memory_space<semaphore_mem>>) src(%arg7 : memref<128x128xf32, #tpu.memory_space<vmem>>) dst(%dma_wait3A_96 : memref<128x128xf32, #tpu.memory_space<vmem_shared>>)
      tpu.yield
    }) : () -> ()
    %mul3A_25 = arith.constant 5 : i32
    %mul3A_26 = arith.muli %arg1, %mul3A_25 : i32
    %add3A_27 = arith.constant 2 : i32
    %add3A_28 = arith.addi %mul3A_26, %add3A_27 : i32
    %mul3A_29 = arith.constant 128 : i32
    %mul3A_30 = arith.muli %add3A_28, %mul3A_29 : i32
    "tpu.region"() ({
      %run_scoped3A = tpu.sem_alloc : memref<!tpu.dma_semaphore, #tpu.memory_space<semaphore_mem>>
      %dma_start3A = arith.constant 0 : i32
      %dma_start3A_91 = tpu.memref_slice %arg9[%mul3A_30, %dma_start3A] : memref<10240x128xf32, #tpu.memory_space<vmem_shared>> -> memref<128x128xf32, #tpu.memory_space<vmem_shared>>
      %dma_start3A_92 = arith.constant 0 : i32
      %dma_start3A_93 = tpu.memref_slice %arg9[%mul3A_30, %dma_start3A_92] : memref<10240x128xf32, #tpu.memory_space<vmem_shared>> -> memref<128x128xf32, #tpu.memory_space<vmem_shared>>
      tpu.enqueue_dma source(%arg7 : memref<128x128xf32, #tpu.memory_space<vmem>>) target(%dma_start3A_93 : memref<128x128xf32, #tpu.memory_space<vmem_shared>>) target_semaphore(%run_scoped3A : memref<!tpu.dma_semaphore, #tpu.memory_space<semaphore_mem>>)
      %dma_wait3A = arith.constant 0 : i32
      %dma_wait3A_94 = tpu.memref_slice %arg9[%mul3A_30, %dma_wait3A] : memref<10240x128xf32, #tpu.memory_space<vmem_shared>> -> memref<128x128xf32, #tpu.memory_space<vmem_shared>>
      %dma_wait3A_95 = arith.constant 0 : i32
      %dma_wait3A_96 = tpu.memref_slice %arg9[%mul3A_30, %dma_wait3A_95] : memref<10240x128xf32, #tpu.memory_space<vmem_shared>> -> memref<128x128xf32, #tpu.memory_space<vmem_shared>>
      tpu.wait_dma2 semaphore(%run_scoped3A : memref<!tpu.dma_semaphore, #tpu.memory_space<semaphore_mem>>) src(%arg7 : memref<128x128xf32, #tpu.memory_space<vmem>>) dst(%dma_wait3A_96 : memref<128x128xf32, #tpu.memory_space<vmem_shared>>)
      tpu.yield
    }) : () -> ()
    %mul3A_31 = arith.constant 5 : i32
    %mul3A_32 = arith.muli %arg1, %mul3A_31 : i32
    %add3A_33 = arith.constant 3 : i32
    %add3A_34 = arith.addi %mul3A_32, %add3A_33 : i32
    %mul3A_35 = arith.constant 128 : i32
    %mul3A_36 = arith.muli %add3A_34, %mul3A_35 : i32
    "tpu.region"() ({
      %run_scoped3A = tpu.sem_alloc : memref<!tpu.dma_semaphore, #tpu.memory_space<semaphore_mem>>
      %dma_start3A = arith.constant 0 : i32
      %dma_start3A_91 = tpu.memref_slice %arg9[%mul3A_36, %dma_start3A] : memref<10240x128xf32, #tpu.memory_space<vmem_shared>> -> memref<128x128xf32, #tpu.memory_space<vmem_shared>>
      %dma_start3A_92 = arith.constant 0 : i32
      %dma_start3A_93 = tpu.memref_slice %arg9[%mul3A_36, %dma_start3A_92] : memref<10240x128xf32, #tpu.memory_space<vmem_shared>> -> memref<128x128xf32, #tpu.memory_space<vmem_shared>>
      tpu.enqueue_dma source(%arg7 : memref<128x128xf32, #tpu.memory_space<vmem>>) target(%dma_start3A_93 : memref<128x128xf32, #tpu.memory_space<vmem_shared>>) target_semaphore(%run_scoped3A : memref<!tpu.dma_semaphore, #tpu.memory_space<semaphore_mem>>)
      %dma_wait3A = arith.constant 0 : i32
      %dma_wait3A_94 = tpu.memref_slice %arg9[%mul3A_36, %dma_wait3A] : memref<10240x128xf32, #tpu.memory_space<vmem_shared>> -> memref<128x128xf32, #tpu.memory_space<vmem_shared>>
      %dma_wait3A_95 = arith.constant 0 : i32
      %dma_wait3A_96 = tpu.memref_slice %arg9[%mul3A_36, %dma_wait3A_95] : memref<10240x128xf32, #tpu.memory_space<vmem_shared>> -> memref<128x128xf32, #tpu.memory_space<vmem_shared>>
      tpu.wait_dma2 semaphore(%run_scoped3A : memref<!tpu.dma_semaphore, #tpu.memory_space<semaphore_mem>>) src(%arg7 : memref<128x128xf32, #tpu.memory_space<vmem>>) dst(%dma_wait3A_96 : memref<128x128xf32, #tpu.memory_space<vmem_shared>>)
      tpu.yield
    }) : () -> ()
    %mul3A_37 = arith.constant 5 : i32
    %mul3A_38 = arith.muli %arg1, %mul3A_37 : i32
    %add3A_39 = arith.constant 4 : i32
    %add3A_40 = arith.addi %mul3A_38, %add3A_39 : i32
    %mul3A_41 = arith.constant 128 : i32
    %mul3A_42 = arith.muli %add3A_40, %mul3A_41 : i32
    "tpu.region"() ({
      %run_scoped3A = tpu.sem_alloc : memref<!tpu.dma_semaphore, #tpu.memory_space<semaphore_mem>>
      %dma_start3A = arith.constant 0 : i32
      %dma_start3A_91 = tpu.memref_slice %arg9[%mul3A_42, %dma_start3A] : memref<10240x128xf32, #tpu.memory_space<vmem_shared>> -> memref<128x128xf32, #tpu.memory_space<vmem_shared>>
      %dma_start3A_92 = arith.constant 0 : i32
      %dma_start3A_93 = tpu.memref_slice %arg9[%mul3A_42, %dma_start3A_92] : memref<10240x128xf32, #tpu.memory_space<vmem_shared>> -> memref<128x128xf32, #tpu.memory_space<vmem_shared>>
      tpu.enqueue_dma source(%arg7 : memref<128x128xf32, #tpu.memory_space<vmem>>) target(%dma_start3A_93 : memref<128x128xf32, #tpu.memory_space<vmem_shared>>) target_semaphore(%run_scoped3A : memref<!tpu.dma_semaphore, #tpu.memory_space<semaphore_mem>>)
      %dma_wait3A = arith.constant 0 : i32
      %dma_wait3A_94 = tpu.memref_slice %arg9[%mul3A_42, %dma_wait3A] : memref<10240x128xf32, #tpu.memory_space<vmem_shared>> -> memref<128x128xf32, #tpu.memory_space<vmem_shared>>
      %dma_wait3A_95 = arith.constant 0 : i32
      %dma_wait3A_96 = tpu.memref_slice %arg9[%mul3A_42, %dma_wait3A_95] : memref<10240x128xf32, #tpu.memory_space<vmem_shared>> -> memref<128x128xf32, #tpu.memory_space<vmem_shared>>
      tpu.wait_dma2 semaphore(%run_scoped3A : memref<!tpu.dma_semaphore, #tpu.memory_space<semaphore_mem>>) src(%arg7 : memref<128x128xf32, #tpu.memory_space<vmem>>) dst(%dma_wait3A_96 : memref<128x128xf32, #tpu.memory_space<vmem_shared>>)
      tpu.yield
    }) : () -> ()
    %barrier3A = arith.constant 0 : index
    tpu.barrier barrier_id(%barrier3A)
    %lt3A_43 = arith.constant 24 : i32
    %lt3A_44 = arith.cmpi slt, %add3A, %lt3A_43 : i32
    %convert_element_type3A = arith.extui %lt3A_44 : i1 to i32
    %cond3A = arith.constant 0 : i32
    %cond3A_45 = arith.constant 1 : i32
    %cond3A_46 = arith.constant 0 : i32
    %cond3A_47 = arith.cmpi ne, %convert_element_type3A, %cond3A_46 : i32
    scf.if %cond3A_47 {
      %add3A_91 = arith.constant 0 : i32
      %add3A_92 = arith.addi %select_n3A, %add3A_91 : i32
      "tpu.region"() ({
        %run_scoped3A = tpu.sem_alloc : memref<!tpu.dma_semaphore, #tpu.memory_space<semaphore_mem>>
        %dma_start3A_118 = arith.constant 0 : i32
        %dma_start3A_119 = arith.constant 0 : i32
        %dma_start3A_120 = tpu.memref_slice %arg5[%dma_start3A_118, %dma_start3A_119] : memref<40x128xi32, #tpu.memory_space<vmem>> -> memref<40x128xi32, #tpu.memory_space<vmem>>
        %dma_start3A_121 = arith.constant 0 : i32
        %dma_start3A_122 = arith.constant 0 : i32
        %dma_start3A_123 = tpu.memref_slice %arg3[%cond3A, %dma_start3A_121, %dma_start3A_122] : memref<2x2500x128xi32, #tpu.memory_space<hbm>> -> memref<1x2500x128xi32, #tpu.memory_space<hbm>>
        %dma_start3A_124 = tpu.memref_squeeze %dma_start3A_123 : memref<1x2500x128xi32, #tpu.memory_space<hbm>> -> memref<2500x128xi32, #tpu.memory_space<hbm>>
        %dma_start3A_125 = arith.constant 0 : i32
        %dma_start3A_126 = tpu.memref_slice %dma_start3A_124[%add3A_92, %dma_start3A_125] : memref<2500x128xi32, #tpu.memory_space<hbm>> -> memref<40x128xi32, #tpu.memory_space<hbm>>
        %dma_start3A_127 = arith.constant 0 : i32
        %dma_start3A_128 = arith.constant 0 : i32
        %dma_start3A_129 = tpu.memref_slice %arg5[%dma_start3A_127, %dma_start3A_128] : memref<40x128xi32, #tpu.memory_space<vmem>> -> memref<40x128xi32, #tpu.memory_space<vmem>>
        %dma_start3A_130 = arith.constant 0 : i32
        %dma_start3A_131 = arith.constant 0 : i32
        %dma_start3A_132 = tpu.memref_slice %arg3[%cond3A, %dma_start3A_130, %dma_start3A_131] : memref<2x2500x128xi32, #tpu.memory_space<hbm>> -> memref<1x2500x128xi32, #tpu.memory_space<hbm>>
        %dma_start3A_133 = tpu.memref_squeeze %dma_start3A_132 : memref<1x2500x128xi32, #tpu.memory_space<hbm>> -> memref<2500x128xi32, #tpu.memory_space<hbm>>
        %dma_start3A_134 = arith.constant 0 : i32
        %dma_start3A_135 = tpu.memref_slice %dma_start3A_133[%add3A_92, %dma_start3A_134] : memref<2500x128xi32, #tpu.memory_space<hbm>> -> memref<40x128xi32, #tpu.memory_space<hbm>>
        tpu.enqueue_dma source(%dma_start3A_135 : memref<40x128xi32, #tpu.memory_space<hbm>>) target(%dma_start3A_129 : memref<40x128xi32, #tpu.memory_space<vmem>>) target_semaphore(%run_scoped3A : memref<!tpu.dma_semaphore, #tpu.memory_space<semaphore_mem>>)
        %dma_wait3A = arith.constant 0 : i32
        %dma_wait3A_136 = arith.constant 0 : i32
        %dma_wait3A_137 = tpu.memref_slice %arg5[%dma_wait3A, %dma_wait3A_136] : memref<40x128xi32, #tpu.memory_space<vmem>> -> memref<40x128xi32, #tpu.memory_space<vmem>>
        %dma_wait3A_138 = arith.constant 0 : i32
        %dma_wait3A_139 = arith.constant 0 : i32
        %dma_wait3A_140 = tpu.memref_slice %arg3[%cond3A, %dma_wait3A_138, %dma_wait3A_139] : memref<2x2500x128xi32, #tpu.memory_space<hbm>> -> memref<1x2500x128xi32, #tpu.memory_space<hbm>>
        %dma_wait3A_141 = tpu.memref_squeeze %dma_wait3A_140 : memref<1x2500x128xi32, #tpu.memory_space<hbm>> -> memref<2500x128xi32, #tpu.memory_space<hbm>>
        %dma_wait3A_142 = arith.constant 0 : i32
        %dma_wait3A_143 = tpu.memref_slice %dma_wait3A_141[%add3A_92, %dma_wait3A_142] : memref<2500x128xi32, #tpu.memory_space<hbm>> -> memref<40x128xi32, #tpu.memory_space<hbm>>
        %dma_wait3A_144 = arith.constant 0 : i32
        %dma_wait3A_145 = arith.constant 0 : i32
        %dma_wait3A_146 = tpu.memref_slice %arg5[%dma_wait3A_144, %dma_wait3A_145] : memref<40x128xi32, #tpu.memory_space<vmem>> -> memref<40x128xi32, #tpu.memory_space<vmem>>
        %dma_wait3A_147 = arith.constant 0 : i32
        %dma_wait3A_148 = arith.constant 0 : i32
        %dma_wait3A_149 = tpu.memref_slice %arg3[%cond3A, %dma_wait3A_147, %dma_wait3A_148] : memref<2x2500x128xi32, #tpu.memory_space<hbm>> -> memref<1x2500x128xi32, #tpu.memory_space<hbm>>
        %dma_wait3A_150 = tpu.memref_squeeze %dma_wait3A_149 : memref<1x2500x128xi32, #tpu.memory_space<hbm>> -> memref<2500x128xi32, #tpu.memory_space<hbm>>
        %dma_wait3A_151 = arith.constant 0 : i32
        %dma_wait3A_152 = tpu.memref_slice %dma_wait3A_150[%add3A_92, %dma_wait3A_151] : memref<2500x128xi32, #tpu.memory_space<hbm>> -> memref<40x128xi32, #tpu.memory_space<hbm>>
        tpu.wait_dma2 semaphore(%run_scoped3A : memref<!tpu.dma_semaphore, #tpu.memory_space<semaphore_mem>>) src(%dma_wait3A_152 : memref<40x128xi32, #tpu.memory_space<hbm>>) dst(%dma_wait3A_146 : memref<40x128xi32, #tpu.memory_space<vmem>>)
        tpu.yield
      }) : () -> ()
      "tpu.region"() ({
        %run_scoped3A = tpu.sem_alloc : memref<!tpu.dma_semaphore, #tpu.memory_space<semaphore_mem>>
        %dma_start3A_118 = arith.constant 0 : i32
        %dma_start3A_119 = arith.constant 0 : i32
        %dma_start3A_120 = tpu.memref_slice %arg6[%dma_start3A_118, %dma_start3A_119] : memref<40x128xi32, #tpu.memory_space<vmem>> -> memref<40x128xi32, #tpu.memory_space<vmem>>
        %dma_start3A_121 = arith.constant 0 : i32
        %dma_start3A_122 = arith.constant 0 : i32
        %dma_start3A_123 = tpu.memref_slice %arg3[%cond3A_45, %dma_start3A_121, %dma_start3A_122] : memref<2x2500x128xi32, #tpu.memory_space<hbm>> -> memref<1x2500x128xi32, #tpu.memory_space<hbm>>
        %dma_start3A_124 = tpu.memref_squeeze %dma_start3A_123 : memref<1x2500x128xi32, #tpu.memory_space<hbm>> -> memref<2500x128xi32, #tpu.memory_space<hbm>>
        %dma_start3A_125 = arith.constant 0 : i32
        %dma_start3A_126 = tpu.memref_slice %dma_start3A_124[%add3A_92, %dma_start3A_125] : memref<2500x128xi32, #tpu.memory_space<hbm>> -> memref<40x128xi32, #tpu.memory_space<hbm>>
        %dma_start3A_127 = arith.constant 0 : i32
        %dma_start3A_128 = arith.constant 0 : i32
        %dma_start3A_129 = tpu.memref_slice %arg6[%dma_start3A_127, %dma_start3A_128] : memref<40x128xi32, #tpu.memory_space<vmem>> -> memref<40x128xi32, #tpu.memory_space<vmem>>
        %dma_start3A_130 = arith.constant 0 : i32
        %dma_start3A_131 = arith.constant 0 : i32
        %dma_start3A_132 = tpu.memref_slice %arg3[%cond3A_45, %dma_start3A_130, %dma_start3A_131] : memref<2x2500x128xi32, #tpu.memory_space<hbm>> -> memref<1x2500x128xi32, #tpu.memory_space<hbm>>
        %dma_start3A_133 = tpu.memref_squeeze %dma_start3A_132 : memref<1x2500x128xi32, #tpu.memory_space<hbm>> -> memref<2500x128xi32, #tpu.memory_space<hbm>>
        %dma_start3A_134 = arith.constant 0 : i32
        %dma_start3A_135 = tpu.memref_slice %dma_start3A_133[%add3A_92, %dma_start3A_134] : memref<2500x128xi32, #tpu.memory_space<hbm>> -> memref<40x128xi32, #tpu.memory_space<hbm>>
        tpu.enqueue_dma source(%dma_start3A_135 : memref<40x128xi32, #tpu.memory_space<hbm>>) target(%dma_start3A_129 : memref<40x128xi32, #tpu.memory_space<vmem>>) target_semaphore(%run_scoped3A : memref<!tpu.dma_semaphore, #tpu.memory_space<semaphore_mem>>)
        %dma_wait3A = arith.constant 0 : i32
        %dma_wait3A_136 = arith.constant 0 : i32
        %dma_wait3A_137 = tpu.memref_slice %arg6[%dma_wait3A, %dma_wait3A_136] : memref<40x128xi32, #tpu.memory_space<vmem>> -> memref<40x128xi32, #tpu.memory_space<vmem>>
        %dma_wait3A_138 = arith.constant 0 : i32
        %dma_wait3A_139 = arith.constant 0 : i32
        %dma_wait3A_140 = tpu.memref_slice %arg3[%cond3A_45, %dma_wait3A_138, %dma_wait3A_139] : memref<2x2500x128xi32, #tpu.memory_space<hbm>> -> memref<1x2500x128xi32, #tpu.memory_space<hbm>>
        %dma_wait3A_141 = tpu.memref_squeeze %dma_wait3A_140 : memref<1x2500x128xi32, #tpu.memory_space<hbm>> -> memref<2500x128xi32, #tpu.memory_space<hbm>>
        %dma_wait3A_142 = arith.constant 0 : i32
        %dma_wait3A_143 = tpu.memref_slice %dma_wait3A_141[%add3A_92, %dma_wait3A_142] : memref<2500x128xi32, #tpu.memory_space<hbm>> -> memref<40x128xi32, #tpu.memory_space<hbm>>
        %dma_wait3A_144 = arith.constant 0 : i32
        %dma_wait3A_145 = arith.constant 0 : i32
        %dma_wait3A_146 = tpu.memref_slice %arg6[%dma_wait3A_144, %dma_wait3A_145] : memref<40x128xi32, #tpu.memory_space<vmem>> -> memref<40x128xi32, #tpu.memory_space<vmem>>
        %dma_wait3A_147 = arith.constant 0 : i32
        %dma_wait3A_148 = arith.constant 0 : i32
        %dma_wait3A_149 = tpu.memref_slice %arg3[%cond3A_45, %dma_wait3A_147, %dma_wait3A_148] : memref<2x2500x128xi32, #tpu.memory_space<hbm>> -> memref<1x2500x128xi32, #tpu.memory_space<hbm>>
        %dma_wait3A_150 = tpu.memref_squeeze %dma_wait3A_149 : memref<1x2500x128xi32, #tpu.memory_space<hbm>> -> memref<2500x128xi32, #tpu.memory_space<hbm>>
        %dma_wait3A_151 = arith.constant 0 : i32
        %dma_wait3A_152 = tpu.memref_slice %dma_wait3A_150[%add3A_92, %dma_wait3A_151] : memref<2500x128xi32, #tpu.memory_space<hbm>> -> memref<40x128xi32, #tpu.memory_space<hbm>>
        tpu.wait_dma2 semaphore(%run_scoped3A : memref<!tpu.dma_semaphore, #tpu.memory_space<semaphore_mem>>) src(%dma_wait3A_152 : memref<40x128xi32, #tpu.memory_space<hbm>>) dst(%dma_wait3A_146 : memref<40x128xi32, #tpu.memory_space<vmem>>)
        tpu.yield
      }) : () -> ()
      %dma_start3A = arith.constant 0 : i32
      %dma_start3A_93 = arith.constant 0 : i32
      %dma_start3A_94 = tpu.memref_slice %arg5[%dma_start3A, %dma_start3A_93] : memref<40x128xi32, #tpu.memory_space<vmem>> -> memref<1x128xi32, #tpu.memory_space<vmem>>
      %dma_start3A_95 = tpu.memref_squeeze %dma_start3A_94 : memref<1x128xi32, #tpu.memory_space<vmem>> -> memref<128xi32, #tpu.memory_space<vmem>>
      %dma_start3A_96 = arith.constant 0 : i32
      %dma_start3A_97 = arith.constant 0 : i32
      %dma_start3A_98 = tpu.memref_slice %arg2[%dma_start3A_96, %dma_start3A_97] : memref<10000x128xf32, #tpu.memory_space<hbm>> -> memref<10000x128xf32, #tpu.memory_space<hbm>>
      tpu.enqueue_indirect_dma source(%dma_start3A_98 : memref<10000x128xf32, #tpu.memory_space<hbm>>) target(%arg7 : memref<128x128xf32, #tpu.memory_space<vmem>>) offsets(%dma_start3A_95 : memref<128xi32, #tpu.memory_space<vmem>>) semaphore(%arg10 : memref<!tpu.dma_semaphore, #tpu.memory_space<semaphore_mem>>)
      %scan3A_99 = arith.constant 0 : i32
      %scan3A_100 = arith.constant 20 : i32
      %scan3A_101 = arith.addi %scan3A_99, %scan3A_100 : i32
      %scan3A_102 = arith.constant 1 : i32
      scf.for %scan3A_118 = %scan3A_99 to %scan3A_101 step %scan3A_102  : i32 {
        %mul3A_119 = arith.constant 1 : i32
        %mul3A_120 = arith.muli %scan3A_118, %mul3A_119 : i32
        %add3A_121 = arith.constant 0 : i32
        %add3A_122 = arith.addi %add3A_121, %mul3A_120 : i32
        %mul3A_123 = arith.constant 2 : i32
        %mul3A_124 = arith.muli %mul3A_123, %add3A_122 : i32
        %add3A_125 = arith.constant 0 : i32
        %add3A_126 = arith.addi %mul3A_124, %add3A_125 : i32
        %add3A_127 = arith.constant 2 : i32
        %add3A_128 = arith.addi %add3A_126, %add3A_127 : i32
        %sub3A_129 = arith.constant 1 : i32
        %sub3A_130 = arith.subi %add3A_128, %sub3A_129 : i32
        %lt3A_131 = arith.constant 40 : i32
        %lt3A_132 = arith.cmpi slt, %sub3A_130, %lt3A_131 : i32
        %convert_element_type3A_133 = arith.extui %lt3A_132 : i1 to i32
        %cond3A_134 = arith.constant 0 : i32
        %cond3A_135 = arith.cmpi ne, %convert_element_type3A_133, %cond3A_134 : i32
        scf.if %cond3A_135 {
          %add3A_158 = arith.constant 2 : i32
          %add3A_159 = arith.addi %add3A_126, %add3A_158 : i32
          %sub3A_160 = arith.constant 1 : i32
          %sub3A_161 = arith.subi %add3A_159, %sub3A_160 : i32
          %dma_start3A_162 = arith.constant 0 : i32
          %dma_start3A_163 = tpu.memref_slice %arg5[%sub3A_161, %dma_start3A_162] : memref<40x128xi32, #tpu.memory_space<vmem>> -> memref<1x128xi32, #tpu.memory_space<vmem>>
          %dma_start3A_164 = tpu.memref_squeeze %dma_start3A_163 : memref<1x128xi32, #tpu.memory_space<vmem>> -> memref<128xi32, #tpu.memory_space<vmem>>
          %dma_start3A_165 = arith.constant 0 : i32
          %dma_start3A_166 = arith.constant 0 : i32
          %dma_start3A_167 = tpu.memref_slice %arg2[%dma_start3A_165, %dma_start3A_166] : memref<10000x128xf32, #tpu.memory_space<hbm>> -> memref<10000x128xf32, #tpu.memory_space<hbm>>
          tpu.enqueue_indirect_dma source(%dma_start3A_167 : memref<10000x128xf32, #tpu.memory_space<hbm>>) target(%arg8 : memref<128x128xf32, #tpu.memory_space<vmem>>) offsets(%dma_start3A_164 : memref<128xi32, #tpu.memory_space<vmem>>) semaphore(%arg11 : memref<!tpu.dma_semaphore, #tpu.memory_space<semaphore_mem>>)
        } else {
        }
        %dma_wait3A = arith.constant 0 : i32
        %dma_wait3A_136 = tpu.memref_slice %arg5[%add3A_126, %dma_wait3A] : memref<40x128xi32, #tpu.memory_space<vmem>> -> memref<1x128xi32, #tpu.memory_space<vmem>>
        %dma_wait3A_137 = tpu.memref_squeeze %dma_wait3A_136 : memref<1x128xi32, #tpu.memory_space<vmem>> -> memref<128xi32, #tpu.memory_space<vmem>>
        %dma_wait3A_138 = arith.constant 0 : i32
        %dma_wait3A_139 = arith.constant 0 : i32
        %dma_wait3A_140 = tpu.memref_slice %arg2[%dma_wait3A_138, %dma_wait3A_139] : memref<10000x128xf32, #tpu.memory_space<hbm>> -> memref<10000x128xf32, #tpu.memory_space<hbm>>
        tpu.wait_indirect_dma semaphore(%arg10 : memref<!tpu.dma_semaphore, #tpu.memory_space<semaphore_mem>>) src(%dma_wait3A_140 : memref<10000x128xf32, #tpu.memory_space<hbm>>) dst(%arg7 : memref<128x128xf32, #tpu.memory_space<vmem>>)
        "tpu.region"() ({
          %run_scoped3A = tpu.sem_alloc : memref<!tpu.dma_semaphore, #tpu.memory_space<semaphore_mem>>
          %dma_start3A_158 = arith.constant 0 : i32
          %dma_start3A_159 = tpu.memref_slice %arg6[%add3A_126, %dma_start3A_158] : memref<40x128xi32, #tpu.memory_space<vmem>> -> memref<1x128xi32, #tpu.memory_space<vmem>>
          %dma_start3A_160 = tpu.memref_squeeze %dma_start3A_159 : memref<1x128xi32, #tpu.memory_space<vmem>> -> memref<128xi32, #tpu.memory_space<vmem>>
          %dma_start3A_161 = arith.constant 0 : i32
          %dma_start3A_162 = arith.constant 0 : i32
          %dma_start3A_163 = tpu.memref_slice %arg9[%dma_start3A_161, %dma_start3A_162] : memref<10240x128xf32, #tpu.memory_space<vmem_shared>> -> memref<10240x128xf32, #tpu.memory_space<vmem_shared>>
          tpu.enqueue_indirect_dma source(%arg7 : memref<128x128xf32, #tpu.memory_space<vmem>>) target(%dma_start3A_163 : memref<10240x128xf32, #tpu.memory_space<vmem_shared>>) offsets(%dma_start3A_160 : memref<128xi32, #tpu.memory_space<vmem>>) semaphore(%run_scoped3A : memref<!tpu.dma_semaphore, #tpu.memory_space<semaphore_mem>>) {add = true}
          %dma_wait3A_164 = arith.constant 0 : i32
          %dma_wait3A_165 = tpu.memref_slice %arg6[%add3A_126, %dma_wait3A_164] : memref<40x128xi32, #tpu.memory_space<vmem>> -> memref<1x128xi32, #tpu.memory_space<vmem>>
          %dma_wait3A_166 = tpu.memref_squeeze %dma_wait3A_165 : memref<1x128xi32, #tpu.memory_space<vmem>> -> memref<128xi32, #tpu.memory_space<vmem>>
          %dma_wait3A_167 = arith.constant 0 : i32
          %dma_wait3A_168 = arith.constant 0 : i32
          %dma_wait3A_169 = tpu.memref_slice %arg9[%dma_wait3A_167, %dma_wait3A_168] : memref<10240x128xf32, #tpu.memory_space<vmem_shared>> -> memref<10240x128xf32, #tpu.memory_space<vmem_shared>>
          tpu.wait_indirect_dma semaphore(%run_scoped3A : memref<!tpu.dma_semaphore, #tpu.memory_space<semaphore_mem>>) src(%arg7 : memref<128x128xf32, #tpu.memory_space<vmem>>) dst(%dma_wait3A_169 : memref<10240x128xf32, #tpu.memory_space<vmem_shared>>)
          tpu.yield
        }) : () -> ()
        %add3A_141 = arith.constant 1 : i32
        %add3A_142 = arith.addi %mul3A_124, %add3A_141 : i32
        %add3A_143 = arith.constant 2 : i32
        %add3A_144 = arith.addi %add3A_142, %add3A_143 : i32
        %sub3A_145 = arith.constant 1 : i32
        %sub3A_146 = arith.subi %add3A_144, %sub3A_145 : i32
        %lt3A_147 = arith.constant 40 : i32
        %lt3A_148 = arith.cmpi slt, %sub3A_146, %lt3A_147 : i32
        %convert_element_type3A_149 = arith.extui %lt3A_148 : i1 to i32
        %cond3A_150 = arith.constant 0 : i32
        %cond3A_151 = arith.cmpi ne, %convert_element_type3A_149, %cond3A_150 : i32
        scf.if %cond3A_151 {
          %add3A_158 = arith.constant 2 : i32
          %add3A_159 = arith.addi %add3A_142, %add3A_158 : i32
          %sub3A_160 = arith.constant 1 : i32
          %sub3A_161 = arith.subi %add3A_159, %sub3A_160 : i32
          %dma_start3A_162 = arith.constant 0 : i32
          %dma_start3A_163 = tpu.memref_slice %arg5[%sub3A_161, %dma_start3A_162] : memref<40x128xi32, #tpu.memory_space<vmem>> -> memref<1x128xi32, #tpu.memory_space<vmem>>
          %dma_start3A_164 = tpu.memref_squeeze %dma_start3A_163 : memref<1x128xi32, #tpu.memory_space<vmem>> -> memref<128xi32, #tpu.memory_space<vmem>>
          %dma_start3A_165 = arith.constant 0 : i32
          %dma_start3A_166 = arith.constant 0 : i32
          %dma_start3A_167 = tpu.memref_slice %arg2[%dma_start3A_165, %dma_start3A_166] : memref<10000x128xf32, #tpu.memory_space<hbm>> -> memref<10000x128xf32, #tpu.memory_space<hbm>>
          tpu.enqueue_indirect_dma source(%dma_start3A_167 : memref<10000x128xf32, #tpu.memory_space<hbm>>) target(%arg7 : memref<128x128xf32, #tpu.memory_space<vmem>>) offsets(%dma_start3A_164 : memref<128xi32, #tpu.memory_space<vmem>>) semaphore(%arg10 : memref<!tpu.dma_semaphore, #tpu.memory_space<semaphore_mem>>)
        } else {
        }
        %dma_wait3A_152 = arith.constant 0 : i32
        %dma_wait3A_153 = tpu.memref_slice %arg5[%add3A_142, %dma_wait3A_152] : memref<40x128xi32, #tpu.memory_space<vmem>> -> memref<1x128xi32, #tpu.memory_space<vmem>>
        %dma_wait3A_154 = tpu.memref_squeeze %dma_wait3A_153 : memref<1x128xi32, #tpu.memory_space<vmem>> -> memref<128xi32, #tpu.memory_space<vmem>>
        %dma_wait3A_155 = arith.constant 0 : i32
        %dma_wait3A_156 = arith.constant 0 : i32
        %dma_wait3A_157 = tpu.memref_slice %arg2[%dma_wait3A_155, %dma_wait3A_156] : memref<10000x128xf32, #tpu.memory_space<hbm>> -> memref<10000x128xf32, #tpu.memory_space<hbm>>
        tpu.wait_indirect_dma semaphore(%arg11 : memref<!tpu.dma_semaphore, #tpu.memory_space<semaphore_mem>>) src(%dma_wait3A_157 : memref<10000x128xf32, #tpu.memory_space<hbm>>) dst(%arg8 : memref<128x128xf32, #tpu.memory_space<vmem>>)
        "tpu.region"() ({
          %run_scoped3A = tpu.sem_alloc : memref<!tpu.dma_semaphore, #tpu.memory_space<semaphore_mem>>
          %dma_start3A_158 = arith.constant 0 : i32
          %dma_start3A_159 = tpu.memref_slice %arg6[%add3A_142, %dma_start3A_158] : memref<40x128xi32, #tpu.memory_space<vmem>> -> memref<1x128xi32, #tpu.memory_space<vmem>>
          %dma_start3A_160 = tpu.memref_squeeze %dma_start3A_159 : memref<1x128xi32, #tpu.memory_space<vmem>> -> memref<128xi32, #tpu.memory_space<vmem>>
          %dma_start3A_161 = arith.constant 0 : i32
          %dma_start3A_162 = arith.constant 0 : i32
          %dma_start3A_163 = tpu.memref_slice %arg9[%dma_start3A_161, %dma_start3A_162] : memref<10240x128xf32, #tpu.memory_space<vmem_shared>> -> memref<10240x128xf32, #tpu.memory_space<vmem_shared>>
          tpu.enqueue_indirect_dma source(%arg8 : memref<128x128xf32, #tpu.memory_space<vmem>>) target(%dma_start3A_163 : memref<10240x128xf32, #tpu.memory_space<vmem_shared>>) offsets(%dma_start3A_160 : memref<128xi32, #tpu.memory_space<vmem>>) semaphore(%run_scoped3A : memref<!tpu.dma_semaphore, #tpu.memory_space<semaphore_mem>>) {add = true}
          %dma_wait3A_164 = arith.constant 0 : i32
          %dma_wait3A_165 = tpu.memref_slice %arg6[%add3A_142, %dma_wait3A_164] : memref<40x128xi32, #tpu.memory_space<vmem>> -> memref<1x128xi32, #tpu.memory_space<vmem>>
          %dma_wait3A_166 = tpu.memref_squeeze %dma_wait3A_165 : memref<1x128xi32, #tpu.memory_space<vmem>> -> memref<128xi32, #tpu.memory_space<vmem>>
          %dma_wait3A_167 = arith.constant 0 : i32
          %dma_wait3A_168 = arith.constant 0 : i32
          %dma_wait3A_169 = tpu.memref_slice %arg9[%dma_wait3A_167, %dma_wait3A_168] : memref<10240x128xf32, #tpu.memory_space<vmem_shared>> -> memref<10240x128xf32, #tpu.memory_space<vmem_shared>>
          tpu.wait_indirect_dma semaphore(%run_scoped3A : memref<!tpu.dma_semaphore, #tpu.memory_space<semaphore_mem>>) src(%arg8 : memref<128x128xf32, #tpu.memory_space<vmem>>) dst(%dma_wait3A_169 : memref<10240x128xf32, #tpu.memory_space<vmem_shared>>)
          tpu.yield
        }) : () -> ()
      }
      %scan3A_103 = arith.constant 20 : i32
      %add3A_104 = arith.constant 40 : i32
      %add3A_105 = arith.addi %select_n3A, %add3A_104 : i32
      "tpu.region"() ({
        %run_scoped3A = tpu.sem_alloc : memref<!tpu.dma_semaphore, #tpu.memory_space<semaphore_mem>>
        %dma_start3A_118 = arith.constant 0 : i32
        %dma_start3A_119 = arith.constant 0 : i32
        %dma_start3A_120 = tpu.memref_slice %arg5[%dma_start3A_118, %dma_start3A_119] : memref<40x128xi32, #tpu.memory_space<vmem>> -> memref<40x128xi32, #tpu.memory_space<vmem>>
        %dma_start3A_121 = arith.constant 0 : i32
        %dma_start3A_122 = arith.constant 0 : i32
        %dma_start3A_123 = tpu.memref_slice %arg3[%cond3A, %dma_start3A_121, %dma_start3A_122] : memref<2x2500x128xi32, #tpu.memory_space<hbm>> -> memref<1x2500x128xi32, #tpu.memory_space<hbm>>
        %dma_start3A_124 = tpu.memref_squeeze %dma_start3A_123 : memref<1x2500x128xi32, #tpu.memory_space<hbm>> -> memref<2500x128xi32, #tpu.memory_space<hbm>>
        %dma_start3A_125 = arith.constant 0 : i32
        %dma_start3A_126 = tpu.memref_slice %dma_start3A_124[%add3A_105, %dma_start3A_125] : memref<2500x128xi32, #tpu.memory_space<hbm>> -> memref<40x128xi32, #tpu.memory_space<hbm>>
        %dma_start3A_127 = arith.constant 0 : i32
        %dma_start3A_128 = arith.constant 0 : i32
        %dma_start3A_129 = tpu.memref_slice %arg5[%dma_start3A_127, %dma_start3A_128] : memref<40x128xi32, #tpu.memory_space<vmem>> -> memref<40x128xi32, #tpu.memory_space<vmem>>
        %dma_start3A_130 = arith.constant 0 : i32
        %dma_start3A_131 = arith.constant 0 : i32
        %dma_start3A_132 = tpu.memref_slice %arg3[%cond3A, %dma_start3A_130, %dma_start3A_131] : memref<2x2500x128xi32, #tpu.memory_space<hbm>> -> memref<1x2500x128xi32, #tpu.memory_space<hbm>>
        %dma_start3A_133 = tpu.memref_squeeze %dma_start3A_132 : memref<1x2500x128xi32, #tpu.memory_space<hbm>> -> memref<2500x128xi32, #tpu.memory_space<hbm>>
        %dma_start3A_134 = arith.constant 0 : i32
        %dma_start3A_135 = tpu.memref_slice %dma_start3A_133[%add3A_105, %dma_start3A_134] : memref<2500x128xi32, #tpu.memory_space<hbm>> -> memref<40x128xi32, #tpu.memory_space<hbm>>
        tpu.enqueue_dma source(%dma_start3A_135 : memref<40x128xi32, #tpu.memory_space<hbm>>) target(%dma_start3A_129 : memref<40x128xi32, #tpu.memory_space<vmem>>) target_semaphore(%run_scoped3A : memref<!tpu.dma_semaphore, #tpu.memory_space<semaphore_mem>>)
        %dma_wait3A = arith.constant 0 : i32
        %dma_wait3A_136 = arith.constant 0 : i32
        %dma_wait3A_137 = tpu.memref_slice %arg5[%dma_wait3A, %dma_wait3A_136] : memref<40x128xi32, #tpu.memory_space<vmem>> -> memref<40x128xi32, #tpu.memory_space<vmem>>
        %dma_wait3A_138 = arith.constant 0 : i32
        %dma_wait3A_139 = arith.constant 0 : i32
        %dma_wait3A_140 = tpu.memref_slice %arg3[%cond3A, %dma_wait3A_138, %dma_wait3A_139] : memref<2x2500x128xi32, #tpu.memory_space<hbm>> -> memref<1x2500x128xi32, #tpu.memory_space<hbm>>
        %dma_wait3A_141 = tpu.memref_squeeze %dma_wait3A_140 : memref<1x2500x128xi32, #tpu.memory_space<hbm>> -> memref<2500x128xi32, #tpu.memory_space<hbm>>
        %dma_wait3A_142 = arith.constant 0 : i32
        %dma_wait3A_143 = tpu.memref_slice %dma_wait3A_141[%add3A_105, %dma_wait3A_142] : memref<2500x128xi32, #tpu.memory_space<hbm>> -> memref<40x128xi32, #tpu.memory_space<hbm>>
        %dma_wait3A_144 = arith.constant 0 : i32
        %dma_wait3A_145 = arith.constant 0 : i32
        %dma_wait3A_146 = tpu.memref_slice %arg5[%dma_wait3A_144, %dma_wait3A_145] : memref<40x128xi32, #tpu.memory_space<vmem>> -> memref<40x128xi32, #tpu.memory_space<vmem>>
        %dma_wait3A_147 = arith.constant 0 : i32
        %dma_wait3A_148 = arith.constant 0 : i32
        %dma_wait3A_149 = tpu.memref_slice %arg3[%cond3A, %dma_wait3A_147, %dma_wait3A_148] : memref<2x2500x128xi32, #tpu.memory_space<hbm>> -> memref<1x2500x128xi32, #tpu.memory_space<hbm>>
        %dma_wait3A_150 = tpu.memref_squeeze %dma_wait3A_149 : memref<1x2500x128xi32, #tpu.memory_space<hbm>> -> memref<2500x128xi32, #tpu.memory_space<hbm>>
        %dma_wait3A_151 = arith.constant 0 : i32
        %dma_wait3A_152 = tpu.memref_slice %dma_wait3A_150[%add3A_105, %dma_wait3A_151] : memref<2500x128xi32, #tpu.memory_space<hbm>> -> memref<40x128xi32, #tpu.memory_space<hbm>>
        tpu.wait_dma2 semaphore(%run_scoped3A : memref<!tpu.dma_semaphore, #tpu.memory_space<semaphore_mem>>) src(%dma_wait3A_152 : memref<40x128xi32, #tpu.memory_space<hbm>>) dst(%dma_wait3A_146 : memref<40x128xi32, #tpu.memory_space<vmem>>)
        tpu.yield
      }) : () -> ()
      "tpu.region"() ({
        %run_scoped3A = tpu.sem_alloc : memref<!tpu.dma_semaphore, #tpu.memory_space<semaphore_mem>>
        %dma_start3A_118 = arith.constant 0 : i32
        %dma_start3A_119 = arith.constant 0 : i32
        %dma_start3A_120 = tpu.memref_slice %arg6[%dma_start3A_118, %dma_start3A_119] : memref<40x128xi32, #tpu.memory_space<vmem>> -> memref<40x128xi32, #tpu.memory_space<vmem>>
        %dma_start3A_121 = arith.constant 0 : i32
        %dma_start3A_122 = arith.constant 0 : i32
        %dma_start3A_123 = tpu.memref_slice %arg3[%cond3A_45, %dma_start3A_121, %dma_start3A_122] : memref<2x2500x128xi32, #tpu.memory_space<hbm>> -> memref<1x2500x128xi32, #tpu.memory_space<hbm>>
        %dma_start3A_124 = tpu.memref_squeeze %dma_start3A_123 : memref<1x2500x128xi32, #tpu.memory_space<hbm>> -> memref<2500x128xi32, #tpu.memory_space<hbm>>
        %dma_start3A_125 = arith.constant 0 : i32
        %dma_start3A_126 = tpu.memref_slice %dma_start3A_124[%add3A_105, %dma_start3A_125] : memref<2500x128xi32, #tpu.memory_space<hbm>> -> memref<40x128xi32, #tpu.memory_space<hbm>>
        %dma_start3A_127 = arith.constant 0 : i32
        %dma_start3A_128 = arith.constant 0 : i32
        %dma_start3A_129 = tpu.memref_slice %arg6[%dma_start3A_127, %dma_start3A_128] : memref<40x128xi32, #tpu.memory_space<vmem>> -> memref<40x128xi32, #tpu.memory_space<vmem>>
        %dma_start3A_130 = arith.constant 0 : i32
        %dma_start3A_131 = arith.constant 0 : i32
        %dma_start3A_132 = tpu.memref_slice %arg3[%cond3A_45, %dma_start3A_130, %dma_start3A_131] : memref<2x2500x128xi32, #tpu.memory_space<hbm>> -> memref<1x2500x128xi32, #tpu.memory_space<hbm>>
        %dma_start3A_133 = tpu.memref_squeeze %dma_start3A_132 : memref<1x2500x128xi32, #tpu.memory_space<hbm>> -> memref<2500x128xi32, #tpu.memory_space<hbm>>
        %dma_start3A_134 = arith.constant 0 : i32
        %dma_start3A_135 = tpu.memref_slice %dma_start3A_133[%add3A_105, %dma_start3A_134] : memref<2500x128xi32, #tpu.memory_space<hbm>> -> memref<40x128xi32, #tpu.memory_space<hbm>>
        tpu.enqueue_dma source(%dma_start3A_135 : memref<40x128xi32, #tpu.memory_space<hbm>>) target(%dma_start3A_129 : memref<40x128xi32, #tpu.memory_space<vmem>>) target_semaphore(%run_scoped3A : memref<!tpu.dma_semaphore, #tpu.memory_space<semaphore_mem>>)
        %dma_wait3A = arith.constant 0 : i32
        %dma_wait3A_136 = arith.constant 0 : i32
        %dma_wait3A_137 = tpu.memref_slice %arg6[%dma_wait3A, %dma_wait3A_136] : memref<40x128xi32, #tpu.memory_space<vmem>> -> memref<40x128xi32, #tpu.memory_space<vmem>>
        %dma_wait3A_138 = arith.constant 0 : i32
        %dma_wait3A_139 = arith.constant 0 : i32
        %dma_wait3A_140 = tpu.memref_slice %arg3[%cond3A_45, %dma_wait3A_138, %dma_wait3A_139] : memref<2x2500x128xi32, #tpu.memory_space<hbm>> -> memref<1x2500x128xi32, #tpu.memory_space<hbm>>
        %dma_wait3A_141 = tpu.memref_squeeze %dma_wait3A_140 : memref<1x2500x128xi32, #tpu.memory_space<hbm>> -> memref<2500x128xi32, #tpu.memory_space<hbm>>
        %dma_wait3A_142 = arith.constant 0 : i32
        %dma_wait3A_143 = tpu.memref_slice %dma_wait3A_141[%add3A_105, %dma_wait3A_142] : memref<2500x128xi32, #tpu.memory_space<hbm>> -> memref<40x128xi32, #tpu.memory_space<hbm>>
        %dma_wait3A_144 = arith.constant 0 : i32
        %dma_wait3A_145 = arith.constant 0 : i32
        %dma_wait3A_146 = tpu.memref_slice %arg6[%dma_wait3A_144, %dma_wait3A_145] : memref<40x128xi32, #tpu.memory_space<vmem>> -> memref<40x128xi32, #tpu.memory_space<vmem>>
        %dma_wait3A_147 = arith.constant 0 : i32
        %dma_wait3A_148 = arith.constant 0 : i32
        %dma_wait3A_149 = tpu.memref_slice %arg3[%cond3A_45, %dma_wait3A_147, %dma_wait3A_148] : memref<2x2500x128xi32, #tpu.memory_space<hbm>> -> memref<1x2500x128xi32, #tpu.memory_space<hbm>>
        %dma_wait3A_150 = tpu.memref_squeeze %dma_wait3A_149 : memref<1x2500x128xi32, #tpu.memory_space<hbm>> -> memref<2500x128xi32, #tpu.memory_space<hbm>>
        %dma_wait3A_151 = arith.constant 0 : i32
        %dma_wait3A_152 = tpu.memref_slice %dma_wait3A_150[%add3A_105, %dma_wait3A_151] : memref<2500x128xi32, #tpu.memory_space<hbm>> -> memref<40x128xi32, #tpu.memory_space<hbm>>
        tpu.wait_dma2 semaphore(%run_scoped3A : memref<!tpu.dma_semaphore, #tpu.memory_space<semaphore_mem>>) src(%dma_wait3A_152 : memref<40x128xi32, #tpu.memory_space<hbm>>) dst(%dma_wait3A_146 : memref<40x128xi32, #tpu.memory_space<vmem>>)
        tpu.yield
      }) : () -> ()
      %dma_start3A_106 = arith.constant 0 : i32
      %dma_start3A_107 = arith.constant 0 : i32
      %dma_start3A_108 = tpu.memref_slice %arg5[%dma_start3A_106, %dma_start3A_107] : memref<40x128xi32, #tpu.memory_space<vmem>> -> memref<1x128xi32, #tpu.memory_space<vmem>>
      %dma_start3A_109 = tpu.memref_squeeze %dma_start3A_108 : memref<1x128xi32, #tpu.memory_space<vmem>> -> memref<128xi32, #tpu.memory_space<vmem>>
      %dma_start3A_110 = arith.constant 0 : i32
      %dma_start3A_111 = arith.constant 0 : i32
      %dma_start3A_112 = tpu.memref_slice %arg2[%dma_start3A_110, %dma_start3A_111] : memref<10000x128xf32, #tpu.memory_space<hbm>> -> memref<10000x128xf32, #tpu.memory_space<hbm>>
      tpu.enqueue_indirect_dma source(%dma_start3A_112 : memref<10000x128xf32, #tpu.memory_space<hbm>>) target(%arg7 : memref<128x128xf32, #tpu.memory_space<vmem>>) offsets(%dma_start3A_109 : memref<128xi32, #tpu.memory_space<vmem>>) semaphore(%arg10 : memref<!tpu.dma_semaphore, #tpu.memory_space<semaphore_mem>>)
      %scan3A_113 = arith.constant 0 : i32
      %scan3A_114 = arith.constant 20 : i32
      %scan3A_115 = arith.addi %scan3A_113, %scan3A_114 : i32
      %scan3A_116 = arith.constant 1 : i32
      scf.for %scan3A_118 = %scan3A_113 to %scan3A_115 step %scan3A_116  : i32 {
        %mul3A_119 = arith.constant 1 : i32
        %mul3A_120 = arith.muli %scan3A_118, %mul3A_119 : i32
        %add3A_121 = arith.constant 0 : i32
        %add3A_122 = arith.addi %add3A_121, %mul3A_120 : i32
        %mul3A_123 = arith.constant 2 : i32
        %mul3A_124 = arith.muli %mul3A_123, %add3A_122 : i32
        %add3A_125 = arith.constant 0 : i32
        %add3A_126 = arith.addi %mul3A_124, %add3A_125 : i32
        %add3A_127 = arith.constant 2 : i32
        %add3A_128 = arith.addi %add3A_126, %add3A_127 : i32
        %sub3A_129 = arith.constant 1 : i32
        %sub3A_130 = arith.subi %add3A_128, %sub3A_129 : i32
        %lt3A_131 = arith.constant 40 : i32
        %lt3A_132 = arith.cmpi slt, %sub3A_130, %lt3A_131 : i32
        %convert_element_type3A_133 = arith.extui %lt3A_132 : i1 to i32
        %cond3A_134 = arith.constant 0 : i32
        %cond3A_135 = arith.cmpi ne, %convert_element_type3A_133, %cond3A_134 : i32
        scf.if %cond3A_135 {
          %add3A_158 = arith.constant 2 : i32
          %add3A_159 = arith.addi %add3A_126, %add3A_158 : i32
          %sub3A_160 = arith.constant 1 : i32
          %sub3A_161 = arith.subi %add3A_159, %sub3A_160 : i32
          %dma_start3A_162 = arith.constant 0 : i32
          %dma_start3A_163 = tpu.memref_slice %arg5[%sub3A_161, %dma_start3A_162] : memref<40x128xi32, #tpu.memory_space<vmem>> -> memref<1x128xi32, #tpu.memory_space<vmem>>
          %dma_start3A_164 = tpu.memref_squeeze %dma_start3A_163 : memref<1x128xi32, #tpu.memory_space<vmem>> -> memref<128xi32, #tpu.memory_space<vmem>>
          %dma_start3A_165 = arith.constant 0 : i32
          %dma_start3A_166 = arith.constant 0 : i32
          %dma_start3A_167 = tpu.memref_slice %arg2[%dma_start3A_165, %dma_start3A_166] : memref<10000x128xf32, #tpu.memory_space<hbm>> -> memref<10000x128xf32, #tpu.memory_space<hbm>>
          tpu.enqueue_indirect_dma source(%dma_start3A_167 : memref<10000x128xf32, #tpu.memory_space<hbm>>) target(%arg8 : memref<128x128xf32, #tpu.memory_space<vmem>>) offsets(%dma_start3A_164 : memref<128xi32, #tpu.memory_space<vmem>>) semaphore(%arg11 : memref<!tpu.dma_semaphore, #tpu.memory_space<semaphore_mem>>)
        } else {
        }
        %dma_wait3A = arith.constant 0 : i32
        %dma_wait3A_136 = tpu.memref_slice %arg5[%add3A_126, %dma_wait3A] : memref<40x128xi32, #tpu.memory_space<vmem>> -> memref<1x128xi32, #tpu.memory_space<vmem>>
        %dma_wait3A_137 = tpu.memref_squeeze %dma_wait3A_136 : memref<1x128xi32, #tpu.memory_space<vmem>> -> memref<128xi32, #tpu.memory_space<vmem>>
        %dma_wait3A_138 = arith.constant 0 : i32
        %dma_wait3A_139 = arith.constant 0 : i32
        %dma_wait3A_140 = tpu.memref_slice %arg2[%dma_wait3A_138, %dma_wait3A_139] : memref<10000x128xf32, #tpu.memory_space<hbm>> -> memref<10000x128xf32, #tpu.memory_space<hbm>>
        tpu.wait_indirect_dma semaphore(%arg10 : memref<!tpu.dma_semaphore, #tpu.memory_space<semaphore_mem>>) src(%dma_wait3A_140 : memref<10000x128xf32, #tpu.memory_space<hbm>>) dst(%arg7 : memref<128x128xf32, #tpu.memory_space<vmem>>)
        "tpu.region"() ({
          %run_scoped3A = tpu.sem_alloc : memref<!tpu.dma_semaphore, #tpu.memory_space<semaphore_mem>>
          %dma_start3A_158 = arith.constant 0 : i32
          %dma_start3A_159 = tpu.memref_slice %arg6[%add3A_126, %dma_start3A_158] : memref<40x128xi32, #tpu.memory_space<vmem>> -> memref<1x128xi32, #tpu.memory_space<vmem>>
          %dma_start3A_160 = tpu.memref_squeeze %dma_start3A_159 : memref<1x128xi32, #tpu.memory_space<vmem>> -> memref<128xi32, #tpu.memory_space<vmem>>
          %dma_start3A_161 = arith.constant 0 : i32
          %dma_start3A_162 = arith.constant 0 : i32
          %dma_start3A_163 = tpu.memref_slice %arg9[%dma_start3A_161, %dma_start3A_162] : memref<10240x128xf32, #tpu.memory_space<vmem_shared>> -> memref<10240x128xf32, #tpu.memory_space<vmem_shared>>
          tpu.enqueue_indirect_dma source(%arg7 : memref<128x128xf32, #tpu.memory_space<vmem>>) target(%dma_start3A_163 : memref<10240x128xf32, #tpu.memory_space<vmem_shared>>) offsets(%dma_start3A_160 : memref<128xi32, #tpu.memory_space<vmem>>) semaphore(%run_scoped3A : memref<!tpu.dma_semaphore, #tpu.memory_space<semaphore_mem>>) {add = true}
          %dma_wait3A_164 = arith.constant 0 : i32
          %dma_wait3A_165 = tpu.memref_slice %arg6[%add3A_126, %dma_wait3A_164] : memref<40x128xi32, #tpu.memory_space<vmem>> -> memref<1x128xi32, #tpu.memory_space<vmem>>
          %dma_wait3A_166 = tpu.memref_squeeze %dma_wait3A_165 : memref<1x128xi32, #tpu.memory_space<vmem>> -> memref<128xi32, #tpu.memory_space<vmem>>
          %dma_wait3A_167 = arith.constant 0 : i32
          %dma_wait3A_168 = arith.constant 0 : i32
          %dma_wait3A_169 = tpu.memref_slice %arg9[%dma_wait3A_167, %dma_wait3A_168] : memref<10240x128xf32, #tpu.memory_space<vmem_shared>> -> memref<10240x128xf32, #tpu.memory_space<vmem_shared>>
          tpu.wait_indirect_dma semaphore(%run_scoped3A : memref<!tpu.dma_semaphore, #tpu.memory_space<semaphore_mem>>) src(%arg7 : memref<128x128xf32, #tpu.memory_space<vmem>>) dst(%dma_wait3A_169 : memref<10240x128xf32, #tpu.memory_space<vmem_shared>>)
          tpu.yield
        }) : () -> ()
        %add3A_141 = arith.constant 1 : i32
        %add3A_142 = arith.addi %mul3A_124, %add3A_141 : i32
        %add3A_143 = arith.constant 2 : i32
        %add3A_144 = arith.addi %add3A_142, %add3A_143 : i32
        %sub3A_145 = arith.constant 1 : i32
        %sub3A_146 = arith.subi %add3A_144, %sub3A_145 : i32
        %lt3A_147 = arith.constant 40 : i32
        %lt3A_148 = arith.cmpi slt, %sub3A_146, %lt3A_147 : i32
        %convert_element_type3A_149 = arith.extui %lt3A_148 : i1 to i32
        %cond3A_150 = arith.constant 0 : i32
        %cond3A_151 = arith.cmpi ne, %convert_element_type3A_149, %cond3A_150 : i32
        scf.if %cond3A_151 {
          %add3A_158 = arith.constant 2 : i32
          %add3A_159 = arith.addi %add3A_142, %add3A_158 : i32
          %sub3A_160 = arith.constant 1 : i32
          %sub3A_161 = arith.subi %add3A_159, %sub3A_160 : i32
          %dma_start3A_162 = arith.constant 0 : i32
          %dma_start3A_163 = tpu.memref_slice %arg5[%sub3A_161, %dma_start3A_162] : memref<40x128xi32, #tpu.memory_space<vmem>> -> memref<1x128xi32, #tpu.memory_space<vmem>>
          %dma_start3A_164 = tpu.memref_squeeze %dma_start3A_163 : memref<1x128xi32, #tpu.memory_space<vmem>> -> memref<128xi32, #tpu.memory_space<vmem>>
          %dma_start3A_165 = arith.constant 0 : i32
          %dma_start3A_166 = arith.constant 0 : i32
          %dma_start3A_167 = tpu.memref_slice %arg2[%dma_start3A_165, %dma_start3A_166] : memref<10000x128xf32, #tpu.memory_space<hbm>> -> memref<10000x128xf32, #tpu.memory_space<hbm>>
          tpu.enqueue_indirect_dma source(%dma_start3A_167 : memref<10000x128xf32, #tpu.memory_space<hbm>>) target(%arg7 : memref<128x128xf32, #tpu.memory_space<vmem>>) offsets(%dma_start3A_164 : memref<128xi32, #tpu.memory_space<vmem>>) semaphore(%arg10 : memref<!tpu.dma_semaphore, #tpu.memory_space<semaphore_mem>>)
        } else {
        }
        %dma_wait3A_152 = arith.constant 0 : i32
        %dma_wait3A_153 = tpu.memref_slice %arg5[%add3A_142, %dma_wait3A_152] : memref<40x128xi32, #tpu.memory_space<vmem>> -> memref<1x128xi32, #tpu.memory_space<vmem>>
        %dma_wait3A_154 = tpu.memref_squeeze %dma_wait3A_153 : memref<1x128xi32, #tpu.memory_space<vmem>> -> memref<128xi32, #tpu.memory_space<vmem>>
        %dma_wait3A_155 = arith.constant 0 : i32
        %dma_wait3A_156 = arith.constant 0 : i32
        %dma_wait3A_157 = tpu.memref_slice %arg2[%dma_wait3A_155, %dma_wait3A_156] : memref<10000x128xf32, #tpu.memory_space<hbm>> -> memref<10000x128xf32, #tpu.memory_space<hbm>>
        tpu.wait_indirect_dma semaphore(%arg11 : memref<!tpu.dma_semaphore, #tpu.memory_space<semaphore_mem>>) src(%dma_wait3A_157 : memref<10000x128xf32, #tpu.memory_space<hbm>>) dst(%arg8 : memref<128x128xf32, #tpu.memory_space<vmem>>)
        "tpu.region"() ({
          %run_scoped3A = tpu.sem_alloc : memref<!tpu.dma_semaphore, #tpu.memory_space<semaphore_mem>>
          %dma_start3A_158 = arith.constant 0 : i32
          %dma_start3A_159 = tpu.memref_slice %arg6[%add3A_142, %dma_start3A_158] : memref<40x128xi32, #tpu.memory_space<vmem>> -> memref<1x128xi32, #tpu.memory_space<vmem>>
          %dma_start3A_160 = tpu.memref_squeeze %dma_start3A_159 : memref<1x128xi32, #tpu.memory_space<vmem>> -> memref<128xi32, #tpu.memory_space<vmem>>
          %dma_start3A_161 = arith.constant 0 : i32
          %dma_start3A_162 = arith.constant 0 : i32
          %dma_start3A_163 = tpu.memref_slice %arg9[%dma_start3A_161, %dma_start3A_162] : memref<10240x128xf32, #tpu.memory_space<vmem_shared>> -> memref<10240x128xf32, #tpu.memory_space<vmem_shared>>
          tpu.enqueue_indirect_dma source(%arg8 : memref<128x128xf32, #tpu.memory_space<vmem>>) target(%dma_start3A_163 : memref<10240x128xf32, #tpu.memory_space<vmem_shared>>) offsets(%dma_start3A_160 : memref<128xi32, #tpu.memory_space<vmem>>) semaphore(%run_scoped3A : memref<!tpu.dma_semaphore, #tpu.memory_space<semaphore_mem>>) {add = true}
          %dma_wait3A_164 = arith.constant 0 : i32
          %dma_wait3A_165 = tpu.memref_slice %arg6[%add3A_142, %dma_wait3A_164] : memref<40x128xi32, #tpu.memory_space<vmem>> -> memref<1x128xi32, #tpu.memory_space<vmem>>
          %dma_wait3A_166 = tpu.memref_squeeze %dma_wait3A_165 : memref<1x128xi32, #tpu.memory_space<vmem>> -> memref<128xi32, #tpu.memory_space<vmem>>
          %dma_wait3A_167 = arith.constant 0 : i32
          %dma_wait3A_168 = arith.constant 0 : i32
          %dma_wait3A_169 = tpu.memref_slice %arg9[%dma_wait3A_167, %dma_wait3A_168] : memref<10240x128xf32, #tpu.memory_space<vmem_shared>> -> memref<10240x128xf32, #tpu.memory_space<vmem_shared>>
          tpu.wait_indirect_dma semaphore(%run_scoped3A : memref<!tpu.dma_semaphore, #tpu.memory_space<semaphore_mem>>) src(%arg8 : memref<128x128xf32, #tpu.memory_space<vmem>>) dst(%dma_wait3A_169 : memref<10240x128xf32, #tpu.memory_space<vmem_shared>>)
          tpu.yield
        }) : () -> ()
      }
      %scan3A_117 = arith.constant 20 : i32
    } else {
    }
    %ge3A = arith.constant 24 : i32
    %ge3A_48 = arith.cmpi sge, %add3A, %ge3A : i32
    %convert_element_type3A_49 = arith.extui %ge3A_48 : i1 to i32
    %cond3A_50 = arith.constant 0 : i32
    %cond3A_51 = arith.constant 1 : i32
    %cond3A_52 = arith.constant 0 : i32
    %cond3A_53 = arith.cmpi ne, %convert_element_type3A_49, %cond3A_52 : i32
    scf.if %cond3A_53 {
      "tpu.region"() ({
        %run_scoped3A = tpu.sem_alloc : memref<!tpu.dma_semaphore, #tpu.memory_space<semaphore_mem>>
        %dma_start3A_116 = arith.constant 0 : i32
        %dma_start3A_117 = arith.constant 0 : i32
        %dma_start3A_118 = tpu.memref_slice %arg5[%dma_start3A_116, %dma_start3A_117] : memref<40x128xi32, #tpu.memory_space<vmem>> -> memref<40x128xi32, #tpu.memory_space<vmem>>
        %dma_start3A_119 = arith.constant 0 : i32
        %dma_start3A_120 = arith.constant 0 : i32
        %dma_start3A_121 = tpu.memref_slice %arg3[%cond3A_50, %dma_start3A_119, %dma_start3A_120] : memref<2x2500x128xi32, #tpu.memory_space<hbm>> -> memref<1x2500x128xi32, #tpu.memory_space<hbm>>
        %dma_start3A_122 = tpu.memref_squeeze %dma_start3A_121 : memref<1x2500x128xi32, #tpu.memory_space<hbm>> -> memref<2500x128xi32, #tpu.memory_space<hbm>>
        %dma_start3A_123 = arith.constant 0 : i32
        %dma_start3A_124 = tpu.memref_slice %dma_start3A_122[%select_n3A, %dma_start3A_123] : memref<2500x128xi32, #tpu.memory_space<hbm>> -> memref<40x128xi32, #tpu.memory_space<hbm>>
        %dma_start3A_125 = arith.constant 0 : i32
        %dma_start3A_126 = arith.constant 0 : i32
        %dma_start3A_127 = tpu.memref_slice %arg5[%dma_start3A_125, %dma_start3A_126] : memref<40x128xi32, #tpu.memory_space<vmem>> -> memref<40x128xi32, #tpu.memory_space<vmem>>
        %dma_start3A_128 = arith.constant 0 : i32
        %dma_start3A_129 = arith.constant 0 : i32
        %dma_start3A_130 = tpu.memref_slice %arg3[%cond3A_50, %dma_start3A_128, %dma_start3A_129] : memref<2x2500x128xi32, #tpu.memory_space<hbm>> -> memref<1x2500x128xi32, #tpu.memory_space<hbm>>
        %dma_start3A_131 = tpu.memref_squeeze %dma_start3A_130 : memref<1x2500x128xi32, #tpu.memory_space<hbm>> -> memref<2500x128xi32, #tpu.memory_space<hbm>>
        %dma_start3A_132 = arith.constant 0 : i32
        %dma_start3A_133 = tpu.memref_slice %dma_start3A_131[%select_n3A, %dma_start3A_132] : memref<2500x128xi32, #tpu.memory_space<hbm>> -> memref<40x128xi32, #tpu.memory_space<hbm>>
        tpu.enqueue_dma source(%dma_start3A_133 : memref<40x128xi32, #tpu.memory_space<hbm>>) target(%dma_start3A_127 : memref<40x128xi32, #tpu.memory_space<vmem>>) target_semaphore(%run_scoped3A : memref<!tpu.dma_semaphore, #tpu.memory_space<semaphore_mem>>)
        %dma_wait3A = arith.constant 0 : i32
        %dma_wait3A_134 = arith.constant 0 : i32
        %dma_wait3A_135 = tpu.memref_slice %arg5[%dma_wait3A, %dma_wait3A_134] : memref<40x128xi32, #tpu.memory_space<vmem>> -> memref<40x128xi32, #tpu.memory_space<vmem>>
        %dma_wait3A_136 = arith.constant 0 : i32
        %dma_wait3A_137 = arith.constant 0 : i32
        %dma_wait3A_138 = tpu.memref_slice %arg3[%cond3A_50, %dma_wait3A_136, %dma_wait3A_137] : memref<2x2500x128xi32, #tpu.memory_space<hbm>> -> memref<1x2500x128xi32, #tpu.memory_space<hbm>>
        %dma_wait3A_139 = tpu.memref_squeeze %dma_wait3A_138 : memref<1x2500x128xi32, #tpu.memory_space<hbm>> -> memref<2500x128xi32, #tpu.memory_space<hbm>>
        %dma_wait3A_140 = arith.constant 0 : i32
        %dma_wait3A_141 = tpu.memref_slice %dma_wait3A_139[%select_n3A, %dma_wait3A_140] : memref<2500x128xi32, #tpu.memory_space<hbm>> -> memref<40x128xi32, #tpu.memory_space<hbm>>
        %dma_wait3A_142 = arith.constant 0 : i32
        %dma_wait3A_143 = arith.constant 0 : i32
        %dma_wait3A_144 = tpu.memref_slice %arg5[%dma_wait3A_142, %dma_wait3A_143] : memref<40x128xi32, #tpu.memory_space<vmem>> -> memref<40x128xi32, #tpu.memory_space<vmem>>
        %dma_wait3A_145 = arith.constant 0 : i32
        %dma_wait3A_146 = arith.constant 0 : i32
        %dma_wait3A_147 = tpu.memref_slice %arg3[%cond3A_50, %dma_wait3A_145, %dma_wait3A_146] : memref<2x2500x128xi32, #tpu.memory_space<hbm>> -> memref<1x2500x128xi32, #tpu.memory_space<hbm>>
        %dma_wait3A_148 = tpu.memref_squeeze %dma_wait3A_147 : memref<1x2500x128xi32, #tpu.memory_space<hbm>> -> memref<2500x128xi32, #tpu.memory_space<hbm>>
        %dma_wait3A_149 = arith.constant 0 : i32
        %dma_wait3A_150 = tpu.memref_slice %dma_wait3A_148[%select_n3A, %dma_wait3A_149] : memref<2500x128xi32, #tpu.memory_space<hbm>> -> memref<40x128xi32, #tpu.memory_space<hbm>>
        tpu.wait_dma2 semaphore(%run_scoped3A : memref<!tpu.dma_semaphore, #tpu.memory_space<semaphore_mem>>) src(%dma_wait3A_150 : memref<40x128xi32, #tpu.memory_space<hbm>>) dst(%dma_wait3A_144 : memref<40x128xi32, #tpu.memory_space<vmem>>)
        tpu.yield
      }) : () -> ()
      "tpu.region"() ({
        %run_scoped3A = tpu.sem_alloc : memref<!tpu.dma_semaphore, #tpu.memory_space<semaphore_mem>>
        %dma_start3A_116 = arith.constant 0 : i32
        %dma_start3A_117 = arith.constant 0 : i32
        %dma_start3A_118 = tpu.memref_slice %arg6[%dma_start3A_116, %dma_start3A_117] : memref<40x128xi32, #tpu.memory_space<vmem>> -> memref<40x128xi32, #tpu.memory_space<vmem>>
        %dma_start3A_119 = arith.constant 0 : i32
        %dma_start3A_120 = arith.constant 0 : i32
        %dma_start3A_121 = tpu.memref_slice %arg3[%cond3A_51, %dma_start3A_119, %dma_start3A_120] : memref<2x2500x128xi32, #tpu.memory_space<hbm>> -> memref<1x2500x128xi32, #tpu.memory_space<hbm>>
        %dma_start3A_122 = tpu.memref_squeeze %dma_start3A_121 : memref<1x2500x128xi32, #tpu.memory_space<hbm>> -> memref<2500x128xi32, #tpu.memory_space<hbm>>
        %dma_start3A_123 = arith.constant 0 : i32
        %dma_start3A_124 = tpu.memref_slice %dma_start3A_122[%select_n3A, %dma_start3A_123] : memref<2500x128xi32, #tpu.memory_space<hbm>> -> memref<40x128xi32, #tpu.memory_space<hbm>>
        %dma_start3A_125 = arith.constant 0 : i32
        %dma_start3A_126 = arith.constant 0 : i32
        %dma_start3A_127 = tpu.memref_slice %arg6[%dma_start3A_125, %dma_start3A_126] : memref<40x128xi32, #tpu.memory_space<vmem>> -> memref<40x128xi32, #tpu.memory_space<vmem>>
        %dma_start3A_128 = arith.constant 0 : i32
        %dma_start3A_129 = arith.constant 0 : i32
        %dma_start3A_130 = tpu.memref_slice %arg3[%cond3A_51, %dma_start3A_128, %dma_start3A_129] : memref<2x2500x128xi32, #tpu.memory_space<hbm>> -> memref<1x2500x128xi32, #tpu.memory_space<hbm>>
        %dma_start3A_131 = tpu.memref_squeeze %dma_start3A_130 : memref<1x2500x128xi32, #tpu.memory_space<hbm>> -> memref<2500x128xi32, #tpu.memory_space<hbm>>
        %dma_start3A_132 = arith.constant 0 : i32
        %dma_start3A_133 = tpu.memref_slice %dma_start3A_131[%select_n3A, %dma_start3A_132] : memref<2500x128xi32, #tpu.memory_space<hbm>> -> memref<40x128xi32, #tpu.memory_space<hbm>>
        tpu.enqueue_dma source(%dma_start3A_133 : memref<40x128xi32, #tpu.memory_space<hbm>>) target(%dma_start3A_127 : memref<40x128xi32, #tpu.memory_space<vmem>>) target_semaphore(%run_scoped3A : memref<!tpu.dma_semaphore, #tpu.memory_space<semaphore_mem>>)
        %dma_wait3A = arith.constant 0 : i32
        %dma_wait3A_134 = arith.constant 0 : i32
        %dma_wait3A_135 = tpu.memref_slice %arg6[%dma_wait3A, %dma_wait3A_134] : memref<40x128xi32, #tpu.memory_space<vmem>> -> memref<40x128xi32, #tpu.memory_space<vmem>>
        %dma_wait3A_136 = arith.constant 0 : i32
        %dma_wait3A_137 = arith.constant 0 : i32
        %dma_wait3A_138 = tpu.memref_slice %arg3[%cond3A_51, %dma_wait3A_136, %dma_wait3A_137] : memref<2x2500x128xi32, #tpu.memory_space<hbm>> -> memref<1x2500x128xi32, #tpu.memory_space<hbm>>
        %dma_wait3A_139 = tpu.memref_squeeze %dma_wait3A_138 : memref<1x2500x128xi32, #tpu.memory_space<hbm>> -> memref<2500x128xi32, #tpu.memory_space<hbm>>
        %dma_wait3A_140 = arith.constant 0 : i32
        %dma_wait3A_141 = tpu.memref_slice %dma_wait3A_139[%select_n3A, %dma_wait3A_140] : memref<2500x128xi32, #tpu.memory_space<hbm>> -> memref<40x128xi32, #tpu.memory_space<hbm>>
        %dma_wait3A_142 = arith.constant 0 : i32
        %dma_wait3A_143 = arith.constant 0 : i32
        %dma_wait3A_144 = tpu.memref_slice %arg6[%dma_wait3A_142, %dma_wait3A_143] : memref<40x128xi32, #tpu.memory_space<vmem>> -> memref<40x128xi32, #tpu.memory_space<vmem>>
        %dma_wait3A_145 = arith.constant 0 : i32
        %dma_wait3A_146 = arith.constant 0 : i32
        %dma_wait3A_147 = tpu.memref_slice %arg3[%cond3A_51, %dma_wait3A_145, %dma_wait3A_146] : memref<2x2500x128xi32, #tpu.memory_space<hbm>> -> memref<1x2500x128xi32, #tpu.memory_space<hbm>>
        %dma_wait3A_148 = tpu.memref_squeeze %dma_wait3A_147 : memref<1x2500x128xi32, #tpu.memory_space<hbm>> -> memref<2500x128xi32, #tpu.memory_space<hbm>>
        %dma_wait3A_149 = arith.constant 0 : i32
        %dma_wait3A_150 = tpu.memref_slice %dma_wait3A_148[%select_n3A, %dma_wait3A_149] : memref<2500x128xi32, #tpu.memory_space<hbm>> -> memref<40x128xi32, #tpu.memory_space<hbm>>
        tpu.wait_dma2 semaphore(%run_scoped3A : memref<!tpu.dma_semaphore, #tpu.memory_space<semaphore_mem>>) src(%dma_wait3A_150 : memref<40x128xi32, #tpu.memory_space<hbm>>) dst(%dma_wait3A_144 : memref<40x128xi32, #tpu.memory_space<vmem>>)
        tpu.yield
      }) : () -> ()
      %dma_start3A = arith.constant 0 : i32
      %dma_start3A_91 = arith.constant 0 : i32
      %dma_start3A_92 = tpu.memref_slice %arg5[%dma_start3A, %dma_start3A_91] : memref<40x128xi32, #tpu.memory_space<vmem>> -> memref<1x128xi32, #tpu.memory_space<vmem>>
      %dma_start3A_93 = tpu.memref_squeeze %dma_start3A_92 : memref<1x128xi32, #tpu.memory_space<vmem>> -> memref<128xi32, #tpu.memory_space<vmem>>
      %dma_start3A_94 = arith.constant 0 : i32
      %dma_start3A_95 = arith.constant 0 : i32
      %dma_start3A_96 = tpu.memref_slice %arg2[%dma_start3A_94, %dma_start3A_95] : memref<10000x128xf32, #tpu.memory_space<hbm>> -> memref<10000x128xf32, #tpu.memory_space<hbm>>
      tpu.enqueue_indirect_dma source(%dma_start3A_96 : memref<10000x128xf32, #tpu.memory_space<hbm>>) target(%arg7 : memref<128x128xf32, #tpu.memory_space<vmem>>) offsets(%dma_start3A_93 : memref<128xi32, #tpu.memory_space<vmem>>) semaphore(%arg10 : memref<!tpu.dma_semaphore, #tpu.memory_space<semaphore_mem>>)
      %scan3A_97 = arith.constant 0 : i32
      %scan3A_98 = arith.constant 20 : i32
      %scan3A_99 = arith.addi %scan3A_97, %scan3A_98 : i32
      %scan3A_100 = arith.constant 1 : i32
      scf.for %scan3A_116 = %scan3A_97 to %scan3A_99 step %scan3A_100  : i32 {
        %mul3A_117 = arith.constant 1 : i32
        %mul3A_118 = arith.muli %scan3A_116, %mul3A_117 : i32
        %add3A_119 = arith.constant 0 : i32
        %add3A_120 = arith.addi %add3A_119, %mul3A_118 : i32
        %mul3A_121 = arith.constant 2 : i32
        %mul3A_122 = arith.muli %mul3A_121, %add3A_120 : i32
        %add3A_123 = arith.constant 0 : i32
        %add3A_124 = arith.addi %mul3A_122, %add3A_123 : i32
        %add3A_125 = arith.constant 2 : i32
        %add3A_126 = arith.addi %add3A_124, %add3A_125 : i32
        %sub3A_127 = arith.constant 1 : i32
        %sub3A_128 = arith.subi %add3A_126, %sub3A_127 : i32
        %lt3A_129 = arith.constant 40 : i32
        %lt3A_130 = arith.cmpi slt, %sub3A_128, %lt3A_129 : i32
        %convert_element_type3A_131 = arith.extui %lt3A_130 : i1 to i32
        %cond3A_132 = arith.constant 0 : i32
        %cond3A_133 = arith.cmpi ne, %convert_element_type3A_131, %cond3A_132 : i32
        scf.if %cond3A_133 {
          %add3A_156 = arith.constant 2 : i32
          %add3A_157 = arith.addi %add3A_124, %add3A_156 : i32
          %sub3A_158 = arith.constant 1 : i32
          %sub3A_159 = arith.subi %add3A_157, %sub3A_158 : i32
          %dma_start3A_160 = arith.constant 0 : i32
          %dma_start3A_161 = tpu.memref_slice %arg5[%sub3A_159, %dma_start3A_160] : memref<40x128xi32, #tpu.memory_space<vmem>> -> memref<1x128xi32, #tpu.memory_space<vmem>>
          %dma_start3A_162 = tpu.memref_squeeze %dma_start3A_161 : memref<1x128xi32, #tpu.memory_space<vmem>> -> memref<128xi32, #tpu.memory_space<vmem>>
          %dma_start3A_163 = arith.constant 0 : i32
          %dma_start3A_164 = arith.constant 0 : i32
          %dma_start3A_165 = tpu.memref_slice %arg2[%dma_start3A_163, %dma_start3A_164] : memref<10000x128xf32, #tpu.memory_space<hbm>> -> memref<10000x128xf32, #tpu.memory_space<hbm>>
          tpu.enqueue_indirect_dma source(%dma_start3A_165 : memref<10000x128xf32, #tpu.memory_space<hbm>>) target(%arg8 : memref<128x128xf32, #tpu.memory_space<vmem>>) offsets(%dma_start3A_162 : memref<128xi32, #tpu.memory_space<vmem>>) semaphore(%arg11 : memref<!tpu.dma_semaphore, #tpu.memory_space<semaphore_mem>>)
        } else {
        }
        %dma_wait3A = arith.constant 0 : i32
        %dma_wait3A_134 = tpu.memref_slice %arg5[%add3A_124, %dma_wait3A] : memref<40x128xi32, #tpu.memory_space<vmem>> -> memref<1x128xi32, #tpu.memory_space<vmem>>
        %dma_wait3A_135 = tpu.memref_squeeze %dma_wait3A_134 : memref<1x128xi32, #tpu.memory_space<vmem>> -> memref<128xi32, #tpu.memory_space<vmem>>
        %dma_wait3A_136 = arith.constant 0 : i32
        %dma_wait3A_137 = arith.constant 0 : i32
        %dma_wait3A_138 = tpu.memref_slice %arg2[%dma_wait3A_136, %dma_wait3A_137] : memref<10000x128xf32, #tpu.memory_space<hbm>> -> memref<10000x128xf32, #tpu.memory_space<hbm>>
        tpu.wait_indirect_dma semaphore(%arg10 : memref<!tpu.dma_semaphore, #tpu.memory_space<semaphore_mem>>) src(%dma_wait3A_138 : memref<10000x128xf32, #tpu.memory_space<hbm>>) dst(%arg7 : memref<128x128xf32, #tpu.memory_space<vmem>>)
        "tpu.region"() ({
          %run_scoped3A = tpu.sem_alloc : memref<!tpu.dma_semaphore, #tpu.memory_space<semaphore_mem>>
          %dma_start3A_156 = arith.constant 0 : i32
          %dma_start3A_157 = tpu.memref_slice %arg6[%add3A_124, %dma_start3A_156] : memref<40x128xi32, #tpu.memory_space<vmem>> -> memref<1x128xi32, #tpu.memory_space<vmem>>
          %dma_start3A_158 = tpu.memref_squeeze %dma_start3A_157 : memref<1x128xi32, #tpu.memory_space<vmem>> -> memref<128xi32, #tpu.memory_space<vmem>>
          %dma_start3A_159 = arith.constant 0 : i32
          %dma_start3A_160 = arith.constant 0 : i32
          %dma_start3A_161 = tpu.memref_slice %arg9[%dma_start3A_159, %dma_start3A_160] : memref<10240x128xf32, #tpu.memory_space<vmem_shared>> -> memref<10240x128xf32, #tpu.memory_space<vmem_shared>>
          tpu.enqueue_indirect_dma source(%arg7 : memref<128x128xf32, #tpu.memory_space<vmem>>) target(%dma_start3A_161 : memref<10240x128xf32, #tpu.memory_space<vmem_shared>>) offsets(%dma_start3A_158 : memref<128xi32, #tpu.memory_space<vmem>>) semaphore(%run_scoped3A : memref<!tpu.dma_semaphore, #tpu.memory_space<semaphore_mem>>) {add = true}
          %dma_wait3A_162 = arith.constant 0 : i32
          %dma_wait3A_163 = tpu.memref_slice %arg6[%add3A_124, %dma_wait3A_162] : memref<40x128xi32, #tpu.memory_space<vmem>> -> memref<1x128xi32, #tpu.memory_space<vmem>>
          %dma_wait3A_164 = tpu.memref_squeeze %dma_wait3A_163 : memref<1x128xi32, #tpu.memory_space<vmem>> -> memref<128xi32, #tpu.memory_space<vmem>>
          %dma_wait3A_165 = arith.constant 0 : i32
          %dma_wait3A_166 = arith.constant 0 : i32
          %dma_wait3A_167 = tpu.memref_slice %arg9[%dma_wait3A_165, %dma_wait3A_166] : memref<10240x128xf32, #tpu.memory_space<vmem_shared>> -> memref<10240x128xf32, #tpu.memory_space<vmem_shared>>
          tpu.wait_indirect_dma semaphore(%run_scoped3A : memref<!tpu.dma_semaphore, #tpu.memory_space<semaphore_mem>>) src(%arg7 : memref<128x128xf32, #tpu.memory_space<vmem>>) dst(%dma_wait3A_167 : memref<10240x128xf32, #tpu.memory_space<vmem_shared>>)
          tpu.yield
        }) : () -> ()
        %add3A_139 = arith.constant 1 : i32
        %add3A_140 = arith.addi %mul3A_122, %add3A_139 : i32
        %add3A_141 = arith.constant 2 : i32
        %add3A_142 = arith.addi %add3A_140, %add3A_141 : i32
        %sub3A_143 = arith.constant 1 : i32
        %sub3A_144 = arith.subi %add3A_142, %sub3A_143 : i32
        %lt3A_145 = arith.constant 40 : i32
        %lt3A_146 = arith.cmpi slt, %sub3A_144, %lt3A_145 : i32
        %convert_element_type3A_147 = arith.extui %lt3A_146 : i1 to i32
        %cond3A_148 = arith.constant 0 : i32
        %cond3A_149 = arith.cmpi ne, %convert_element_type3A_147, %cond3A_148 : i32
        scf.if %cond3A_149 {
          %add3A_156 = arith.constant 2 : i32
          %add3A_157 = arith.addi %add3A_140, %add3A_156 : i32
          %sub3A_158 = arith.constant 1 : i32
          %sub3A_159 = arith.subi %add3A_157, %sub3A_158 : i32
          %dma_start3A_160 = arith.constant 0 : i32
          %dma_start3A_161 = tpu.memref_slice %arg5[%sub3A_159, %dma_start3A_160] : memref<40x128xi32, #tpu.memory_space<vmem>> -> memref<1x128xi32, #tpu.memory_space<vmem>>
          %dma_start3A_162 = tpu.memref_squeeze %dma_start3A_161 : memref<1x128xi32, #tpu.memory_space<vmem>> -> memref<128xi32, #tpu.memory_space<vmem>>
          %dma_start3A_163 = arith.constant 0 : i32
          %dma_start3A_164 = arith.constant 0 : i32
          %dma_start3A_165 = tpu.memref_slice %arg2[%dma_start3A_163, %dma_start3A_164] : memref<10000x128xf32, #tpu.memory_space<hbm>> -> memref<10000x128xf32, #tpu.memory_space<hbm>>
          tpu.enqueue_indirect_dma source(%dma_start3A_165 : memref<10000x128xf32, #tpu.memory_space<hbm>>) target(%arg7 : memref<128x128xf32, #tpu.memory_space<vmem>>) offsets(%dma_start3A_162 : memref<128xi32, #tpu.memory_space<vmem>>) semaphore(%arg10 : memref<!tpu.dma_semaphore, #tpu.memory_space<semaphore_mem>>)
        } else {
        }
        %dma_wait3A_150 = arith.constant 0 : i32
        %dma_wait3A_151 = tpu.memref_slice %arg5[%add3A_140, %dma_wait3A_150] : memref<40x128xi32, #tpu.memory_space<vmem>> -> memref<1x128xi32, #tpu.memory_space<vmem>>
        %dma_wait3A_152 = tpu.memref_squeeze %dma_wait3A_151 : memref<1x128xi32, #tpu.memory_space<vmem>> -> memref<128xi32, #tpu.memory_space<vmem>>
        %dma_wait3A_153 = arith.constant 0 : i32
        %dma_wait3A_154 = arith.constant 0 : i32
        %dma_wait3A_155 = tpu.memref_slice %arg2[%dma_wait3A_153, %dma_wait3A_154] : memref<10000x128xf32, #tpu.memory_space<hbm>> -> memref<10000x128xf32, #tpu.memory_space<hbm>>
        tpu.wait_indirect_dma semaphore(%arg11 : memref<!tpu.dma_semaphore, #tpu.memory_space<semaphore_mem>>) src(%dma_wait3A_155 : memref<10000x128xf32, #tpu.memory_space<hbm>>) dst(%arg8 : memref<128x128xf32, #tpu.memory_space<vmem>>)
        "tpu.region"() ({
          %run_scoped3A = tpu.sem_alloc : memref<!tpu.dma_semaphore, #tpu.memory_space<semaphore_mem>>
          %dma_start3A_156 = arith.constant 0 : i32
          %dma_start3A_157 = tpu.memref_slice %arg6[%add3A_140, %dma_start3A_156] : memref<40x128xi32, #tpu.memory_space<vmem>> -> memref<1x128xi32, #tpu.memory_space<vmem>>
          %dma_start3A_158 = tpu.memref_squeeze %dma_start3A_157 : memref<1x128xi32, #tpu.memory_space<vmem>> -> memref<128xi32, #tpu.memory_space<vmem>>
          %dma_start3A_159 = arith.constant 0 : i32
          %dma_start3A_160 = arith.constant 0 : i32
          %dma_start3A_161 = tpu.memref_slice %arg9[%dma_start3A_159, %dma_start3A_160] : memref<10240x128xf32, #tpu.memory_space<vmem_shared>> -> memref<10240x128xf32, #tpu.memory_space<vmem_shared>>
          tpu.enqueue_indirect_dma source(%arg8 : memref<128x128xf32, #tpu.memory_space<vmem>>) target(%dma_start3A_161 : memref<10240x128xf32, #tpu.memory_space<vmem_shared>>) offsets(%dma_start3A_158 : memref<128xi32, #tpu.memory_space<vmem>>) semaphore(%run_scoped3A : memref<!tpu.dma_semaphore, #tpu.memory_space<semaphore_mem>>) {add = true}
          %dma_wait3A_162 = arith.constant 0 : i32
          %dma_wait3A_163 = tpu.memref_slice %arg6[%add3A_140, %dma_wait3A_162] : memref<40x128xi32, #tpu.memory_space<vmem>> -> memref<1x128xi32, #tpu.memory_space<vmem>>
          %dma_wait3A_164 = tpu.memref_squeeze %dma_wait3A_163 : memref<1x128xi32, #tpu.memory_space<vmem>> -> memref<128xi32, #tpu.memory_space<vmem>>
          %dma_wait3A_165 = arith.constant 0 : i32
          %dma_wait3A_166 = arith.constant 0 : i32
          %dma_wait3A_167 = tpu.memref_slice %arg9[%dma_wait3A_165, %dma_wait3A_166] : memref<10240x128xf32, #tpu.memory_space<vmem_shared>> -> memref<10240x128xf32, #tpu.memory_space<vmem_shared>>
          tpu.wait_indirect_dma semaphore(%run_scoped3A : memref<!tpu.dma_semaphore, #tpu.memory_space<semaphore_mem>>) src(%arg8 : memref<128x128xf32, #tpu.memory_space<vmem>>) dst(%dma_wait3A_167 : memref<10240x128xf32, #tpu.memory_space<vmem_shared>>)
          tpu.yield
        }) : () -> ()
      }
      %scan3A_101 = arith.constant 20 : i32
      %add3A_102 = arith.constant 40 : i32
      %add3A_103 = arith.addi %select_n3A, %add3A_102 : i32
      "tpu.region"() ({
        %run_scoped3A = tpu.sem_alloc : memref<!tpu.dma_semaphore, #tpu.memory_space<semaphore_mem>>
        %dma_start3A_116 = arith.constant 0 : i32
        %dma_start3A_117 = arith.constant 0 : i32
        %dma_start3A_118 = tpu.memref_slice %arg5[%dma_start3A_116, %dma_start3A_117] : memref<40x128xi32, #tpu.memory_space<vmem>> -> memref<32x128xi32, #tpu.memory_space<vmem>>
        %dma_start3A_119 = arith.constant 0 : i32
        %dma_start3A_120 = arith.constant 0 : i32
        %dma_start3A_121 = tpu.memref_slice %arg3[%cond3A_50, %dma_start3A_119, %dma_start3A_120] : memref<2x2500x128xi32, #tpu.memory_space<hbm>> -> memref<1x2500x128xi32, #tpu.memory_space<hbm>>
        %dma_start3A_122 = tpu.memref_squeeze %dma_start3A_121 : memref<1x2500x128xi32, #tpu.memory_space<hbm>> -> memref<2500x128xi32, #tpu.memory_space<hbm>>
        %dma_start3A_123 = arith.constant 0 : i32
        %dma_start3A_124 = tpu.memref_slice %dma_start3A_122[%add3A_103, %dma_start3A_123] : memref<2500x128xi32, #tpu.memory_space<hbm>> -> memref<32x128xi32, #tpu.memory_space<hbm>>
        %dma_start3A_125 = arith.constant 0 : i32
        %dma_start3A_126 = arith.constant 0 : i32
        %dma_start3A_127 = tpu.memref_slice %arg5[%dma_start3A_125, %dma_start3A_126] : memref<40x128xi32, #tpu.memory_space<vmem>> -> memref<32x128xi32, #tpu.memory_space<vmem>>
        %dma_start3A_128 = arith.constant 0 : i32
        %dma_start3A_129 = arith.constant 0 : i32
        %dma_start3A_130 = tpu.memref_slice %arg3[%cond3A_50, %dma_start3A_128, %dma_start3A_129] : memref<2x2500x128xi32, #tpu.memory_space<hbm>> -> memref<1x2500x128xi32, #tpu.memory_space<hbm>>
        %dma_start3A_131 = tpu.memref_squeeze %dma_start3A_130 : memref<1x2500x128xi32, #tpu.memory_space<hbm>> -> memref<2500x128xi32, #tpu.memory_space<hbm>>
        %dma_start3A_132 = arith.constant 0 : i32
        %dma_start3A_133 = tpu.memref_slice %dma_start3A_131[%add3A_103, %dma_start3A_132] : memref<2500x128xi32, #tpu.memory_space<hbm>> -> memref<32x128xi32, #tpu.memory_space<hbm>>
        tpu.enqueue_dma source(%dma_start3A_133 : memref<32x128xi32, #tpu.memory_space<hbm>>) target(%dma_start3A_127 : memref<32x128xi32, #tpu.memory_space<vmem>>) target_semaphore(%run_scoped3A : memref<!tpu.dma_semaphore, #tpu.memory_space<semaphore_mem>>)
        %dma_wait3A = arith.constant 0 : i32
        %dma_wait3A_134 = arith.constant 0 : i32
        %dma_wait3A_135 = tpu.memref_slice %arg5[%dma_wait3A, %dma_wait3A_134] : memref<40x128xi32, #tpu.memory_space<vmem>> -> memref<32x128xi32, #tpu.memory_space<vmem>>
        %dma_wait3A_136 = arith.constant 0 : i32
        %dma_wait3A_137 = arith.constant 0 : i32
        %dma_wait3A_138 = tpu.memref_slice %arg3[%cond3A_50, %dma_wait3A_136, %dma_wait3A_137] : memref<2x2500x128xi32, #tpu.memory_space<hbm>> -> memref<1x2500x128xi32, #tpu.memory_space<hbm>>
        %dma_wait3A_139 = tpu.memref_squeeze %dma_wait3A_138 : memref<1x2500x128xi32, #tpu.memory_space<hbm>> -> memref<2500x128xi32, #tpu.memory_space<hbm>>
        %dma_wait3A_140 = arith.constant 0 : i32
        %dma_wait3A_141 = tpu.memref_slice %dma_wait3A_139[%add3A_103, %dma_wait3A_140] : memref<2500x128xi32, #tpu.memory_space<hbm>> -> memref<32x128xi32, #tpu.memory_space<hbm>>
        %dma_wait3A_142 = arith.constant 0 : i32
        %dma_wait3A_143 = arith.constant 0 : i32
        %dma_wait3A_144 = tpu.memref_slice %arg5[%dma_wait3A_142, %dma_wait3A_143] : memref<40x128xi32, #tpu.memory_space<vmem>> -> memref<32x128xi32, #tpu.memory_space<vmem>>
        %dma_wait3A_145 = arith.constant 0 : i32
        %dma_wait3A_146 = arith.constant 0 : i32
        %dma_wait3A_147 = tpu.memref_slice %arg3[%cond3A_50, %dma_wait3A_145, %dma_wait3A_146] : memref<2x2500x128xi32, #tpu.memory_space<hbm>> -> memref<1x2500x128xi32, #tpu.memory_space<hbm>>
        %dma_wait3A_148 = tpu.memref_squeeze %dma_wait3A_147 : memref<1x2500x128xi32, #tpu.memory_space<hbm>> -> memref<2500x128xi32, #tpu.memory_space<hbm>>
        %dma_wait3A_149 = arith.constant 0 : i32
        %dma_wait3A_150 = tpu.memref_slice %dma_wait3A_148[%add3A_103, %dma_wait3A_149] : memref<2500x128xi32, #tpu.memory_space<hbm>> -> memref<32x128xi32, #tpu.memory_space<hbm>>
        tpu.wait_dma2 semaphore(%run_scoped3A : memref<!tpu.dma_semaphore, #tpu.memory_space<semaphore_mem>>) src(%dma_wait3A_150 : memref<32x128xi32, #tpu.memory_space<hbm>>) dst(%dma_wait3A_144 : memref<32x128xi32, #tpu.memory_space<vmem>>)
        tpu.yield
      }) : () -> ()
      "tpu.region"() ({
        %run_scoped3A = tpu.sem_alloc : memref<!tpu.dma_semaphore, #tpu.memory_space<semaphore_mem>>
        %dma_start3A_116 = arith.constant 0 : i32
        %dma_start3A_117 = arith.constant 0 : i32
        %dma_start3A_118 = tpu.memref_slice %arg6[%dma_start3A_116, %dma_start3A_117] : memref<40x128xi32, #tpu.memory_space<vmem>> -> memref<32x128xi32, #tpu.memory_space<vmem>>
        %dma_start3A_119 = arith.constant 0 : i32
        %dma_start3A_120 = arith.constant 0 : i32
        %dma_start3A_121 = tpu.memref_slice %arg3[%cond3A_51, %dma_start3A_119, %dma_start3A_120] : memref<2x2500x128xi32, #tpu.memory_space<hbm>> -> memref<1x2500x128xi32, #tpu.memory_space<hbm>>
        %dma_start3A_122 = tpu.memref_squeeze %dma_start3A_121 : memref<1x2500x128xi32, #tpu.memory_space<hbm>> -> memref<2500x128xi32, #tpu.memory_space<hbm>>
        %dma_start3A_123 = arith.constant 0 : i32
        %dma_start3A_124 = tpu.memref_slice %dma_start3A_122[%add3A_103, %dma_start3A_123] : memref<2500x128xi32, #tpu.memory_space<hbm>> -> memref<32x128xi32, #tpu.memory_space<hbm>>
        %dma_start3A_125 = arith.constant 0 : i32
        %dma_start3A_126 = arith.constant 0 : i32
        %dma_start3A_127 = tpu.memref_slice %arg6[%dma_start3A_125, %dma_start3A_126] : memref<40x128xi32, #tpu.memory_space<vmem>> -> memref<32x128xi32, #tpu.memory_space<vmem>>
        %dma_start3A_128 = arith.constant 0 : i32
        %dma_start3A_129 = arith.constant 0 : i32
        %dma_start3A_130 = tpu.memref_slice %arg3[%cond3A_51, %dma_start3A_128, %dma_start3A_129] : memref<2x2500x128xi32, #tpu.memory_space<hbm>> -> memref<1x2500x128xi32, #tpu.memory_space<hbm>>
        %dma_start3A_131 = tpu.memref_squeeze %dma_start3A_130 : memref<1x2500x128xi32, #tpu.memory_space<hbm>> -> memref<2500x128xi32, #tpu.memory_space<hbm>>
        %dma_start3A_132 = arith.constant 0 : i32
        %dma_start3A_133 = tpu.memref_slice %dma_start3A_131[%add3A_103, %dma_start3A_132] : memref<2500x128xi32, #tpu.memory_space<hbm>> -> memref<32x128xi32, #tpu.memory_space<hbm>>
        tpu.enqueue_dma source(%dma_start3A_133 : memref<32x128xi32, #tpu.memory_space<hbm>>) target(%dma_start3A_127 : memref<32x128xi32, #tpu.memory_space<vmem>>) target_semaphore(%run_scoped3A : memref<!tpu.dma_semaphore, #tpu.memory_space<semaphore_mem>>)
        %dma_wait3A = arith.constant 0 : i32
        %dma_wait3A_134 = arith.constant 0 : i32
        %dma_wait3A_135 = tpu.memref_slice %arg6[%dma_wait3A, %dma_wait3A_134] : memref<40x128xi32, #tpu.memory_space<vmem>> -> memref<32x128xi32, #tpu.memory_space<vmem>>
        %dma_wait3A_136 = arith.constant 0 : i32
        %dma_wait3A_137 = arith.constant 0 : i32
        %dma_wait3A_138 = tpu.memref_slice %arg3[%cond3A_51, %dma_wait3A_136, %dma_wait3A_137] : memref<2x2500x128xi32, #tpu.memory_space<hbm>> -> memref<1x2500x128xi32, #tpu.memory_space<hbm>>
        %dma_wait3A_139 = tpu.memref_squeeze %dma_wait3A_138 : memref<1x2500x128xi32, #tpu.memory_space<hbm>> -> memref<2500x128xi32, #tpu.memory_space<hbm>>
        %dma_wait3A_140 = arith.constant 0 : i32
        %dma_wait3A_141 = tpu.memref_slice %dma_wait3A_139[%add3A_103, %dma_wait3A_140] : memref<2500x128xi32, #tpu.memory_space<hbm>> -> memref<32x128xi32, #tpu.memory_space<hbm>>
        %dma_wait3A_142 = arith.constant 0 : i32
        %dma_wait3A_143 = arith.constant 0 : i32
        %dma_wait3A_144 = tpu.memref_slice %arg6[%dma_wait3A_142, %dma_wait3A_143] : memref<40x128xi32, #tpu.memory_space<vmem>> -> memref<32x128xi32, #tpu.memory_space<vmem>>
        %dma_wait3A_145 = arith.constant 0 : i32
        %dma_wait3A_146 = arith.constant 0 : i32
        %dma_wait3A_147 = tpu.memref_slice %arg3[%cond3A_51, %dma_wait3A_145, %dma_wait3A_146] : memref<2x2500x128xi32, #tpu.memory_space<hbm>> -> memref<1x2500x128xi32, #tpu.memory_space<hbm>>
        %dma_wait3A_148 = tpu.memref_squeeze %dma_wait3A_147 : memref<1x2500x128xi32, #tpu.memory_space<hbm>> -> memref<2500x128xi32, #tpu.memory_space<hbm>>
        %dma_wait3A_149 = arith.constant 0 : i32
        %dma_wait3A_150 = tpu.memref_slice %dma_wait3A_148[%add3A_103, %dma_wait3A_149] : memref<2500x128xi32, #tpu.memory_space<hbm>> -> memref<32x128xi32, #tpu.memory_space<hbm>>
        tpu.wait_dma2 semaphore(%run_scoped3A : memref<!tpu.dma_semaphore, #tpu.memory_space<semaphore_mem>>) src(%dma_wait3A_150 : memref<32x128xi32, #tpu.memory_space<hbm>>) dst(%dma_wait3A_144 : memref<32x128xi32, #tpu.memory_space<vmem>>)
        tpu.yield
      }) : () -> ()
      %dma_start3A_104 = arith.constant 0 : i32
      %dma_start3A_105 = arith.constant 0 : i32
      %dma_start3A_106 = tpu.memref_slice %arg5[%dma_start3A_104, %dma_start3A_105] : memref<40x128xi32, #tpu.memory_space<vmem>> -> memref<1x128xi32, #tpu.memory_space<vmem>>
      %dma_start3A_107 = tpu.memref_squeeze %dma_start3A_106 : memref<1x128xi32, #tpu.memory_space<vmem>> -> memref<128xi32, #tpu.memory_space<vmem>>
      %dma_start3A_108 = arith.constant 0 : i32
      %dma_start3A_109 = arith.constant 0 : i32
      %dma_start3A_110 = tpu.memref_slice %arg2[%dma_start3A_108, %dma_start3A_109] : memref<10000x128xf32, #tpu.memory_space<hbm>> -> memref<10000x128xf32, #tpu.memory_space<hbm>>
      tpu.enqueue_indirect_dma source(%dma_start3A_110 : memref<10000x128xf32, #tpu.memory_space<hbm>>) target(%arg7 : memref<128x128xf32, #tpu.memory_space<vmem>>) offsets(%dma_start3A_107 : memref<128xi32, #tpu.memory_space<vmem>>) semaphore(%arg10 : memref<!tpu.dma_semaphore, #tpu.memory_space<semaphore_mem>>)
      %scan3A_111 = arith.constant 0 : i32
      %scan3A_112 = arith.constant 16 : i32
      %scan3A_113 = arith.addi %scan3A_111, %scan3A_112 : i32
      %scan3A_114 = arith.constant 1 : i32
      scf.for %scan3A_116 = %scan3A_111 to %scan3A_113 step %scan3A_114  : i32 {
        %mul3A_117 = arith.constant 1 : i32
        %mul3A_118 = arith.muli %scan3A_116, %mul3A_117 : i32
        %add3A_119 = arith.constant 0 : i32
        %add3A_120 = arith.addi %add3A_119, %mul3A_118 : i32
        %mul3A_121 = arith.constant 2 : i32
        %mul3A_122 = arith.muli %mul3A_121, %add3A_120 : i32
        %add3A_123 = arith.constant 0 : i32
        %add3A_124 = arith.addi %mul3A_122, %add3A_123 : i32
        %add3A_125 = arith.constant 2 : i32
        %add3A_126 = arith.addi %add3A_124, %add3A_125 : i32
        %sub3A_127 = arith.constant 1 : i32
        %sub3A_128 = arith.subi %add3A_126, %sub3A_127 : i32
        %lt3A_129 = arith.constant 32 : i32
        %lt3A_130 = arith.cmpi slt, %sub3A_128, %lt3A_129 : i32
        %convert_element_type3A_131 = arith.extui %lt3A_130 : i1 to i32
        %cond3A_132 = arith.constant 0 : i32
        %cond3A_133 = arith.cmpi ne, %convert_element_type3A_131, %cond3A_132 : i32
        scf.if %cond3A_133 {
          %add3A_156 = arith.constant 2 : i32
          %add3A_157 = arith.addi %add3A_124, %add3A_156 : i32
          %sub3A_158 = arith.constant 1 : i32
          %sub3A_159 = arith.subi %add3A_157, %sub3A_158 : i32
          %dma_start3A_160 = arith.constant 0 : i32
          %dma_start3A_161 = tpu.memref_slice %arg5[%sub3A_159, %dma_start3A_160] : memref<40x128xi32, #tpu.memory_space<vmem>> -> memref<1x128xi32, #tpu.memory_space<vmem>>
          %dma_start3A_162 = tpu.memref_squeeze %dma_start3A_161 : memref<1x128xi32, #tpu.memory_space<vmem>> -> memref<128xi32, #tpu.memory_space<vmem>>
          %dma_start3A_163 = arith.constant 0 : i32
          %dma_start3A_164 = arith.constant 0 : i32
          %dma_start3A_165 = tpu.memref_slice %arg2[%dma_start3A_163, %dma_start3A_164] : memref<10000x128xf32, #tpu.memory_space<hbm>> -> memref<10000x128xf32, #tpu.memory_space<hbm>>
          tpu.enqueue_indirect_dma source(%dma_start3A_165 : memref<10000x128xf32, #tpu.memory_space<hbm>>) target(%arg8 : memref<128x128xf32, #tpu.memory_space<vmem>>) offsets(%dma_start3A_162 : memref<128xi32, #tpu.memory_space<vmem>>) semaphore(%arg11 : memref<!tpu.dma_semaphore, #tpu.memory_space<semaphore_mem>>)
        } else {
        }
        %dma_wait3A = arith.constant 0 : i32
        %dma_wait3A_134 = tpu.memref_slice %arg5[%add3A_124, %dma_wait3A] : memref<40x128xi32, #tpu.memory_space<vmem>> -> memref<1x128xi32, #tpu.memory_space<vmem>>
        %dma_wait3A_135 = tpu.memref_squeeze %dma_wait3A_134 : memref<1x128xi32, #tpu.memory_space<vmem>> -> memref<128xi32, #tpu.memory_space<vmem>>
        %dma_wait3A_136 = arith.constant 0 : i32
        %dma_wait3A_137 = arith.constant 0 : i32
        %dma_wait3A_138 = tpu.memref_slice %arg2[%dma_wait3A_136, %dma_wait3A_137] : memref<10000x128xf32, #tpu.memory_space<hbm>> -> memref<10000x128xf32, #tpu.memory_space<hbm>>
        tpu.wait_indirect_dma semaphore(%arg10 : memref<!tpu.dma_semaphore, #tpu.memory_space<semaphore_mem>>) src(%dma_wait3A_138 : memref<10000x128xf32, #tpu.memory_space<hbm>>) dst(%arg7 : memref<128x128xf32, #tpu.memory_space<vmem>>)
        "tpu.region"() ({
          %run_scoped3A = tpu.sem_alloc : memref<!tpu.dma_semaphore, #tpu.memory_space<semaphore_mem>>
          %dma_start3A_156 = arith.constant 0 : i32
          %dma_start3A_157 = tpu.memref_slice %arg6[%add3A_124, %dma_start3A_156] : memref<40x128xi32, #tpu.memory_space<vmem>> -> memref<1x128xi32, #tpu.memory_space<vmem>>
          %dma_start3A_158 = tpu.memref_squeeze %dma_start3A_157 : memref<1x128xi32, #tpu.memory_space<vmem>> -> memref<128xi32, #tpu.memory_space<vmem>>
          %dma_start3A_159 = arith.constant 0 : i32
          %dma_start3A_160 = arith.constant 0 : i32
          %dma_start3A_161 = tpu.memref_slice %arg9[%dma_start3A_159, %dma_start3A_160] : memref<10240x128xf32, #tpu.memory_space<vmem_shared>> -> memref<10240x128xf32, #tpu.memory_space<vmem_shared>>
          tpu.enqueue_indirect_dma source(%arg7 : memref<128x128xf32, #tpu.memory_space<vmem>>) target(%dma_start3A_161 : memref<10240x128xf32, #tpu.memory_space<vmem_shared>>) offsets(%dma_start3A_158 : memref<128xi32, #tpu.memory_space<vmem>>) semaphore(%run_scoped3A : memref<!tpu.dma_semaphore, #tpu.memory_space<semaphore_mem>>) {add = true}
          %dma_wait3A_162 = arith.constant 0 : i32
          %dma_wait3A_163 = tpu.memref_slice %arg6[%add3A_124, %dma_wait3A_162] : memref<40x128xi32, #tpu.memory_space<vmem>> -> memref<1x128xi32, #tpu.memory_space<vmem>>
          %dma_wait3A_164 = tpu.memref_squeeze %dma_wait3A_163 : memref<1x128xi32, #tpu.memory_space<vmem>> -> memref<128xi32, #tpu.memory_space<vmem>>
          %dma_wait3A_165 = arith.constant 0 : i32
          %dma_wait3A_166 = arith.constant 0 : i32
          %dma_wait3A_167 = tpu.memref_slice %arg9[%dma_wait3A_165, %dma_wait3A_166] : memref<10240x128xf32, #tpu.memory_space<vmem_shared>> -> memref<10240x128xf32, #tpu.memory_space<vmem_shared>>
          tpu.wait_indirect_dma semaphore(%run_scoped3A : memref<!tpu.dma_semaphore, #tpu.memory_space<semaphore_mem>>) src(%arg7 : memref<128x128xf32, #tpu.memory_space<vmem>>) dst(%dma_wait3A_167 : memref<10240x128xf32, #tpu.memory_space<vmem_shared>>)
          tpu.yield
        }) : () -> ()
        %add3A_139 = arith.constant 1 : i32
        %add3A_140 = arith.addi %mul3A_122, %add3A_139 : i32
        %add3A_141 = arith.constant 2 : i32
        %add3A_142 = arith.addi %add3A_140, %add3A_141 : i32
        %sub3A_143 = arith.constant 1 : i32
        %sub3A_144 = arith.subi %add3A_142, %sub3A_143 : i32
        %lt3A_145 = arith.constant 32 : i32
        %lt3A_146 = arith.cmpi slt, %sub3A_144, %lt3A_145 : i32
        %convert_element_type3A_147 = arith.extui %lt3A_146 : i1 to i32
        %cond3A_148 = arith.constant 0 : i32
        %cond3A_149 = arith.cmpi ne, %convert_element_type3A_147, %cond3A_148 : i32
        scf.if %cond3A_149 {
          %add3A_156 = arith.constant 2 : i32
          %add3A_157 = arith.addi %add3A_140, %add3A_156 : i32
          %sub3A_158 = arith.constant 1 : i32
          %sub3A_159 = arith.subi %add3A_157, %sub3A_158 : i32
          %dma_start3A_160 = arith.constant 0 : i32
          %dma_start3A_161 = tpu.memref_slice %arg5[%sub3A_159, %dma_start3A_160] : memref<40x128xi32, #tpu.memory_space<vmem>> -> memref<1x128xi32, #tpu.memory_space<vmem>>
          %dma_start3A_162 = tpu.memref_squeeze %dma_start3A_161 : memref<1x128xi32, #tpu.memory_space<vmem>> -> memref<128xi32, #tpu.memory_space<vmem>>
          %dma_start3A_163 = arith.constant 0 : i32
          %dma_start3A_164 = arith.constant 0 : i32
          %dma_start3A_165 = tpu.memref_slice %arg2[%dma_start3A_163, %dma_start3A_164] : memref<10000x128xf32, #tpu.memory_space<hbm>> -> memref<10000x128xf32, #tpu.memory_space<hbm>>
          tpu.enqueue_indirect_dma source(%dma_start3A_165 : memref<10000x128xf32, #tpu.memory_space<hbm>>) target(%arg7 : memref<128x128xf32, #tpu.memory_space<vmem>>) offsets(%dma_start3A_162 : memref<128xi32, #tpu.memory_space<vmem>>) semaphore(%arg10 : memref<!tpu.dma_semaphore, #tpu.memory_space<semaphore_mem>>)
        } else {
        }
        %dma_wait3A_150 = arith.constant 0 : i32
        %dma_wait3A_151 = tpu.memref_slice %arg5[%add3A_140, %dma_wait3A_150] : memref<40x128xi32, #tpu.memory_space<vmem>> -> memref<1x128xi32, #tpu.memory_space<vmem>>
        %dma_wait3A_152 = tpu.memref_squeeze %dma_wait3A_151 : memref<1x128xi32, #tpu.memory_space<vmem>> -> memref<128xi32, #tpu.memory_space<vmem>>
        %dma_wait3A_153 = arith.constant 0 : i32
        %dma_wait3A_154 = arith.constant 0 : i32
        %dma_wait3A_155 = tpu.memref_slice %arg2[%dma_wait3A_153, %dma_wait3A_154] : memref<10000x128xf32, #tpu.memory_space<hbm>> -> memref<10000x128xf32, #tpu.memory_space<hbm>>
        tpu.wait_indirect_dma semaphore(%arg11 : memref<!tpu.dma_semaphore, #tpu.memory_space<semaphore_mem>>) src(%dma_wait3A_155 : memref<10000x128xf32, #tpu.memory_space<hbm>>) dst(%arg8 : memref<128x128xf32, #tpu.memory_space<vmem>>)
        "tpu.region"() ({
          %run_scoped3A = tpu.sem_alloc : memref<!tpu.dma_semaphore, #tpu.memory_space<semaphore_mem>>
          %dma_start3A_156 = arith.constant 0 : i32
          %dma_start3A_157 = tpu.memref_slice %arg6[%add3A_140, %dma_start3A_156] : memref<40x128xi32, #tpu.memory_space<vmem>> -> memref<1x128xi32, #tpu.memory_space<vmem>>
          %dma_start3A_158 = tpu.memref_squeeze %dma_start3A_157 : memref<1x128xi32, #tpu.memory_space<vmem>> -> memref<128xi32, #tpu.memory_space<vmem>>
          %dma_start3A_159 = arith.constant 0 : i32
          %dma_start3A_160 = arith.constant 0 : i32
          %dma_start3A_161 = tpu.memref_slice %arg9[%dma_start3A_159, %dma_start3A_160] : memref<10240x128xf32, #tpu.memory_space<vmem_shared>> -> memref<10240x128xf32, #tpu.memory_space<vmem_shared>>
          tpu.enqueue_indirect_dma source(%arg8 : memref<128x128xf32, #tpu.memory_space<vmem>>) target(%dma_start3A_161 : memref<10240x128xf32, #tpu.memory_space<vmem_shared>>) offsets(%dma_start3A_158 : memref<128xi32, #tpu.memory_space<vmem>>) semaphore(%run_scoped3A : memref<!tpu.dma_semaphore, #tpu.memory_space<semaphore_mem>>) {add = true}
          %dma_wait3A_162 = arith.constant 0 : i32
          %dma_wait3A_163 = tpu.memref_slice %arg6[%add3A_140, %dma_wait3A_162] : memref<40x128xi32, #tpu.memory_space<vmem>> -> memref<1x128xi32, #tpu.memory_space<vmem>>
          %dma_wait3A_164 = tpu.memref_squeeze %dma_wait3A_163 : memref<1x128xi32, #tpu.memory_space<vmem>> -> memref<128xi32, #tpu.memory_space<vmem>>
          %dma_wait3A_165 = arith.constant 0 : i32
          %dma_wait3A_166 = arith.constant 0 : i32
          %dma_wait3A_167 = tpu.memref_slice %arg9[%dma_wait3A_165, %dma_wait3A_166] : memref<10240x128xf32, #tpu.memory_space<vmem_shared>> -> memref<10240x128xf32, #tpu.memory_space<vmem_shared>>
          tpu.wait_indirect_dma semaphore(%run_scoped3A : memref<!tpu.dma_semaphore, #tpu.memory_space<semaphore_mem>>) src(%arg8 : memref<128x128xf32, #tpu.memory_space<vmem>>) dst(%dma_wait3A_167 : memref<10240x128xf32, #tpu.memory_space<vmem_shared>>)
          tpu.yield
        }) : () -> ()
      }
      %scan3A_115 = arith.constant 16 : i32
    } else {
    }
    %eq3A = arith.constant 31 : i32
    %eq3A_54 = arith.cmpi eq, %add3A, %eq3A : i32
    %convert_element_type3A_55 = arith.extui %eq3A_54 : i1 to i32
    %cond3A_56 = arith.constant 0 : i32
    %cond3A_57 = arith.constant 1 : i32
    %cond3A_58 = arith.constant 0 : i32
    %cond3A_59 = arith.cmpi ne, %convert_element_type3A_55, %cond3A_58 : i32
    scf.if %cond3A_59 {
      "tpu.region"() ({
        %run_scoped3A = tpu.sem_alloc : memref<!tpu.dma_semaphore, #tpu.memory_space<semaphore_mem>>
        %dma_start3A_102 = arith.constant 0 : i32
        %dma_start3A_103 = arith.constant 0 : i32
        %dma_start3A_104 = tpu.memref_slice %arg5[%dma_start3A_102, %dma_start3A_103] : memref<40x128xi32, #tpu.memory_space<vmem>> -> memref<4x128xi32, #tpu.memory_space<vmem>>
        %dma_start3A_105 = arith.constant 0 : i32
        %dma_start3A_106 = arith.constant 0 : i32
        %dma_start3A_107 = tpu.memref_slice %arg3[%cond3A_56, %dma_start3A_105, %dma_start3A_106] : memref<2x2500x128xi32, #tpu.memory_space<hbm>> -> memref<1x2500x128xi32, #tpu.memory_space<hbm>>
        %dma_start3A_108 = tpu.memref_squeeze %dma_start3A_107 : memref<1x2500x128xi32, #tpu.memory_space<hbm>> -> memref<2500x128xi32, #tpu.memory_space<hbm>>
        %dma_start3A_109 = arith.constant 2496 : i32
        %dma_start3A_110 = arith.constant 0 : i32
        %dma_start3A_111 = tpu.memref_slice %dma_start3A_108[%dma_start3A_109, %dma_start3A_110] : memref<2500x128xi32, #tpu.memory_space<hbm>> -> memref<4x128xi32, #tpu.memory_space<hbm>>
        %dma_start3A_112 = arith.constant 0 : i32
        %dma_start3A_113 = arith.constant 0 : i32
        %dma_start3A_114 = tpu.memref_slice %arg5[%dma_start3A_112, %dma_start3A_113] : memref<40x128xi32, #tpu.memory_space<vmem>> -> memref<4x128xi32, #tpu.memory_space<vmem>>
        %dma_start3A_115 = arith.constant 0 : i32
        %dma_start3A_116 = arith.constant 0 : i32
        %dma_start3A_117 = tpu.memref_slice %arg3[%cond3A_56, %dma_start3A_115, %dma_start3A_116] : memref<2x2500x128xi32, #tpu.memory_space<hbm>> -> memref<1x2500x128xi32, #tpu.memory_space<hbm>>
        %dma_start3A_118 = tpu.memref_squeeze %dma_start3A_117 : memref<1x2500x128xi32, #tpu.memory_space<hbm>> -> memref<2500x128xi32, #tpu.memory_space<hbm>>
        %dma_start3A_119 = arith.constant 2496 : i32
        %dma_start3A_120 = arith.constant 0 : i32
        %dma_start3A_121 = tpu.memref_slice %dma_start3A_118[%dma_start3A_119, %dma_start3A_120] : memref<2500x128xi32, #tpu.memory_space<hbm>> -> memref<4x128xi32, #tpu.memory_space<hbm>>
        tpu.enqueue_dma source(%dma_start3A_121 : memref<4x128xi32, #tpu.memory_space<hbm>>) target(%dma_start3A_114 : memref<4x128xi32, #tpu.memory_space<vmem>>) target_semaphore(%run_scoped3A : memref<!tpu.dma_semaphore, #tpu.memory_space<semaphore_mem>>)
        %dma_wait3A = arith.constant 0 : i32
        %dma_wait3A_122 = arith.constant 0 : i32
        %dma_wait3A_123 = tpu.memref_slice %arg5[%dma_wait3A, %dma_wait3A_122] : memref<40x128xi32, #tpu.memory_space<vmem>> -> memref<4x128xi32, #tpu.memory_space<vmem>>
        %dma_wait3A_124 = arith.constant 0 : i32
        %dma_wait3A_125 = arith.constant 0 : i32
        %dma_wait3A_126 = tpu.memref_slice %arg3[%cond3A_56, %dma_wait3A_124, %dma_wait3A_125] : memref<2x2500x128xi32, #tpu.memory_space<hbm>> -> memref<1x2500x128xi32, #tpu.memory_space<hbm>>
        %dma_wait3A_127 = tpu.memref_squeeze %dma_wait3A_126 : memref<1x2500x128xi32, #tpu.memory_space<hbm>> -> memref<2500x128xi32, #tpu.memory_space<hbm>>
        %dma_wait3A_128 = arith.constant 2496 : i32
        %dma_wait3A_129 = arith.constant 0 : i32
        %dma_wait3A_130 = tpu.memref_slice %dma_wait3A_127[%dma_wait3A_128, %dma_wait3A_129] : memref<2500x128xi32, #tpu.memory_space<hbm>> -> memref<4x128xi32, #tpu.memory_space<hbm>>
        %dma_wait3A_131 = arith.constant 0 : i32
        %dma_wait3A_132 = arith.constant 0 : i32
        %dma_wait3A_133 = tpu.memref_slice %arg5[%dma_wait3A_131, %dma_wait3A_132] : memref<40x128xi32, #tpu.memory_space<vmem>> -> memref<4x128xi32, #tpu.memory_space<vmem>>
        %dma_wait3A_134 = arith.constant 0 : i32
        %dma_wait3A_135 = arith.constant 0 : i32
        %dma_wait3A_136 = tpu.memref_slice %arg3[%cond3A_56, %dma_wait3A_134, %dma_wait3A_135] : memref<2x2500x128xi32, #tpu.memory_space<hbm>> -> memref<1x2500x128xi32, #tpu.memory_space<hbm>>
        %dma_wait3A_137 = tpu.memref_squeeze %dma_wait3A_136 : memref<1x2500x128xi32, #tpu.memory_space<hbm>> -> memref<2500x128xi32, #tpu.memory_space<hbm>>
        %dma_wait3A_138 = arith.constant 2496 : i32
        %dma_wait3A_139 = arith.constant 0 : i32
        %dma_wait3A_140 = tpu.memref_slice %dma_wait3A_137[%dma_wait3A_138, %dma_wait3A_139] : memref<2500x128xi32, #tpu.memory_space<hbm>> -> memref<4x128xi32, #tpu.memory_space<hbm>>
        tpu.wait_dma2 semaphore(%run_scoped3A : memref<!tpu.dma_semaphore, #tpu.memory_space<semaphore_mem>>) src(%dma_wait3A_140 : memref<4x128xi32, #tpu.memory_space<hbm>>) dst(%dma_wait3A_133 : memref<4x128xi32, #tpu.memory_space<vmem>>)
        tpu.yield
      }) : () -> ()
      "tpu.region"() ({
        %run_scoped3A = tpu.sem_alloc : memref<!tpu.dma_semaphore, #tpu.memory_space<semaphore_mem>>
        %dma_start3A_102 = arith.constant 0 : i32
        %dma_start3A_103 = arith.constant 0 : i32
        %dma_start3A_104 = tpu.memref_slice %arg6[%dma_start3A_102, %dma_start3A_103] : memref<40x128xi32, #tpu.memory_space<vmem>> -> memref<4x128xi32, #tpu.memory_space<vmem>>
        %dma_start3A_105 = arith.constant 0 : i32
        %dma_start3A_106 = arith.constant 0 : i32
        %dma_start3A_107 = tpu.memref_slice %arg3[%cond3A_57, %dma_start3A_105, %dma_start3A_106] : memref<2x2500x128xi32, #tpu.memory_space<hbm>> -> memref<1x2500x128xi32, #tpu.memory_space<hbm>>
        %dma_start3A_108 = tpu.memref_squeeze %dma_start3A_107 : memref<1x2500x128xi32, #tpu.memory_space<hbm>> -> memref<2500x128xi32, #tpu.memory_space<hbm>>
        %dma_start3A_109 = arith.constant 2496 : i32
        %dma_start3A_110 = arith.constant 0 : i32
        %dma_start3A_111 = tpu.memref_slice %dma_start3A_108[%dma_start3A_109, %dma_start3A_110] : memref<2500x128xi32, #tpu.memory_space<hbm>> -> memref<4x128xi32, #tpu.memory_space<hbm>>
        %dma_start3A_112 = arith.constant 0 : i32
        %dma_start3A_113 = arith.constant 0 : i32
        %dma_start3A_114 = tpu.memref_slice %arg6[%dma_start3A_112, %dma_start3A_113] : memref<40x128xi32, #tpu.memory_space<vmem>> -> memref<4x128xi32, #tpu.memory_space<vmem>>
        %dma_start3A_115 = arith.constant 0 : i32
        %dma_start3A_116 = arith.constant 0 : i32
        %dma_start3A_117 = tpu.memref_slice %arg3[%cond3A_57, %dma_start3A_115, %dma_start3A_116] : memref<2x2500x128xi32, #tpu.memory_space<hbm>> -> memref<1x2500x128xi32, #tpu.memory_space<hbm>>
        %dma_start3A_118 = tpu.memref_squeeze %dma_start3A_117 : memref<1x2500x128xi32, #tpu.memory_space<hbm>> -> memref<2500x128xi32, #tpu.memory_space<hbm>>
        %dma_start3A_119 = arith.constant 2496 : i32
        %dma_start3A_120 = arith.constant 0 : i32
        %dma_start3A_121 = tpu.memref_slice %dma_start3A_118[%dma_start3A_119, %dma_start3A_120] : memref<2500x128xi32, #tpu.memory_space<hbm>> -> memref<4x128xi32, #tpu.memory_space<hbm>>
        tpu.enqueue_dma source(%dma_start3A_121 : memref<4x128xi32, #tpu.memory_space<hbm>>) target(%dma_start3A_114 : memref<4x128xi32, #tpu.memory_space<vmem>>) target_semaphore(%run_scoped3A : memref<!tpu.dma_semaphore, #tpu.memory_space<semaphore_mem>>)
        %dma_wait3A = arith.constant 0 : i32
        %dma_wait3A_122 = arith.constant 0 : i32
        %dma_wait3A_123 = tpu.memref_slice %arg6[%dma_wait3A, %dma_wait3A_122] : memref<40x128xi32, #tpu.memory_space<vmem>> -> memref<4x128xi32, #tpu.memory_space<vmem>>
        %dma_wait3A_124 = arith.constant 0 : i32
        %dma_wait3A_125 = arith.constant 0 : i32
        %dma_wait3A_126 = tpu.memref_slice %arg3[%cond3A_57, %dma_wait3A_124, %dma_wait3A_125] : memref<2x2500x128xi32, #tpu.memory_space<hbm>> -> memref<1x2500x128xi32, #tpu.memory_space<hbm>>
        %dma_wait3A_127 = tpu.memref_squeeze %dma_wait3A_126 : memref<1x2500x128xi32, #tpu.memory_space<hbm>> -> memref<2500x128xi32, #tpu.memory_space<hbm>>
        %dma_wait3A_128 = arith.constant 2496 : i32
        %dma_wait3A_129 = arith.constant 0 : i32
        %dma_wait3A_130 = tpu.memref_slice %dma_wait3A_127[%dma_wait3A_128, %dma_wait3A_129] : memref<2500x128xi32, #tpu.memory_space<hbm>> -> memref<4x128xi32, #tpu.memory_space<hbm>>
        %dma_wait3A_131 = arith.constant 0 : i32
        %dma_wait3A_132 = arith.constant 0 : i32
        %dma_wait3A_133 = tpu.memref_slice %arg6[%dma_wait3A_131, %dma_wait3A_132] : memref<40x128xi32, #tpu.memory_space<vmem>> -> memref<4x128xi32, #tpu.memory_space<vmem>>
        %dma_wait3A_134 = arith.constant 0 : i32
        %dma_wait3A_135 = arith.constant 0 : i32
        %dma_wait3A_136 = tpu.memref_slice %arg3[%cond3A_57, %dma_wait3A_134, %dma_wait3A_135] : memref<2x2500x128xi32, #tpu.memory_space<hbm>> -> memref<1x2500x128xi32, #tpu.memory_space<hbm>>
        %dma_wait3A_137 = tpu.memref_squeeze %dma_wait3A_136 : memref<1x2500x128xi32, #tpu.memory_space<hbm>> -> memref<2500x128xi32, #tpu.memory_space<hbm>>
        %dma_wait3A_138 = arith.constant 2496 : i32
        %dma_wait3A_139 = arith.constant 0 : i32
        %dma_wait3A_140 = tpu.memref_slice %dma_wait3A_137[%dma_wait3A_138, %dma_wait3A_139] : memref<2500x128xi32, #tpu.memory_space<hbm>> -> memref<4x128xi32, #tpu.memory_space<hbm>>
        tpu.wait_dma2 semaphore(%run_scoped3A : memref<!tpu.dma_semaphore, #tpu.memory_space<semaphore_mem>>) src(%dma_wait3A_140 : memref<4x128xi32, #tpu.memory_space<hbm>>) dst(%dma_wait3A_133 : memref<4x128xi32, #tpu.memory_space<vmem>>)
        tpu.yield
      }) : () -> ()
      %dma_start3A = arith.constant 0 : i32
      %dma_start3A_91 = arith.constant 0 : i32
      %dma_start3A_92 = tpu.memref_slice %arg5[%dma_start3A, %dma_start3A_91] : memref<40x128xi32, #tpu.memory_space<vmem>> -> memref<1x128xi32, #tpu.memory_space<vmem>>
      %dma_start3A_93 = tpu.memref_squeeze %dma_start3A_92 : memref<1x128xi32, #tpu.memory_space<vmem>> -> memref<128xi32, #tpu.memory_space<vmem>>
      %dma_start3A_94 = arith.constant 0 : i32
      %dma_start3A_95 = arith.constant 0 : i32
      %dma_start3A_96 = tpu.memref_slice %arg2[%dma_start3A_94, %dma_start3A_95] : memref<10000x128xf32, #tpu.memory_space<hbm>> -> memref<10000x128xf32, #tpu.memory_space<hbm>>
      tpu.enqueue_indirect_dma source(%dma_start3A_96 : memref<10000x128xf32, #tpu.memory_space<hbm>>) target(%arg7 : memref<128x128xf32, #tpu.memory_space<vmem>>) offsets(%dma_start3A_93 : memref<128xi32, #tpu.memory_space<vmem>>) semaphore(%arg10 : memref<!tpu.dma_semaphore, #tpu.memory_space<semaphore_mem>>)
      %scan3A_97 = arith.constant 0 : i32
      %scan3A_98 = arith.constant 2 : i32
      %scan3A_99 = arith.addi %scan3A_97, %scan3A_98 : i32
      %scan3A_100 = arith.constant 1 : i32
      scf.for %scan3A_102 = %scan3A_97 to %scan3A_99 step %scan3A_100  : i32 {
        %mul3A_103 = arith.constant 1 : i32
        %mul3A_104 = arith.muli %scan3A_102, %mul3A_103 : i32
        %add3A_105 = arith.constant 0 : i32
        %add3A_106 = arith.addi %add3A_105, %mul3A_104 : i32
        %mul3A_107 = arith.constant 2 : i32
        %mul3A_108 = arith.muli %mul3A_107, %add3A_106 : i32
        %add3A_109 = arith.constant 0 : i32
        %add3A_110 = arith.addi %mul3A_108, %add3A_109 : i32
        %add3A_111 = arith.constant 2 : i32
        %add3A_112 = arith.addi %add3A_110, %add3A_111 : i32
        %sub3A_113 = arith.constant 1 : i32
        %sub3A_114 = arith.subi %add3A_112, %sub3A_113 : i32
        %lt3A_115 = arith.constant 4 : i32
        %lt3A_116 = arith.cmpi slt, %sub3A_114, %lt3A_115 : i32
        %convert_element_type3A_117 = arith.extui %lt3A_116 : i1 to i32
        %cond3A_118 = arith.constant 0 : i32
        %cond3A_119 = arith.cmpi ne, %convert_element_type3A_117, %cond3A_118 : i32
        scf.if %cond3A_119 {
          %add3A_142 = arith.constant 2 : i32
          %add3A_143 = arith.addi %add3A_110, %add3A_142 : i32
          %sub3A_144 = arith.constant 1 : i32
          %sub3A_145 = arith.subi %add3A_143, %sub3A_144 : i32
          %dma_start3A_146 = arith.constant 0 : i32
          %dma_start3A_147 = tpu.memref_slice %arg5[%sub3A_145, %dma_start3A_146] : memref<40x128xi32, #tpu.memory_space<vmem>> -> memref<1x128xi32, #tpu.memory_space<vmem>>
          %dma_start3A_148 = tpu.memref_squeeze %dma_start3A_147 : memref<1x128xi32, #tpu.memory_space<vmem>> -> memref<128xi32, #tpu.memory_space<vmem>>
          %dma_start3A_149 = arith.constant 0 : i32
          %dma_start3A_150 = arith.constant 0 : i32
          %dma_start3A_151 = tpu.memref_slice %arg2[%dma_start3A_149, %dma_start3A_150] : memref<10000x128xf32, #tpu.memory_space<hbm>> -> memref<10000x128xf32, #tpu.memory_space<hbm>>
          tpu.enqueue_indirect_dma source(%dma_start3A_151 : memref<10000x128xf32, #tpu.memory_space<hbm>>) target(%arg8 : memref<128x128xf32, #tpu.memory_space<vmem>>) offsets(%dma_start3A_148 : memref<128xi32, #tpu.memory_space<vmem>>) semaphore(%arg11 : memref<!tpu.dma_semaphore, #tpu.memory_space<semaphore_mem>>)
        } else {
        }
        %dma_wait3A = arith.constant 0 : i32
        %dma_wait3A_120 = tpu.memref_slice %arg5[%add3A_110, %dma_wait3A] : memref<40x128xi32, #tpu.memory_space<vmem>> -> memref<1x128xi32, #tpu.memory_space<vmem>>
        %dma_wait3A_121 = tpu.memref_squeeze %dma_wait3A_120 : memref<1x128xi32, #tpu.memory_space<vmem>> -> memref<128xi32, #tpu.memory_space<vmem>>
        %dma_wait3A_122 = arith.constant 0 : i32
        %dma_wait3A_123 = arith.constant 0 : i32
        %dma_wait3A_124 = tpu.memref_slice %arg2[%dma_wait3A_122, %dma_wait3A_123] : memref<10000x128xf32, #tpu.memory_space<hbm>> -> memref<10000x128xf32, #tpu.memory_space<hbm>>
        tpu.wait_indirect_dma semaphore(%arg10 : memref<!tpu.dma_semaphore, #tpu.memory_space<semaphore_mem>>) src(%dma_wait3A_124 : memref<10000x128xf32, #tpu.memory_space<hbm>>) dst(%arg7 : memref<128x128xf32, #tpu.memory_space<vmem>>)
        "tpu.region"() ({
          %run_scoped3A = tpu.sem_alloc : memref<!tpu.dma_semaphore, #tpu.memory_space<semaphore_mem>>
          %dma_start3A_142 = arith.constant 0 : i32
          %dma_start3A_143 = tpu.memref_slice %arg6[%add3A_110, %dma_start3A_142] : memref<40x128xi32, #tpu.memory_space<vmem>> -> memref<1x128xi32, #tpu.memory_space<vmem>>
          %dma_start3A_144 = tpu.memref_squeeze %dma_start3A_143 : memref<1x128xi32, #tpu.memory_space<vmem>> -> memref<128xi32, #tpu.memory_space<vmem>>
          %dma_start3A_145 = arith.constant 0 : i32
          %dma_start3A_146 = arith.constant 0 : i32
          %dma_start3A_147 = tpu.memref_slice %arg9[%dma_start3A_145, %dma_start3A_146] : memref<10240x128xf32, #tpu.memory_space<vmem_shared>> -> memref<10240x128xf32, #tpu.memory_space<vmem_shared>>
          tpu.enqueue_indirect_dma source(%arg7 : memref<128x128xf32, #tpu.memory_space<vmem>>) target(%dma_start3A_147 : memref<10240x128xf32, #tpu.memory_space<vmem_shared>>) offsets(%dma_start3A_144 : memref<128xi32, #tpu.memory_space<vmem>>) semaphore(%run_scoped3A : memref<!tpu.dma_semaphore, #tpu.memory_space<semaphore_mem>>) {add = true}
          %dma_wait3A_148 = arith.constant 0 : i32
          %dma_wait3A_149 = tpu.memref_slice %arg6[%add3A_110, %dma_wait3A_148] : memref<40x128xi32, #tpu.memory_space<vmem>> -> memref<1x128xi32, #tpu.memory_space<vmem>>
          %dma_wait3A_150 = tpu.memref_squeeze %dma_wait3A_149 : memref<1x128xi32, #tpu.memory_space<vmem>> -> memref<128xi32, #tpu.memory_space<vmem>>
          %dma_wait3A_151 = arith.constant 0 : i32
          %dma_wait3A_152 = arith.constant 0 : i32
          %dma_wait3A_153 = tpu.memref_slice %arg9[%dma_wait3A_151, %dma_wait3A_152] : memref<10240x128xf32, #tpu.memory_space<vmem_shared>> -> memref<10240x128xf32, #tpu.memory_space<vmem_shared>>
          tpu.wait_indirect_dma semaphore(%run_scoped3A : memref<!tpu.dma_semaphore, #tpu.memory_space<semaphore_mem>>) src(%arg7 : memref<128x128xf32, #tpu.memory_space<vmem>>) dst(%dma_wait3A_153 : memref<10240x128xf32, #tpu.memory_space<vmem_shared>>)
          tpu.yield
        }) : () -> ()
        %add3A_125 = arith.constant 1 : i32
        %add3A_126 = arith.addi %mul3A_108, %add3A_125 : i32
        %add3A_127 = arith.constant 2 : i32
        %add3A_128 = arith.addi %add3A_126, %add3A_127 : i32
        %sub3A_129 = arith.constant 1 : i32
        %sub3A_130 = arith.subi %add3A_128, %sub3A_129 : i32
        %lt3A_131 = arith.constant 4 : i32
        %lt3A_132 = arith.cmpi slt, %sub3A_130, %lt3A_131 : i32
        %convert_element_type3A_133 = arith.extui %lt3A_132 : i1 to i32
        %cond3A_134 = arith.constant 0 : i32
        %cond3A_135 = arith.cmpi ne, %convert_element_type3A_133, %cond3A_134 : i32
        scf.if %cond3A_135 {
          %add3A_142 = arith.constant 2 : i32
          %add3A_143 = arith.addi %add3A_126, %add3A_142 : i32
          %sub3A_144 = arith.constant 1 : i32
          %sub3A_145 = arith.subi %add3A_143, %sub3A_144 : i32
          %dma_start3A_146 = arith.constant 0 : i32
          %dma_start3A_147 = tpu.memref_slice %arg5[%sub3A_145, %dma_start3A_146] : memref<40x128xi32, #tpu.memory_space<vmem>> -> memref<1x128xi32, #tpu.memory_space<vmem>>
          %dma_start3A_148 = tpu.memref_squeeze %dma_start3A_147 : memref<1x128xi32, #tpu.memory_space<vmem>> -> memref<128xi32, #tpu.memory_space<vmem>>
          %dma_start3A_149 = arith.constant 0 : i32
          %dma_start3A_150 = arith.constant 0 : i32
          %dma_start3A_151 = tpu.memref_slice %arg2[%dma_start3A_149, %dma_start3A_150] : memref<10000x128xf32, #tpu.memory_space<hbm>> -> memref<10000x128xf32, #tpu.memory_space<hbm>>
          tpu.enqueue_indirect_dma source(%dma_start3A_151 : memref<10000x128xf32, #tpu.memory_space<hbm>>) target(%arg7 : memref<128x128xf32, #tpu.memory_space<vmem>>) offsets(%dma_start3A_148 : memref<128xi32, #tpu.memory_space<vmem>>) semaphore(%arg10 : memref<!tpu.dma_semaphore, #tpu.memory_space<semaphore_mem>>)
        } else {
        }
        %dma_wait3A_136 = arith.constant 0 : i32
        %dma_wait3A_137 = tpu.memref_slice %arg5[%add3A_126, %dma_wait3A_136] : memref<40x128xi32, #tpu.memory_space<vmem>> -> memref<1x128xi32, #tpu.memory_space<vmem>>
        %dma_wait3A_138 = tpu.memref_squeeze %dma_wait3A_137 : memref<1x128xi32, #tpu.memory_space<vmem>> -> memref<128xi32, #tpu.memory_space<vmem>>
        %dma_wait3A_139 = arith.constant 0 : i32
        %dma_wait3A_140 = arith.constant 0 : i32
        %dma_wait3A_141 = tpu.memref_slice %arg2[%dma_wait3A_139, %dma_wait3A_140] : memref<10000x128xf32, #tpu.memory_space<hbm>> -> memref<10000x128xf32, #tpu.memory_space<hbm>>
        tpu.wait_indirect_dma semaphore(%arg11 : memref<!tpu.dma_semaphore, #tpu.memory_space<semaphore_mem>>) src(%dma_wait3A_141 : memref<10000x128xf32, #tpu.memory_space<hbm>>) dst(%arg8 : memref<128x128xf32, #tpu.memory_space<vmem>>)
        "tpu.region"() ({
          %run_scoped3A = tpu.sem_alloc : memref<!tpu.dma_semaphore, #tpu.memory_space<semaphore_mem>>
          %dma_start3A_142 = arith.constant 0 : i32
          %dma_start3A_143 = tpu.memref_slice %arg6[%add3A_126, %dma_start3A_142] : memref<40x128xi32, #tpu.memory_space<vmem>> -> memref<1x128xi32, #tpu.memory_space<vmem>>
          %dma_start3A_144 = tpu.memref_squeeze %dma_start3A_143 : memref<1x128xi32, #tpu.memory_space<vmem>> -> memref<128xi32, #tpu.memory_space<vmem>>
          %dma_start3A_145 = arith.constant 0 : i32
          %dma_start3A_146 = arith.constant 0 : i32
          %dma_start3A_147 = tpu.memref_slice %arg9[%dma_start3A_145, %dma_start3A_146] : memref<10240x128xf32, #tpu.memory_space<vmem_shared>> -> memref<10240x128xf32, #tpu.memory_space<vmem_shared>>
          tpu.enqueue_indirect_dma source(%arg8 : memref<128x128xf32, #tpu.memory_space<vmem>>) target(%dma_start3A_147 : memref<10240x128xf32, #tpu.memory_space<vmem_shared>>) offsets(%dma_start3A_144 : memref<128xi32, #tpu.memory_space<vmem>>) semaphore(%run_scoped3A : memref<!tpu.dma_semaphore, #tpu.memory_space<semaphore_mem>>) {add = true}
          %dma_wait3A_148 = arith.constant 0 : i32
          %dma_wait3A_149 = tpu.memref_slice %arg6[%add3A_126, %dma_wait3A_148] : memref<40x128xi32, #tpu.memory_space<vmem>> -> memref<1x128xi32, #tpu.memory_space<vmem>>
          %dma_wait3A_150 = tpu.memref_squeeze %dma_wait3A_149 : memref<1x128xi32, #tpu.memory_space<vmem>> -> memref<128xi32, #tpu.memory_space<vmem>>
          %dma_wait3A_151 = arith.constant 0 : i32
          %dma_wait3A_152 = arith.constant 0 : i32
          %dma_wait3A_153 = tpu.memref_slice %arg9[%dma_wait3A_151, %dma_wait3A_152] : memref<10240x128xf32, #tpu.memory_space<vmem_shared>> -> memref<10240x128xf32, #tpu.memory_space<vmem_shared>>
          tpu.wait_indirect_dma semaphore(%run_scoped3A : memref<!tpu.dma_semaphore, #tpu.memory_space<semaphore_mem>>) src(%arg8 : memref<128x128xf32, #tpu.memory_space<vmem>>) dst(%dma_wait3A_153 : memref<10240x128xf32, #tpu.memory_space<vmem_shared>>)
          tpu.yield
        }) : () -> ()
      }
      %scan3A_101 = arith.constant 2 : i32
    } else {
    }
    %barrier3A_60 = arith.constant 0 : index
    tpu.barrier barrier_id(%barrier3A_60)
    %mul3A_61 = arith.constant 5 : i32
    %mul3A_62 = arith.muli %arg1, %mul3A_61 : i32
    %add3A_63 = arith.constant 0 : i32
    %add3A_64 = arith.addi %mul3A_62, %add3A_63 : i32
    %mul3A_65 = arith.constant 128 : i32
    %mul3A_66 = arith.muli %add3A_64, %mul3A_65 : i32
    "tpu.region"() ({
      %run_scoped3A = tpu.sem_alloc : memref<!tpu.dma_semaphore, #tpu.memory_space<semaphore_mem>>
      %dma_start3A = arith.constant 0 : i32
      %dma_start3A_91 = arith.constant 0 : i32
      %dma_start3A_92 = tpu.memref_slice %arg4[%arg0, %dma_start3A, %dma_start3A_91] : memref<2x10240x128xf32, #tpu.memory_space<hbm>> -> memref<1x10240x128xf32, #tpu.memory_space<hbm>>
      %dma_start3A_93 = tpu.memref_squeeze %dma_start3A_92 : memref<1x10240x128xf32, #tpu.memory_space<hbm>> -> memref<10240x128xf32, #tpu.memory_space<hbm>>
      %dma_start3A_94 = arith.constant 0 : i32
      %dma_start3A_95 = tpu.memref_slice %dma_start3A_93[%mul3A_66, %dma_start3A_94] : memref<10240x128xf32, #tpu.memory_space<hbm>> -> memref<128x128xf32, #tpu.memory_space<hbm>>
      %dma_start3A_96 = arith.constant 0 : i32
      %dma_start3A_97 = tpu.memref_slice %arg9[%mul3A_66, %dma_start3A_96] : memref<10240x128xf32, #tpu.memory_space<vmem_shared>> -> memref<128x128xf32, #tpu.memory_space<vmem_shared>>
      tpu.enqueue_dma source(%dma_start3A_97 : memref<128x128xf32, #tpu.memory_space<vmem_shared>>) target(%dma_start3A_95 : memref<128x128xf32, #tpu.memory_space<hbm>>) target_semaphore(%run_scoped3A : memref<!tpu.dma_semaphore, #tpu.memory_space<semaphore_mem>>)
      %dma_wait3A = arith.constant 0 : i32
      %dma_wait3A_98 = arith.constant 0 : i32
      %dma_wait3A_99 = tpu.memref_slice %arg4[%arg0, %dma_wait3A, %dma_wait3A_98] : memref<2x10240x128xf32, #tpu.memory_space<hbm>> -> memref<1x10240x128xf32, #tpu.memory_space<hbm>>
      %dma_wait3A_100 = tpu.memref_squeeze %dma_wait3A_99 : memref<1x10240x128xf32, #tpu.memory_space<hbm>> -> memref<10240x128xf32, #tpu.memory_space<hbm>>
      %dma_wait3A_101 = arith.constant 0 : i32
      %dma_wait3A_102 = tpu.memref_slice %dma_wait3A_100[%mul3A_66, %dma_wait3A_101] : memref<10240x128xf32, #tpu.memory_space<hbm>> -> memref<128x128xf32, #tpu.memory_space<hbm>>
      %dma_wait3A_103 = arith.constant 0 : i32
      %dma_wait3A_104 = tpu.memref_slice %arg9[%mul3A_66, %dma_wait3A_103] : memref<10240x128xf32, #tpu.memory_space<vmem_shared>> -> memref<128x128xf32, #tpu.memory_space<vmem_shared>>
      tpu.wait_dma2 semaphore(%run_scoped3A : memref<!tpu.dma_semaphore, #tpu.memory_space<semaphore_mem>>) src(%dma_wait3A_104 : memref<128x128xf32, #tpu.memory_space<vmem_shared>>) dst(%dma_wait3A_102 : memref<128x128xf32, #tpu.memory_space<hbm>>)
      tpu.yield
    }) : () -> ()
    %mul3A_67 = arith.constant 5 : i32
    %mul3A_68 = arith.muli %arg1, %mul3A_67 : i32
    %add3A_69 = arith.constant 1 : i32
    %add3A_70 = arith.addi %mul3A_68, %add3A_69 : i32
    %mul3A_71 = arith.constant 128 : i32
    %mul3A_72 = arith.muli %add3A_70, %mul3A_71 : i32
    "tpu.region"() ({
      %run_scoped3A = tpu.sem_alloc : memref<!tpu.dma_semaphore, #tpu.memory_space<semaphore_mem>>
      %dma_start3A = arith.constant 0 : i32
      %dma_start3A_91 = arith.constant 0 : i32
      %dma_start3A_92 = tpu.memref_slice %arg4[%arg0, %dma_start3A, %dma_start3A_91] : memref<2x10240x128xf32, #tpu.memory_space<hbm>> -> memref<1x10240x128xf32, #tpu.memory_space<hbm>>
      %dma_start3A_93 = tpu.memref_squeeze %dma_start3A_92 : memref<1x10240x128xf32, #tpu.memory_space<hbm>> -> memref<10240x128xf32, #tpu.memory_space<hbm>>
      %dma_start3A_94 = arith.constant 0 : i32
      %dma_start3A_95 = tpu.memref_slice %dma_start3A_93[%mul3A_72, %dma_start3A_94] : memref<10240x128xf32, #tpu.memory_space<hbm>> -> memref<128x128xf32, #tpu.memory_space<hbm>>
      %dma_start3A_96 = arith.constant 0 : i32
      %dma_start3A_97 = tpu.memref_slice %arg9[%mul3A_72, %dma_start3A_96] : memref<10240x128xf32, #tpu.memory_space<vmem_shared>> -> memref<128x128xf32, #tpu.memory_space<vmem_shared>>
      tpu.enqueue_dma source(%dma_start3A_97 : memref<128x128xf32, #tpu.memory_space<vmem_shared>>) target(%dma_start3A_95 : memref<128x128xf32, #tpu.memory_space<hbm>>) target_semaphore(%run_scoped3A : memref<!tpu.dma_semaphore, #tpu.memory_space<semaphore_mem>>)
      %dma_wait3A = arith.constant 0 : i32
      %dma_wait3A_98 = arith.constant 0 : i32
      %dma_wait3A_99 = tpu.memref_slice %arg4[%arg0, %dma_wait3A, %dma_wait3A_98] : memref<2x10240x128xf32, #tpu.memory_space<hbm>> -> memref<1x10240x128xf32, #tpu.memory_space<hbm>>
      %dma_wait3A_100 = tpu.memref_squeeze %dma_wait3A_99 : memref<1x10240x128xf32, #tpu.memory_space<hbm>> -> memref<10240x128xf32, #tpu.memory_space<hbm>>
      %dma_wait3A_101 = arith.constant 0 : i32
      %dma_wait3A_102 = tpu.memref_slice %dma_wait3A_100[%mul3A_72, %dma_wait3A_101] : memref<10240x128xf32, #tpu.memory_space<hbm>> -> memref<128x128xf32, #tpu.memory_space<hbm>>
      %dma_wait3A_103 = arith.constant 0 : i32
      %dma_wait3A_104 = tpu.memref_slice %arg9[%mul3A_72, %dma_wait3A_103] : memref<10240x128xf32, #tpu.memory_space<vmem_shared>> -> memref<128x128xf32, #tpu.memory_space<vmem_shared>>
      tpu.wait_dma2 semaphore(%run_scoped3A : memref<!tpu.dma_semaphore, #tpu.memory_space<semaphore_mem>>) src(%dma_wait3A_104 : memref<128x128xf32, #tpu.memory_space<vmem_shared>>) dst(%dma_wait3A_102 : memref<128x128xf32, #tpu.memory_space<hbm>>)
      tpu.yield
    }) : () -> ()
    %mul3A_73 = arith.constant 5 : i32
    %mul3A_74 = arith.muli %arg1, %mul3A_73 : i32
    %add3A_75 = arith.constant 2 : i32
    %add3A_76 = arith.addi %mul3A_74, %add3A_75 : i32
    %mul3A_77 = arith.constant 128 : i32
    %mul3A_78 = arith.muli %add3A_76, %mul3A_77 : i32
    "tpu.region"() ({
      %run_scoped3A = tpu.sem_alloc : memref<!tpu.dma_semaphore, #tpu.memory_space<semaphore_mem>>
      %dma_start3A = arith.constant 0 : i32
      %dma_start3A_91 = arith.constant 0 : i32
      %dma_start3A_92 = tpu.memref_slice %arg4[%arg0, %dma_start3A, %dma_start3A_91] : memref<2x10240x128xf32, #tpu.memory_space<hbm>> -> memref<1x10240x128xf32, #tpu.memory_space<hbm>>
      %dma_start3A_93 = tpu.memref_squeeze %dma_start3A_92 : memref<1x10240x128xf32, #tpu.memory_space<hbm>> -> memref<10240x128xf32, #tpu.memory_space<hbm>>
      %dma_start3A_94 = arith.constant 0 : i32
      %dma_start3A_95 = tpu.memref_slice %dma_start3A_93[%mul3A_78, %dma_start3A_94] : memref<10240x128xf32, #tpu.memory_space<hbm>> -> memref<128x128xf32, #tpu.memory_space<hbm>>
      %dma_start3A_96 = arith.constant 0 : i32
      %dma_start3A_97 = tpu.memref_slice %arg9[%mul3A_78, %dma_start3A_96] : memref<10240x128xf32, #tpu.memory_space<vmem_shared>> -> memref<128x128xf32, #tpu.memory_space<vmem_shared>>
      tpu.enqueue_dma source(%dma_start3A_97 : memref<128x128xf32, #tpu.memory_space<vmem_shared>>) target(%dma_start3A_95 : memref<128x128xf32, #tpu.memory_space<hbm>>) target_semaphore(%run_scoped3A : memref<!tpu.dma_semaphore, #tpu.memory_space<semaphore_mem>>)
      %dma_wait3A = arith.constant 0 : i32
      %dma_wait3A_98 = arith.constant 0 : i32
      %dma_wait3A_99 = tpu.memref_slice %arg4[%arg0, %dma_wait3A, %dma_wait3A_98] : memref<2x10240x128xf32, #tpu.memory_space<hbm>> -> memref<1x10240x128xf32, #tpu.memory_space<hbm>>
      %dma_wait3A_100 = tpu.memref_squeeze %dma_wait3A_99 : memref<1x10240x128xf32, #tpu.memory_space<hbm>> -> memref<10240x128xf32, #tpu.memory_space<hbm>>
      %dma_wait3A_101 = arith.constant 0 : i32
      %dma_wait3A_102 = tpu.memref_slice %dma_wait3A_100[%mul3A_78, %dma_wait3A_101] : memref<10240x128xf32, #tpu.memory_space<hbm>> -> memref<128x128xf32, #tpu.memory_space<hbm>>
      %dma_wait3A_103 = arith.constant 0 : i32
      %dma_wait3A_104 = tpu.memref_slice %arg9[%mul3A_78, %dma_wait3A_103] : memref<10240x128xf32, #tpu.memory_space<vmem_shared>> -> memref<128x128xf32, #tpu.memory_space<vmem_shared>>
      tpu.wait_dma2 semaphore(%run_scoped3A : memref<!tpu.dma_semaphore, #tpu.memory_space<semaphore_mem>>) src(%dma_wait3A_104 : memref<128x128xf32, #tpu.memory_space<vmem_shared>>) dst(%dma_wait3A_102 : memref<128x128xf32, #tpu.memory_space<hbm>>)
      tpu.yield
    }) : () -> ()
    %mul3A_79 = arith.constant 5 : i32
    %mul3A_80 = arith.muli %arg1, %mul3A_79 : i32
    %add3A_81 = arith.constant 3 : i32
    %add3A_82 = arith.addi %mul3A_80, %add3A_81 : i32
    %mul3A_83 = arith.constant 128 : i32
    %mul3A_84 = arith.muli %add3A_82, %mul3A_83 : i32
    "tpu.region"() ({
      %run_scoped3A = tpu.sem_alloc : memref<!tpu.dma_semaphore, #tpu.memory_space<semaphore_mem>>
      %dma_start3A = arith.constant 0 : i32
      %dma_start3A_91 = arith.constant 0 : i32
      %dma_start3A_92 = tpu.memref_slice %arg4[%arg0, %dma_start3A, %dma_start3A_91] : memref<2x10240x128xf32, #tpu.memory_space<hbm>> -> memref<1x10240x128xf32, #tpu.memory_space<hbm>>
      %dma_start3A_93 = tpu.memref_squeeze %dma_start3A_92 : memref<1x10240x128xf32, #tpu.memory_space<hbm>> -> memref<10240x128xf32, #tpu.memory_space<hbm>>
      %dma_start3A_94 = arith.constant 0 : i32
      %dma_start3A_95 = tpu.memref_slice %dma_start3A_93[%mul3A_84, %dma_start3A_94] : memref<10240x128xf32, #tpu.memory_space<hbm>> -> memref<128x128xf32, #tpu.memory_space<hbm>>
      %dma_start3A_96 = arith.constant 0 : i32
      %dma_start3A_97 = tpu.memref_slice %arg9[%mul3A_84, %dma_start3A_96] : memref<10240x128xf32, #tpu.memory_space<vmem_shared>> -> memref<128x128xf32, #tpu.memory_space<vmem_shared>>
      tpu.enqueue_dma source(%dma_start3A_97 : memref<128x128xf32, #tpu.memory_space<vmem_shared>>) target(%dma_start3A_95 : memref<128x128xf32, #tpu.memory_space<hbm>>) target_semaphore(%run_scoped3A : memref<!tpu.dma_semaphore, #tpu.memory_space<semaphore_mem>>)
      %dma_wait3A = arith.constant 0 : i32
      %dma_wait3A_98 = arith.constant 0 : i32
      %dma_wait3A_99 = tpu.memref_slice %arg4[%arg0, %dma_wait3A, %dma_wait3A_98] : memref<2x10240x128xf32, #tpu.memory_space<hbm>> -> memref<1x10240x128xf32, #tpu.memory_space<hbm>>
      %dma_wait3A_100 = tpu.memref_squeeze %dma_wait3A_99 : memref<1x10240x128xf32, #tpu.memory_space<hbm>> -> memref<10240x128xf32, #tpu.memory_space<hbm>>
      %dma_wait3A_101 = arith.constant 0 : i32
      %dma_wait3A_102 = tpu.memref_slice %dma_wait3A_100[%mul3A_84, %dma_wait3A_101] : memref<10240x128xf32, #tpu.memory_space<hbm>> -> memref<128x128xf32, #tpu.memory_space<hbm>>
      %dma_wait3A_103 = arith.constant 0 : i32
      %dma_wait3A_104 = tpu.memref_slice %arg9[%mul3A_84, %dma_wait3A_103] : memref<10240x128xf32, #tpu.memory_space<vmem_shared>> -> memref<128x128xf32, #tpu.memory_space<vmem_shared>>
      tpu.wait_dma2 semaphore(%run_scoped3A : memref<!tpu.dma_semaphore, #tpu.memory_space<semaphore_mem>>) src(%dma_wait3A_104 : memref<128x128xf32, #tpu.memory_space<vmem_shared>>) dst(%dma_wait3A_102 : memref<128x128xf32, #tpu.memory_space<hbm>>)
      tpu.yield
    }) : () -> ()
    %mul3A_85 = arith.constant 5 : i32
    %mul3A_86 = arith.muli %arg1, %mul3A_85 : i32
    %add3A_87 = arith.constant 4 : i32
    %add3A_88 = arith.addi %mul3A_86, %add3A_87 : i32
    %mul3A_89 = arith.constant 128 : i32
    %mul3A_90 = arith.muli %add3A_88, %mul3A_89 : i32
    "tpu.region"() ({
      %run_scoped3A = tpu.sem_alloc : memref<!tpu.dma_semaphore, #tpu.memory_space<semaphore_mem>>
      %dma_start3A = arith.constant 0 : i32
      %dma_start3A_91 = arith.constant 0 : i32
      %dma_start3A_92 = tpu.memref_slice %arg4[%arg0, %dma_start3A, %dma_start3A_91] : memref<2x10240x128xf32, #tpu.memory_space<hbm>> -> memref<1x10240x128xf32, #tpu.memory_space<hbm>>
      %dma_start3A_93 = tpu.memref_squeeze %dma_start3A_92 : memref<1x10240x128xf32, #tpu.memory_space<hbm>> -> memref<10240x128xf32, #tpu.memory_space<hbm>>
      %dma_start3A_94 = arith.constant 0 : i32
      %dma_start3A_95 = tpu.memref_slice %dma_start3A_93[%mul3A_90, %dma_start3A_94] : memref<10240x128xf32, #tpu.memory_space<hbm>> -> memref<128x128xf32, #tpu.memory_space<hbm>>
      %dma_start3A_96 = arith.constant 0 : i32
      %dma_start3A_97 = tpu.memref_slice %arg9[%mul3A_90, %dma_start3A_96] : memref<10240x128xf32, #tpu.memory_space<vmem_shared>> -> memref<128x128xf32, #tpu.memory_space<vmem_shared>>
      tpu.enqueue_dma source(%dma_start3A_97 : memref<128x128xf32, #tpu.memory_space<vmem_shared>>) target(%dma_start3A_95 : memref<128x128xf32, #tpu.memory_space<hbm>>) target_semaphore(%run_scoped3A : memref<!tpu.dma_semaphore, #tpu.memory_space<semaphore_mem>>)
      %dma_wait3A = arith.constant 0 : i32
      %dma_wait3A_98 = arith.constant 0 : i32
      %dma_wait3A_99 = tpu.memref_slice %arg4[%arg0, %dma_wait3A, %dma_wait3A_98] : memref<2x10240x128xf32, #tpu.memory_space<hbm>> -> memref<1x10240x128xf32, #tpu.memory_space<hbm>>
      %dma_wait3A_100 = tpu.memref_squeeze %dma_wait3A_99 : memref<1x10240x128xf32, #tpu.memory_space<hbm>> -> memref<10240x128xf32, #tpu.memory_space<hbm>>
      %dma_wait3A_101 = arith.constant 0 : i32
      %dma_wait3A_102 = tpu.memref_slice %dma_wait3A_100[%mul3A_90, %dma_wait3A_101] : memref<10240x128xf32, #tpu.memory_space<hbm>> -> memref<128x128xf32, #tpu.memory_space<hbm>>
      %dma_wait3A_103 = arith.constant 0 : i32
      %dma_wait3A_104 = tpu.memref_slice %arg9[%mul3A_90, %dma_wait3A_103] : memref<10240x128xf32, #tpu.memory_space<vmem_shared>> -> memref<128x128xf32, #tpu.memory_space<vmem_shared>>
      tpu.wait_dma2 semaphore(%run_scoped3A : memref<!tpu.dma_semaphore, #tpu.memory_space<semaphore_mem>>) src(%dma_wait3A_104 : memref<128x128xf32, #tpu.memory_space<vmem_shared>>) dst(%dma_wait3A_102 : memref<128x128xf32, #tpu.memory_space<hbm>>)
      tpu.yield
    }) : () -> ()
    return
  }
}

module attributes {stable_mosaic.version = 14 : i64} {
  func.func @_final_body(%arg0: memref<2x10240x128xf32, #tpu.memory_space<vmem>>, %arg1: memref<10000xf32, #tpu.memory_space<vmem>>, %arg2: memref<10000x128xf32, #tpu.memory_space<vmem>>) attributes {dimension_semantics = [], scalar_prefetch = 0 : i64, scratch_operands = 0 : i64, tpu.core_type = #tpu.core_type<tc>} {
    %get3A = arith.constant 0 : index
    %get3A_0 = vector.load %arg1[%get3A] : memref<10000xf32, #tpu.memory_space<vmem>>, vector<10000xf32>
    %reshape3A = vector.shape_cast %get3A_0 : vector<10000xf32> to vector<10000x1xf32>
    %get3A_1 = arith.constant 0 : index
    %get3A_2 = arith.constant 0 : index
    %get3A_3 = arith.constant 0 : index
    %get3A_4 = vector.load %arg0[%get3A_1, %get3A_2, %get3A_3] : memref<2x10240x128xf32, #tpu.memory_space<vmem>>, vector<1x10000x128xf32>
    %get3A_5 = vector.shape_cast %get3A_4 : vector<1x10000x128xf32> to vector<10000x128xf32>
    %get3A_6 = arith.constant 1 : index
    %get3A_7 = arith.constant 0 : index
    %get3A_8 = arith.constant 0 : index
    %get3A_9 = vector.load %arg0[%get3A_6, %get3A_7, %get3A_8] : memref<2x10240x128xf32, #tpu.memory_space<vmem>>, vector<1x10000x128xf32>
    %get3A_10 = vector.shape_cast %get3A_9 : vector<1x10000x128xf32> to vector<10000x128xf32>
    %add3A = arith.addf %get3A_5, %get3A_10 : vector<10000x128xf32>
    %mul3A = vector.broadcast %reshape3A : vector<10000x1xf32> to vector<10000x128xf32>
    %mul3A_11 = arith.mulf %add3A, %mul3A : vector<10000x128xf32>
    %swap3A = arith.constant 0 : index
    %swap3A_12 = arith.constant 0 : index
    %swap3A_13 = vector.load %arg2[%swap3A, %swap3A_12] : memref<10000x128xf32, #tpu.memory_space<vmem>>, vector<10000x128xf32>
    tpu.vector_store %arg2[%swap3A, %swap3A_12], %mul3A_11 {strides = array<i32>} : memref<10000x128xf32, #tpu.memory_space<vmem>>, vector<10000x128xf32>,
    return
  }
}

module attributes {stable_mosaic.version = 14 : i64} {
  func.func @_scale_body(%arg0: memref<10000x128xf32, #tpu.memory_space<vmem>>, %arg1: memref<2x10240xf32, #tpu.memory_space<vmem>>, %arg2: memref<2x10240xf32, #tpu.memory_space<vmem>>, %arg3: memref<10000x128xf32, #tpu.memory_space<vmem>>, %arg4: memref<10000xf32, #tpu.memory_space<vmem>>) attributes {dimension_semantics = [], scalar_prefetch = 0 : i64, scratch_operands = 0 : i64, tpu.core_type = #tpu.core_type<tc>} {
    %get3A = arith.constant 0 : index
    %get3A_0 = arith.constant 0 : index
    %get3A_1 = vector.load %arg1[%get3A, %get3A_0] : memref<2x10240xf32, #tpu.memory_space<vmem>>, vector<1x10240xf32>
    %get3A_2 = vector.shape_cast %get3A_1 : vector<1x10240xf32> to vector<10240xf32>
    %get3A_3 = arith.constant 1 : index
    %get3A_4 = arith.constant 0 : index
    %get3A_5 = vector.load %arg1[%get3A_3, %get3A_4] : memref<2x10240xf32, #tpu.memory_space<vmem>>, vector<1x10240xf32>
    %get3A_6 = vector.shape_cast %get3A_5 : vector<1x10240xf32> to vector<10240xf32>
    %add3A = arith.addf %get3A_2, %get3A_6 : vector<10240xf32>
    %get3A_7 = arith.constant 0 : index
    %get3A_8 = arith.constant 0 : index
    %get3A_9 = vector.load %arg2[%get3A_7, %get3A_8] : memref<2x10240xf32, #tpu.memory_space<vmem>>, vector<1x10240xf32>
    %get3A_10 = vector.shape_cast %get3A_9 : vector<1x10240xf32> to vector<10240xf32>
    %get3A_11 = arith.constant 1 : index
    %get3A_12 = arith.constant 0 : index
    %get3A_13 = vector.load %arg2[%get3A_11, %get3A_12] : memref<2x10240xf32, #tpu.memory_space<vmem>>, vector<1x10240xf32>
    %get3A_14 = vector.shape_cast %get3A_13 : vector<1x10240xf32> to vector<10240xf32>
    %add3A_15 = arith.addf %get3A_10, %get3A_14 : vector<10240xf32>
    %slice3A = vector.extract_strided_slice %add3A {offsets = [0], sizes = [10000], strides = [1]} : vector<10240xf32> to vector<10000xf32>
    %max3A = arith.constant 1.000000e+00 : f32
    %max3A_16 = vector.broadcast %max3A : f32 to vector<10000xf32>
    %max3A_17 = arith.maximumf %slice3A, %max3A_16 : vector<10000xf32>
    %rsqrt3A = math.rsqrt %max3A_17 : vector<10000xf32>
    %get3A_18 = arith.constant 0 : index
    %get3A_19 = arith.constant 0 : index
    %get3A_20 = vector.load %arg0[%get3A_18, %get3A_19] : memref<10000x128xf32, #tpu.memory_space<vmem>>, vector<10000x128xf32>
    %reshape3A = vector.shape_cast %rsqrt3A : vector<10000xf32> to vector<10000x1xf32>
    %mul3A = vector.broadcast %reshape3A : vector<10000x1xf32> to vector<10000x128xf32>
    %mul3A_21 = arith.mulf %get3A_20, %mul3A : vector<10000x128xf32>
    %swap3A = arith.constant 0 : index
    %swap3A_22 = arith.constant 0 : index
    %swap3A_23 = vector.load %arg3[%swap3A, %swap3A_22] : memref<10000x128xf32, #tpu.memory_space<vmem>>, vector<10000x128xf32>
    tpu.vector_store %arg3[%swap3A, %swap3A_22], %mul3A_21 {strides = array<i32>} : memref<10000x128xf32, #tpu.memory_space<vmem>>, vector<10000x128xf32>,
    %slice3A_24 = vector.extract_strided_slice %add3A_15 {offsets = [0], sizes = [10000], strides = [1]} : vector<10240xf32> to vector<10000xf32>
    %max3A_25 = arith.constant 1.000000e+00 : f32
    %max3A_26 = vector.broadcast %max3A_25 : f32 to vector<10000xf32>
    %max3A_27 = arith.maximumf %slice3A_24, %max3A_26 : vector<10000xf32>
    %rsqrt3A_28 = math.rsqrt %max3A_27 : vector<10000xf32>
    %swap3A_29 = arith.constant 0 : index
    %swap3A_30 = vector.load %arg4[%swap3A_29] : memref<10000xf32, #tpu.memory_space<vmem>>, vector<10000xf32>
    tpu.vector_store %arg4[%swap3A_29], %rsqrt3A_28 {strides = array<i32>} : memref<10000xf32, #tpu.memory_space<vmem>>, vector<10000xf32>,
    return
  }
}

</mosaic_0001>

<sc_bundles>
// kernel: kernel.6.cloned.1.call-start
scs
__scs_entry_jumppad:
0x0: {  	(pc) =	sbr.rel $0x88, $3  }
0x1: {  	(tag) =	ssettag $0x0;
	lr =	simm.s32 $0x1  }
0x2: {  	[smem:$0x3F9F] =	sst lr;
	_ =	strace $0xD0000000  }
0x3: {  	_ = 	snop  }
0x4: {  	_ = 	snop  }
0x5: {  	_ = 	snop  }
0x6: {  	_ = 	snop  }
0x7: {  	_ = 	snop  }
__scs_overlays_trampoline_lowered:
0x8: {  	[smem:$0x3FAE] =	sst s0  }
0x9: {  	[smem:$0x3FAF] =	sst s1  }
0xa: {  	[smem:$0x3FB0] =	sst s2  }
0xb: {  	[smem:$0x3FB1] =	sst s3  }
0xc: {  	[smem:$0x3FB2] =	sst s4  }
0xd: {  	[smem:$0x3FB3] =	sst s5  }
0xe: {  	[smem:$0x3FB4] =	sst s6  }
0xf: {  	[smem:$0x3FB5] =	sst s7  }
0x10: {  	[smem:$0x3FB6] =	sst s8  }
0x11: {  	[smem:$0x3FB7] =	sst s9;
	s0 =	simm.s32 @!p0 $0x0  }
0x12: {  	s1 =	sld [smem:$0x3F9D];
	s0 =	simm.s32 @p0 $0x1  }
0x13: {  	[smem:$0x3FB8] =	sst s0;
	s0 =	simm.s32 @!p1 $0x0  }
0x14: {  	s2 =	sld [smem:$0x3F9C];
	s0 =	simm.s32 @p1 $0x1  }
0x15: {  	[smem:$0x3FB9] =	sst s0;
	s0 =	simm.s32 @!p2 $0x0  }
0x16: {  	s3 =	sld [smem:$0x3FDB];
	s0 =	simm.s32 @p2 $0x1  }
0x17: {  	s4 =	simm.s32 $0x1BF5;
	[smem:$0x3FBB] =	sst s0  }
0x18: {  	s0 =	sld [smem:$0x3F9E];
	_ =	swait.ge [sflag:s4], $0x0  }
0x19: {  	s7 =	sld [smem:$0x3F9F]  }
0x1a: {  	s8 =	sadd.s32 $0xFFFFE003, lr  }
0x1b: {  	s9 =	sadd.s32 $0xFFFFFEF7, lr;
	s5 =	simm.s32 $0xFFFFFFFF;
	p2 =	slt.u32 s8, $0xFFFFF086  }
0x1c: {  	p1 =	slt.u32 s9, $0xF7A;
	s5 =	simm.s32 @!p2 $0x0  }
0x1d: {  	s5 =	simm.s32 @p1 $0x1;
	p0 =	seq.s32 s7, s2  }
0x1e: {  	s7 =	smul.u32 @!p0 $0xF7A, s2;
	p2 =	seq.s32 @!p0 s5, $0x0  }
0x1f: {  	s9 =	smul.u32 $0xF7A, s1;
	s8 =	simm.s32 @!p0 $0x1BF5;
	p2 =	por !p2, p0  }
0x20: {  	[sflag:s8] =	ssyncset.s32 @!p0 $0xFFFFF086;
	s6 =	sadd.s32 @!p0 s3, s7;
	s7 =	simm.s32 @!p0 $0x108  }
0x21: {  	s3 =	sadd.s32 s3, s9;
	s6 =	sadd.s32 @!p0 $0x88, s6;
	s7 =	simm.s32 @p2 $0x1082  }
0x22: {  	[simem:s7], [sflag:s8] =	dma.local @!p0 [hbm:s6], $0xF7A  }
0x23: {  	s9 =	sor.u32 $0xD0000000, s2;
	s6 =	simm.s32 $0x108;
	_ =	swait.ge @!p0 [sflag:s8], $0x0  }
0x24: {  	s3 =	sadd.s32 $0x88, s3;
	s6 =	simm.s32 @!p1 $0x1082;
	[sflag:s4] =	ssyncset.s32 $0xFFFFF086  }
0x25: {  	[simem:s6], [sflag:s4] =	dma.local [hbm:s3], $0xF7A  }
0x26: {  	[smem:$0x3F9F] =	sst s1;
	(tag) =	ssettag s2;
	_ =	strace s9  }
0x27: {  	s1 =	sld [smem:$0x3FAF]  }
0x28: {  	s2 =	sld [smem:$0x3FB0]  }
0x29: {  	s4 =	sld [smem:$0x3FB2]  }
0x2a: {  	p0 =	seq.s32 s5, $0x0;
	s5 =	sld [smem:$0x3FB3]  }
0x2b: {  	s6 =	sld [smem:$0x3FB4]  }
0x2c: {  	s7 =	sld [smem:$0x3FB5]  }
0x2d: {  	s3 =	simm.s32 $0x108;
	s8 =	sld [smem:$0x3FB6]  }
0x2e: {  	s3 =	simm.s32 @!p0 $0x1082;
	s9 =	sld [smem:$0x3FB7]  }
0x2f: {  	lr =	sadd.s32 s0, s3;
	s0 =	sld [smem:$0x3FAE]  }
0x30: {  	s3 =	sld [smem:$0x3FB1]  }
0x31: {  	[smem:$0x3FBA] =	sst s10  }
0x32: {  	s10 =	sld [smem:$0x3FB8];
	_ =	sdelay $0x3  }
0x33: {  	p0 =	seq.s32 s10, $0x1;
	s10 =	sld [smem:$0x3FBA];
	_ =	sdelay $0x3  }
0x34: {  	[smem:$0x3FBA] =	sst s10  }
0x35: {  	s10 =	sld [smem:$0x3FB9];
	_ =	sdelay $0x3  }
0x36: {  	p1 =	seq.s32 s10, $0x1;
	s10 =	sld [smem:$0x3FBA];
	_ =	sdelay $0x3  }
0x37: {  	[smem:$0x3FBA] =	sst s10  }
0x38: {  	s10 =	sld [smem:$0x3FBB]  }
0x39: {  	_ = 	snop;
	(pc) =	sbr.ind lr, $3  }
0x3a: {  	_ = 	snop  }
0x3b: {  	_ = 	snop  }
0x3c: {  	p2 =	seq.s32 s10, $0x1;
	s10 =	sld [smem:$0x3FBA]  }
0x3d: {  	_ =	shalt  }
0x3e: {  	_ =	shalt  }
0x3f: {  	_ =	shalt  }
0x40: {  	_ =	shalt  }
0x41: {  	_ =	shalt  }
0x42: {  	_ =	shalt  }
0x43: {  	_ =	shalt  }
0x44: {  	_ =	shalt  }
0x45: {  	_ =	shalt  }
0x46: {  	_ =	shalt  }
0x47: {  	_ =	shalt  }
0x48: {  	_ =	shalt  }
0x49: {  	_ =	shalt  }
0x4a: {  	_ =	shalt  }
0x4b: {  	_ =	shalt  }
0x4c: {  	_ =	shalt  }
0x4d: {  	_ =	shalt  }
0x4e: {  	_ =	shalt  }
0x4f: {  	_ =	shalt  }
0x50: {  	_ =	shalt  }
0x51: {  	_ =	shalt  }
0x52: {  	_ =	shalt  }
0x53: {  	_ =	shalt  }
0x54: {  	_ =	shalt  }
0x55: {  	_ =	shalt  }
0x56: {  	_ =	shalt  }
0x57: {  	_ =	shalt  }
0x58: {  	_ =	shalt  }
0x59: {  	_ =	shalt  }
0x5a: {  	_ =	shalt  }
0x5b: {  	_ =	shalt  }
0x5c: {  	_ =	shalt  }
0x5d: {  	_ =	shalt  }
0x5e: {  	_ =	shalt  }
0x5f: {  	_ =	shalt  }
0x60: {  	_ =	shalt  }
0x61: {  	_ =	shalt  }
0x62: {  	_ =	shalt  }
0x63: {  	_ =	shalt  }
0x64: {  	_ =	shalt  }
0x65: {  	_ =	shalt  }
0x66: {  	_ =	shalt  }
0x67: {  	_ =	shalt  }
0x68: {  	_ =	shalt  }
0x69: {  	_ =	shalt  }
0x6a: {  	_ =	shalt  }
0x6b: {  	_ =	shalt  }
0x6c: {  	_ =	shalt  }
0x6d: {  	_ =	shalt  }
0x6e: {  	_ =	shalt  }
0x6f: {  	_ =	shalt  }
0x70: {  	_ =	shalt  }
0x71: {  	_ =	shalt  }
0x72: {  	_ =	shalt  }
0x73: {  	_ =	shalt  }
0x74: {  	_ =	shalt  }
0x75: {  	_ =	shalt  }
0x76: {  	_ =	shalt  }
0x77: {  	_ =	shalt  }
0x78: {  	_ =	shalt  }
0x79: {  	_ =	shalt  }
0x7a: {  	_ =	shalt  }
0x7b: {  	_ =	shalt  }
0x7c: {  	_ =	shalt  }
0x7d: {  	_ =	shalt  }
0x7e: {  	_ =	shalt  }
0x7f: {  	_ =	shalt  }
0x80: {  	_ =	shalt  }
0x81: {  	_ =	shalt  }
0x82: {  	_ =	shalt  }
0x83: {  	_ =	shalt  }
0x84: {  	_ =	shalt  }
0x85: {  	_ =	shalt  }
0x86: {  	_ =	shalt  }
0x87: {  	_ =	shalt  }
.Lfunc_end0:
.L_simem_size_0:
called_computation_lowered:
.L_overlay_start_0:
0x88: {  	s2 =	sld [smem:$0x3FD9]  }
0x89: {  	s3 =	sld [smem:$0x3FFE];
	_ =	sdelay $0x1  }
0x8a: {  	s1 =	srdreg.scid  }
0x8b: {  	s0 =	sand.u32 $0x1, s1  }
0x8c: {  	s17 =	sshll.u32 s0, $0xA;
	s2 =	sadd.s32 s3, s2  }
0x8d: {  	s2 =	sadd.s32 s2, s17  }
0x8e: {  	[smem:$0x3FC6] =	sst s2  }
0x8f: {  	_ = 	snop  }
0x90: {  	s2 =	sld [smem:$0x3FD0];
	(tm) =	ssettm $0x1  }
0x91: {  	s18 =	sld [smem:$0x3FFB];
	_ =	sdelay $0x3  }
0x92: {  	_ =	strace s18  }
0x93: {  	s3 =	sld [smem:$0x3FFC];
	_ =	sdelay $0x3  }
0x94: {  	_ =	strace s3  }
0x95: {  	s3 =	sld [smem:$0x3FFD];
	_ =	sdelay $0x3  }
0x96: {  	_ =	strace s3  }
0x97: {  	_ =	strace $0x8FFFFFFF  }
0x98: {  	s19 =	sld [smem:$0x3FDB];
	_ =	sdelay $0x1  }
0x99: {  	s4 =	simm.s32 $_scs_section_size  }
0x9a: {  	s5 =	simm.s32 $_size__tile_overlayer_lowered;
	s6 =	simm.s32 $_tile_overlayer_lowered  }
0x9b: {  	s22 =	simm.s32 $0x1BFF;
	s21 =	sshll.u32 s6, $0x1;
	s3 =	sadd.s32 s4, s19  }
0x9c: {  	s7 =	simm.s32 $0x0;
	s20 =	sshll.u32 s5, $0x1;
	s5 =	sadd.s32 s21, s3  }
0x9d: {  	[timem:s7], [sflag:s22] =	dma.local [hbm:s5], s20  }
0x9e: {  	_ =	swait.ge [sflag:s22], s20  }
0x9f: {  	s4 =	ssub.s32 $0x0, s20;
	[sflag:s22] =	ssyncset.done $0x0  }
0xa0: {  	[sflag:s22] =	ssyncadd.s32 s4;
	_ =	sdelay $0x1  }
0xa1: {  	s23 =	simm.s32 $0x1B8B  }
0xa2: {  	_ =	swait.ge [sflag:s23], $0x1  }
0xa3: {  	[sflag:s23] =	ssyncset.done $0x0  }
0xa4: {  	s25 =	simm.s32 $0x1B8E;
	s24 =	sld [smem:$0x3FFE];
	[sflag:s23] =	ssyncadd.s32 $0xFFFFFFFF  }
0xa5: {  	s26 =	simm.s32 $execute0_lowered;
	[smem:$0x3FD2] =	sst s25  }
0xa6: {  	s5 =	sshll.u32 s26, $0x1;
	_ =	strace $0x80000046;
	[dreg:$0x1] =	wrdreg $0xFFFFFFFF  }
0xa7: {  	s28 =	simm.s32 $_size_execute0_lowered;
	s3 =	sadd.s32 s3, s5;
	[dreg:$0x0] =	wrdreg $0x0  }
0xa8: {  	s5 =	sshll.u32 s28, $0x1;
	[dreg:$0x2] =	wrdreg s3  }
0xa9: {  	[dreg:$0x3] =	wrdreg s5  }
0xaa: {  	[dreg:$0x4] =	wrdreg $0xC0  }
0xab: {  	_ =	task [dreg:s7], $0x5FFFF  }
0xac: {  	[dreg:$0x1] =	wrdreg $0xFFFFFFFF  }
0xad: {  	[dreg:$0x0] =	wrdreg $0x60  }
0xae: {  	[dreg:$0x2] =	wrdreg s24  }
0xaf: {  	[dreg:$0x3] =	wrdreg s2  }
0xb0: {  	[dreg:$0x4] =	wrdreg $0x53000  }
0xb1: {  	[dreg:$0x5] =	wrdreg $0x55800  }
0xb2: {  	[dreg:$0x6] =	wrdreg $0x9  }
0xb3: {  	_ =	task.clear_ibuf [dreg:s7], $0x7FFFF;
	_ =	strace $0x90000046  }
0xb4: {  	s29 =	simm.s32 $0x9;
	_ =	strace $0x80000048  }
0xb5: {  	_ =	swait.ge [sflag:s29], $0x1  }
0xb6: {  	[sflag:s29] =	ssyncadd.s32 $0xFFFFFFFF  }
0xb7: {  	_ =	strace $0x90000048  }
0xb8: {  	_ =	sfence  }
0xb9: {  	s30 =	sld [smem:$0x0];
	_ =	sdelay $0x2  }
0xba: {  	s31 =	sshll.u32 s1, $0xD;
	s1 =	sshrl.u32 s1, $0x2  }
0xbb: {  	s3 =	sand.u32 $0x4000, s31;
	s1 =	sadd.s32 s1, s30  }
0xbc: {  	s0 =	sor.u32 s3, s0;
	s1 =	sshll.u32 s1, $0x11  }
0xbd: {  	s0 =	sor.u32 s1, s0  }
0xbe: {  	s0 =	sadd.s32 $0x8F2B, s0  }
0xbf: {  	[sflag:s0] =	ssyncadd.remote.s32 $0x1  }
0xc0: {  	_ =	sfence.sel $0xFFFF  }
0xc1: {  	[dreg:$0x0] =	wrdreg $0xFFFFFFFF;
	(pc) =	sbr.abs _section_cstart, $3  }
0xc2: {  	[dreg:$0x1] =	wrdreg $0xFFFFFFFF  }
0xc3: {  	_ =	task.clear_ibuf [dreg:s7], $0x2FFFF;
	_ =	strace $0x9FFFFFFF  }
0xc4: {  	(tm) =	ssettm $0x7FFFFFFF  }
0xc5: {  	_ =	shalt  }
tec
execute0_lowered:
.L_overlay_start_1:
0x0: {  	(tag) =	ssettag $0x1  }
0x1: {  	s7 =	rddreg [dreg:$0x0]  }
0x2: {  	s10 =	rddreg [dreg:$0x1]  }
0x3: {  	s1 =	rddreg [dreg:$0x2]  }
0x4: {  	s3 =	rddreg [dreg:$0x3]  }
0x5: {  	s0 =	rddreg [dreg:$0x4]  }
0x6: {  	s4 =	simm.s32 $0x0;
	s5 =	srdreg.scid;
	s2 =	stileid.u32  }
0x7: {  	s18 =	simm.s32 $0x1;
	s19 =	simm.s32 $0x2;
	s21 =	simm.s32 $0x20  }
0x8: {  	s22 =	simm.s32 $0x10;
	[smem:$0x7FF] =	sst s4;
	s5 =	sand.u32 $0x1, s5  }
0x9: {  	s6 =	sshll.u32 s2, $0x1;
	s8 =	sadd.s32 $0x1E00, s7;
	s31 =	smul.u32 $0x280, s2  }
0xa: {  	s17 =	sadd.s32 $0xBA80, s7;
	s23 =	smul.u32 $0xA0, s2;
	p0 =	sgt.u32 s2, $0xB  }
0xb: {  	p2 =	slt.u32 s2, $0xC;
	_ =	strace $0x80000047;
	s11 =	sor.u32 s5, s6  }
0xc: {  	s12 =	sshll.u32 s5, $0x4;
	s5 =	ssub.s32 $0x2, s5;
	s6 =	smul.u32 $0x480, s11  }
0xd: {  	s13 =	sadd.s32 s12, s7;
	s9 =	sshrl.u32 s5, $0x1;
	s14 =	smul.u32 $0x500, s11  }
0xe: {  	s7 =	sadd.s32 $0xBA00, s7;
	s20 =	sadd.s32 s10, s12;
	p1 =	sne.s32 s11, $0x1F  }
0xf: {  	s15 =	ssub.s32 s5, s9;
	s9 =	sadd.s32 s31, s3;
	s24 =	sadd.s32 $0x15800, s13  }
0x10: {  	s13 =	sadd.s32 @!p1 $0x9C00, s17;
	s20 =	sadd.s32 s23, s20;
	s16 =	sadd.s32 $0xC00, s6  }
0x11: {  	s6 =	sadd.s32 s8, s14;
	s10 =	smax.u32 s15, $0x1;
	s12 =	sadd.s32 @!p0 s14, s17  }
0x12: {  	s14 =	simm.s32 $0x5080;
	s15 =	simm.s32 $0x3;
	s23 =	sadd.s32 s23, s24  }
0x13: {  	s24 =	simm.s32 $0x0;
	s5 =	sadd.s32 s8, s16;
	s8 =	sadd.s32 s31, s1  }
0x14: {  	v0 =	vimm.f32 $1.000000000e+00;
	v1 =	vimm.f32 $0.0e+00;
	s11 =	sadd.s32 @p0 s16, s17;
	s16 =	simm.s32 $0x80;
	s17 =	simm.s32 $0x5000  }
.LBB2_1:
0x15: {  	s25 =	simm.s32 @p0 $0x0;
	s26 =	simm.s32 @p0 $0x3  }
0x16: {  	[tilespmem:s25], [sflag:$0x3] =	stream.linear.gather @p0 [hbm4b:s5+s25], $0x2400, $0x38;
	[tilespmem:$0x5800] =	vst v63  }
0x17: {  	_ =	swait.ge @p0 [sflag:s26], $0x2400  }
0x18: {  	[sflag:s26] =	ssyncset.done @p0 $0x0  }
0x19: {  	s28 =	simm.s32 @p0 $0x2800;
	[sflag:s26] =	ssyncadd.s32 @p0 $0xFFFFDC00  }
0x1a: {  	[tilespmem:s28], [sflag:$0x3] =	stream.linear.gather @p0 [hbm4b:s11+s25], $0x2400, $0x38;
	[tilespmem:$0x5800] =	vst v63  }
0x1b: {  	_ =	swait.ge @p0 [sflag:s26], $0x2400  }
0x1c: {  	[sflag:s26] =	ssyncset.done @p0 $0x0  }
0x1d: {  	s25 =	simm.s32 @!p0 $0x0;
	[sflag:s26] =	ssyncadd.s32 @p0 $0xFFFFDC00;
	s26 =	simm.s32 @!p0 $0x3  }
0x1e: {  	[tilespmem:s25], [sflag:$0x3] =	stream.linear.gather @!p0 [hbm4b:s6+s25], $0x2800, $0x38;
	[tilespmem:$0x5800] =	vst v63  }
0x1f: {  	_ =	swait.ge @!p0 [sflag:s26], $0x2800  }
0x20: {  	[sflag:s26] =	ssyncset.done @!p0 $0x0  }
0x21: {  	s28 =	simm.s32 @!p0 $0x2800;
	[sflag:s26] =	ssyncadd.s32 @!p0 $0xFFFFD800  }
0x22: {  	[tilespmem:s28], [sflag:$0x3] =	stream.linear.gather @!p0 [hbm4b:s12+s25], $0x2800, $0x38;
	[tilespmem:$0x5800] =	vst v63  }
0x23: {  	_ =	swait.ge @!p0 [sflag:s26], $0x2800  }
0x24: {  	[sflag:s26] =	ssyncset.done @!p0 $0x0  }
0x25: {  	s25 =	simm.s32 @!p1 $0x0;
	[sflag:s26] =	ssyncadd.s32 @!p0 $0xFFFFD800;
	s26 =	simm.s32 @!p1 $0x2400  }
0x26: {  	[tilespmem:s26], [sflag:$0x3] =	stream.linear.gather @!p1 [hbm4b:s7+s25], $0x200, $0x38;
	[tilespmem:$0x5800] =	vst v63  }
0x27: {  	s26 =	simm.s32 @!p1 $0x3  }
0x28: {  	_ =	swait.ge @!p1 [sflag:s26], $0x200  }
0x29: {  	[sflag:s26] =	ssyncset.done @!p1 $0x0  }
0x2a: {  	s28 =	simm.s32 @!p1 $0x4C00;
	[sflag:s26] =	ssyncadd.s32 @!p1 $0xFFFFFE00  }
0x2b: {  	[tilespmem:s28], [sflag:$0x3] =	stream.linear.gather @!p1 [hbm4b:s13+s25], $0x200, $0x38;
	[tilespmem:$0x5800] =	vst v63  }
0x2c: {  	_ =	swait.ge @!p1 [sflag:s26], $0x200  }
0x2d: {  	[sflag:s26] =	ssyncset.done @!p1 $0x0  }
0x2e: {  	[sflag:s26] =	ssyncadd.s32 @!p1 $0xFFFFFE00  }
0x2f: {  	[tilespmem:$0x5000] =	vst v0  }
0x30: {  	[tilespmem:$0x5010] =	vst v0  }
0x31: {  	[tilespmem:$0x5020] =	vst v0  }
0x32: {  	[tilespmem:$0x5030] =	vst v0  }
0x33: {  	[tilespmem:$0x5040] =	vst v0  }
0x34: {  	[tilespmem:$0x5050] =	vst v0  }
0x35: {  	[tilespmem:$0x5060] =	vst v0  }
0x36: {  	[tilespmem:$0x5070] =	vst v0  }
0x37: {  	[tilespmem:$0x5080] =	vst v1  }
0x38: {  	[tilespmem:$0x5090] =	vst v1  }
0x39: {  	[tilespmem:$0x50A0] =	vst v1  }
0x3a: {  	[tilespmem:$0x50B0] =	vst v1  }
0x3b: {  	[tilespmem:$0x50C0] =	vst v1  }
0x3c: {  	[tilespmem:$0x50D0] =	vst v1  }
0x3d: {  	[tilespmem:$0x50E0] =	vst v1  }
0x3e: {  	[tilespmem:$0x50F0] =	vst v1  }
0x3f: {  	[tilespmem:$0x5100] =	vst v1  }
0x40: {  	[tilespmem:$0x5110] =	vst v1  }
0x41: {  	[tilespmem:$0x5120] =	vst v1  }
0x42: {  	[tilespmem:$0x5130] =	vst v1  }
0x43: {  	[tilespmem:$0x5140] =	vst v1  }
0x44: {  	[tilespmem:$0x5150] =	vst v1  }
0x45: {  	[tilespmem:$0x5160] =	vst v1  }
0x46: {  	[tilespmem:$0x5170] =	vst v1  }
0x47: {  	[tilespmem:$0x5180] =	vst v1  }
0x48: {  	[tilespmem:$0x5190] =	vst v1  }
0x49: {  	[tilespmem:$0x51A0] =	vst v1  }
0x4a: {  	[tilespmem:$0x51B0] =	vst v1  }
0x4b: {  	[tilespmem:$0x51C0] =	vst v1  }
0x4c: {  	[tilespmem:$0x51D0] =	vst v1  }
0x4d: {  	[tilespmem:$0x51E0] =	vst v1  }
0x4e: {  	[tilespmem:$0x51F0] =	vst v1  }
0x4f: {  	[tilespmem:$0x5200] =	vst v1  }
0x50: {  	[tilespmem:$0x5210] =	vst v1  }
0x51: {  	[tilespmem:$0x5220] =	vst v1  }
0x52: {  	[tilespmem:$0x5230] =	vst v1  }
0x53: {  	[tilespmem:$0x5240] =	vst v1  }
0x54: {  	[tilespmem:$0x5250] =	vst v1  }
0x55: {  	[tilespmem:$0x5260] =	vst v1  }
0x56: {  	[tilespmem:$0x5270] =	vst v1  }
0x57: {  	[tilespmem:$0x5280] =	vst v1  }
0x58: {  	[tilespmem:$0x5290] =	vst v1  }
0x59: {  	[tilespmem:$0x52A0] =	vst v1  }
0x5a: {  	[tilespmem:$0x52B0] =	vst v1  }
0x5b: {  	[tilespmem:$0x52C0] =	vst v1  }
0x5c: {  	[tilespmem:$0x52D0] =	vst v1  }
0x5d: {  	[tilespmem:$0x52E0] =	vst v1  }
0x5e: {  	[tilespmem:$0x52F0] =	vst v1  }
0x5f: {  	[spmem:s8] =	stream.linear.scatter [tilespmem:s14], [sflag:$0x3], $0x280, $0x38;
	[tilespmem:$0x5800] =	vst v63  }
0x60: {  	_ =	swait.ge [sflag:s15], $0x280  }
0x61: {  	[sflag:s15] =	ssyncset.done $0x0  }
0x62: {  	[sflag:s15] =	ssyncadd.s32 $0xFFFFFD80  }
0x63: {  	[spmem:s9] =	stream.linear.scatter [tilespmem:s14], [sflag:$0x3], $0x280, $0x38;
	[tilespmem:$0x5800] =	vst v63  }
0x64: {  	_ =	swait.ge [sflag:s15], $0x280  }
0x65: {  	s26 =	simm.s32 @!p1 $0x4C;
	[sflag:s15] =	ssyncset.done $0x0  }
0x66: {  	s26 =	simm.s32 @p1 $0x48;
	[sflag:s15] =	ssyncadd.s32 $0xFFFFFD80  }
0x67: {  	s26 =	simm.s32 @p2 $0x50;
	[bflag:$0x0] =	sbarrier.arrive $0xFFFF  }
0x68: {  	[spmem:s1] =	stream.indirect.scatter.add.f32 [tilespmem:s17], [sflag:$0x1], $0x1, s4, s16, $0xb8;
	[tilespmem:$0x5800] =	vst v63  }
0x69: {  	s25 =	simm.s32 $0x2800;
	p3 =	sne.s32 s26, $0x1  }
0x6a: {  	[spmem:s3] =	stream.indirect.scatter.add.f32 [tilespmem:s17], [sflag:$0x2], $0x1, s25, s16, $0xb8;
	[tilespmem:$0x5800] =	vst v63  }
.Ltmp0:
0x6b: {  	_ =	swait.ge [sflag:s18], $0x80;
	(pc) =	sbr.rel @!p3 .LBB2_3-.Ltmp0, $4  }
0x6c: {  	[sflag:s18] =	ssyncset.done $0x0  }
0x6d: {  	[sflag:s18] =	ssyncadd.s32 $0xFFFFFF80  }
0x6e: {  	_ =	swait.ge [sflag:s19], $0x80  }
0x6f: {  	s28 =	simm.s32 $0x0;
	s26 =	sadd.s32 $0xFFFFFFFF, s26;
	[sflag:s19] =	ssyncset.done $0x0  }
.LBB2_2:
0x70: {  	[sflag:s19] =	ssyncadd.s32 $0xFFFFFF80;
	s28 =	sadd.s32 $0x80, s28;
	s25 =	sadd.s32 $0x80, s25  }
0x71: {  	[spmem:s1] =	stream.indirect.scatter.add.f32 [tilespmem:s17], [sflag:$0x1], $0x1, s28, s16, $0xb8;
	[tilespmem:$0x5800] =	vst v63  }
0x72: {  	p3 =	sne.s32 s26, $0x1;
	s26 =	sadd.s32 $0xFFFFFFFF, s26  }
0x73: {  	[spmem:s3] =	stream.indirect.scatter.add.f32 [tilespmem:s17], [sflag:$0x2], $0x1, s25, s16, $0xb8;
	[tilespmem:$0x5800] =	vst v63  }
.Ltmp1:
0x74: {  	_ =	swait.ge [sflag:s18], $0x80;
	(pc) =	sbr.rel @p3 .LBB2_2-.Ltmp1, $4  }
0x75: {  	[sflag:s18] =	ssyncset.done $0x0  }
0x76: {  	[sflag:s18] =	ssyncadd.s32 $0xFFFFFF80  }
0x77: {  	_ =	swait.ge [sflag:s19], $0x80  }
0x78: {  	[sflag:s19] =	ssyncset.done $0x0  }
.LBB2_3:
0x79: {  	[sflag:s19] =	ssyncadd.s32 $0xFFFFFF80;
	s25 =	sshll.u32 s2, $0x6  }
0x7a: {  	s26 =	sshrl.u32 s8, $0x3;
	[bflag:$0x0] =	sbarrier.arrive $0xFFFF;
	s25 =	sor.u32 $0x1C03, s25  }
0x7b: {  	[hbm:s20@s21], [sflag:s25] =	dma.strided [spmem:s26@s22], $0x50, s18, $0x10   }
0x7c: {  	s24 =	sadd.s32 $0x1, s24;
	_ =	swait.ge [sflag:s15], $0x50  }
0x7d: {  	p3 =	sne.s32 s24, s10;
	[sflag:s15] =	ssyncset.done $0x0  }
.Ltmp2:
0x7e: {  	s31 =	sshrl.u32 s9, $0x3;
	[sflag:s15] =	ssyncadd.s32 $0xFFFFFFB0;
	(pc) =	sbr.rel @p3 .LBB2_1-.Ltmp2, $4  }
0x7f: {  	[hbm:s23@s21], [sflag:s25] =	dma.strided [spmem:s31@s22], $0x50, s18, $0x10   }
0x80: {  	_ =	swait.ge [sflag:s15], $0x50  }
0x81: {  	[sflag:s15] =	ssyncset.done $0x0  }
0x82: {  	[sflag:s15] =	ssyncadd.s32 $0xFFFFFFB0  }
0x83: {  	_ =	sfence.sel $0x180000  }
0x84: {  	[bflag:$0x0] =	sbarrier.arrive $0xFFFF  }
0x85: {  	p0 =	sne.s32 s2, $0x0;
	_ =	strace $0x90000047  }
0x86: {  	s0 =	sadd.s32 @!p0 $0x100000, s0;
	[bflag:$0x2] =	sbarrier.arrive $0xFFFF  }
0x87: {  	[sflag:s0] =	ssyncadd.tile.s32 @!p0 $0x1;
	_ =	shalt  }
.Lfunc_end2:
_tile_overlayer_lowered:
.L_overlay_start_2:
0x88: {  	(tag) =	ssettag $0x2  }
0x89: {  	s0 =	rddreg [dreg:$0x0];
	s2 =	stileid.u32  }
0x8a: {  	s1 =	rddreg [dreg:$0x1];
	p0 =	sne.s32 s2, $0x0  }
0x8b: {  	s3 =	rddreg [dreg:$0x2];
	[bflag:$0x3] =	sbarrier.arrive $0xFFFF;
	s2 =	simm.s32 @!p0 $0x1C03  }
0x8c: {  	[timem:s3], [sflag:s2] =	dma.local @!p0 [hbm:s0], s1  }
0x8d: {  	s0 =	simm.s32 @!p0 $0x3  }
0x8e: {  	_ =	swait.ge @!p0 [sflag:s0], s1  }
0x8f: {  	s1 =	ssub.s32 @!p0 $0x0, s1;
	[sflag:s0] =	ssyncset.done @!p0 $0x0  }
0x90: {  	[sflag:s0] =	ssyncadd.s32 @!p0 s1  }
0x91: {  	[bflag:$0x3] =	sbarrier.arrive $0xFFFF  }
0x92: {  	_ =	shalt  }

// kernel: kernel.9.cloned.1.call-start
scs
__scs_entry_jumppad:
0x0: {  	(pc) =	sbr.rel $0x88, $3  }
0x1: {  	(tag) =	ssettag $0x0;
	lr =	simm.s32 $0x1  }
0x2: {  	[smem:$0x3F9F] =	sst lr;
	_ =	strace $0xD0000000  }
0x3: {  	_ = 	snop  }
0x4: {  	_ = 	snop  }
0x5: {  	_ = 	snop  }
0x6: {  	_ = 	snop  }
0x7: {  	_ = 	snop  }
__scs_overlays_trampoline_lowered:
0x8: {  	[smem:$0x3FAE] =	sst s0  }
0x9: {  	[smem:$0x3FAF] =	sst s1  }
0xa: {  	[smem:$0x3FB0] =	sst s2  }
0xb: {  	[smem:$0x3FB1] =	sst s3  }
0xc: {  	[smem:$0x3FB2] =	sst s4  }
0xd: {  	[smem:$0x3FB3] =	sst s5  }
0xe: {  	[smem:$0x3FB4] =	sst s6  }
0xf: {  	[smem:$0x3FB5] =	sst s7  }
0x10: {  	[smem:$0x3FB6] =	sst s8  }
0x11: {  	[smem:$0x3FB7] =	sst s9;
	s0 =	simm.s32 @!p0 $0x0  }
0x12: {  	s1 =	sld [smem:$0x3F9D];
	s0 =	simm.s32 @p0 $0x1  }
0x13: {  	[smem:$0x3FB8] =	sst s0;
	s0 =	simm.s32 @!p1 $0x0  }
0x14: {  	s2 =	sld [smem:$0x3F9C];
	s0 =	simm.s32 @p1 $0x1  }
0x15: {  	[smem:$0x3FB9] =	sst s0;
	s0 =	simm.s32 @!p2 $0x0  }
0x16: {  	s3 =	sld [smem:$0x3FDB];
	s0 =	simm.s32 @p2 $0x1  }
0x17: {  	s4 =	simm.s32 $0x1BF5;
	[smem:$0x3FBB] =	sst s0  }
0x18: {  	s0 =	sld [smem:$0x3F9E];
	_ =	swait.ge [sflag:s4], $0x0  }
0x19: {  	s7 =	sld [smem:$0x3F9F]  }
0x1a: {  	s8 =	sadd.s32 $0xFFFFE003, lr  }
0x1b: {  	s9 =	sadd.s32 $0xFFFFFEF7, lr;
	s5 =	simm.s32 $0xFFFFFFFF;
	p2 =	slt.u32 s8, $0xFFFFF086  }
0x1c: {  	p1 =	slt.u32 s9, $0xF7A;
	s5 =	simm.s32 @!p2 $0x0  }
0x1d: {  	s5 =	simm.s32 @p1 $0x1;
	p0 =	seq.s32 s7, s2  }
0x1e: {  	s7 =	smul.u32 @!p0 $0xF7A, s2;
	p2 =	seq.s32 @!p0 s5, $0x0  }
0x1f: {  	s9 =	smul.u32 $0xF7A, s1;
	s8 =	simm.s32 @!p0 $0x1BF5;
	p2 =	por !p2, p0  }
0x20: {  	[sflag:s8] =	ssyncset.s32 @!p0 $0xFFFFF086;
	s6 =	sadd.s32 @!p0 s3, s7;
	s7 =	simm.s32 @!p0 $0x108  }
0x21: {  	s3 =	sadd.s32 s3, s9;
	s6 =	sadd.s32 @!p0 $0x88, s6;
	s7 =	simm.s32 @p2 $0x1082  }
0x22: {  	[simem:s7], [sflag:s8] =	dma.local @!p0 [hbm:s6], $0xF7A  }
0x23: {  	s9 =	sor.u32 $0xD0000000, s2;
	s6 =	simm.s32 $0x108;
	_ =	swait.ge @!p0 [sflag:s8], $0x0  }
0x24: {  	s3 =	sadd.s32 $0x88, s3;
	s6 =	simm.s32 @!p1 $0x1082;
	[sflag:s4] =	ssyncset.s32 $0xFFFFF086  }
0x25: {  	[simem:s6], [sflag:s4] =	dma.local [hbm:s3], $0xF7A  }
0x26: {  	[smem:$0x3F9F] =	sst s1;
	(tag) =	ssettag s2;
	_ =	strace s9  }
0x27: {  	s1 =	sld [smem:$0x3FAF]  }
0x28: {  	s2 =	sld [smem:$0x3FB0]  }
0x29: {  	s4 =	sld [smem:$0x3FB2]  }
0x2a: {  	p0 =	seq.s32 s5, $0x0;
	s5 =	sld [smem:$0x3FB3]  }
0x2b: {  	s6 =	sld [smem:$0x3FB4]  }
0x2c: {  	s7 =	sld [smem:$0x3FB5]  }
0x2d: {  	s3 =	simm.s32 $0x108;
	s8 =	sld [smem:$0x3FB6]  }
0x2e: {  	s3 =	simm.s32 @!p0 $0x1082;
	s9 =	sld [smem:$0x3FB7]  }
0x2f: {  	lr =	sadd.s32 s0, s3;
	s0 =	sld [smem:$0x3FAE]  }
0x30: {  	s3 =	sld [smem:$0x3FB1]  }
0x31: {  	[smem:$0x3FBA] =	sst s10  }
0x32: {  	s10 =	sld [smem:$0x3FB8];
	_ =	sdelay $0x3  }
0x33: {  	p0 =	seq.s32 s10, $0x1;
	s10 =	sld [smem:$0x3FBA];
	_ =	sdelay $0x3  }
0x34: {  	[smem:$0x3FBA] =	sst s10  }
0x35: {  	s10 =	sld [smem:$0x3FB9];
	_ =	sdelay $0x3  }
0x36: {  	p1 =	seq.s32 s10, $0x1;
	s10 =	sld [smem:$0x3FBA];
	_ =	sdelay $0x3  }
0x37: {  	[smem:$0x3FBA] =	sst s10  }
0x38: {  	s10 =	sld [smem:$0x3FBB]  }
0x39: {  	_ = 	snop;
	(pc) =	sbr.ind lr, $3  }
0x3a: {  	_ = 	snop  }
0x3b: {  	_ = 	snop  }
0x3c: {  	p2 =	seq.s32 s10, $0x1;
	s10 =	sld [smem:$0x3FBA]  }
0x3d: {  	_ =	shalt  }
0x3e: {  	_ =	shalt  }
0x3f: {  	_ =	shalt  }
0x40: {  	_ =	shalt  }
0x41: {  	_ =	shalt  }
0x42: {  	_ =	shalt  }
0x43: {  	_ =	shalt  }
0x44: {  	_ =	shalt  }
0x45: {  	_ =	shalt  }
0x46: {  	_ =	shalt  }
0x47: {  	_ =	shalt  }
0x48: {  	_ =	shalt  }
0x49: {  	_ =	shalt  }
0x4a: {  	_ =	shalt  }
0x4b: {  	_ =	shalt  }
0x4c: {  	_ =	shalt  }
0x4d: {  	_ =	shalt  }
0x4e: {  	_ =	shalt  }
0x4f: {  	_ =	shalt  }
0x50: {  	_ =	shalt  }
0x51: {  	_ =	shalt  }
0x52: {  	_ =	shalt  }
0x53: {  	_ =	shalt  }
0x54: {  	_ =	shalt  }
0x55: {  	_ =	shalt  }
0x56: {  	_ =	shalt  }
0x57: {  	_ =	shalt  }
0x58: {  	_ =	shalt  }
0x59: {  	_ =	shalt  }
0x5a: {  	_ =	shalt  }
0x5b: {  	_ =	shalt  }
0x5c: {  	_ =	shalt  }
0x5d: {  	_ =	shalt  }
0x5e: {  	_ =	shalt  }
0x5f: {  	_ =	shalt  }
0x60: {  	_ =	shalt  }
0x61: {  	_ =	shalt  }
0x62: {  	_ =	shalt  }
0x63: {  	_ =	shalt  }
0x64: {  	_ =	shalt  }
0x65: {  	_ =	shalt  }
0x66: {  	_ =	shalt  }
0x67: {  	_ =	shalt  }
0x68: {  	_ =	shalt  }
0x69: {  	_ =	shalt  }
0x6a: {  	_ =	shalt  }
0x6b: {  	_ =	shalt  }
0x6c: {  	_ =	shalt  }
0x6d: {  	_ =	shalt  }
0x6e: {  	_ =	shalt  }
0x6f: {  	_ =	shalt  }
0x70: {  	_ =	shalt  }
0x71: {  	_ =	shalt  }
0x72: {  	_ =	shalt  }
0x73: {  	_ =	shalt  }
0x74: {  	_ =	shalt  }
0x75: {  	_ =	shalt  }
0x76: {  	_ =	shalt  }
0x77: {  	_ =	shalt  }
0x78: {  	_ =	shalt  }
0x79: {  	_ =	shalt  }
0x7a: {  	_ =	shalt  }
0x7b: {  	_ =	shalt  }
0x7c: {  	_ =	shalt  }
0x7d: {  	_ =	shalt  }
0x7e: {  	_ =	shalt  }
0x7f: {  	_ =	shalt  }
0x80: {  	_ =	shalt  }
0x81: {  	_ =	shalt  }
0x82: {  	_ =	shalt  }
0x83: {  	_ =	shalt  }
0x84: {  	_ =	shalt  }
0x85: {  	_ =	shalt  }
0x86: {  	_ =	shalt  }
0x87: {  	_ =	shalt  }
.Lfunc_end0:
.L_simem_size_0:
called_computation.1_lowered:
.L_overlay_start_0:
0x88: {  	s2 =	sld [smem:$0x3FD9]  }
0x89: {  	s3 =	sld [smem:$0x3FFE];
	_ =	sdelay $0x1  }
0x8a: {  	s1 =	srdreg.scid  }
0x8b: {  	s0 =	sand.u32 $0x1, s1  }
0x8c: {  	s17 =	sshll.u32 s0, $0xA;
	s2 =	sadd.s32 s3, s2  }
0x8d: {  	s2 =	sadd.s32 s2, s17  }
0x8e: {  	[smem:$0x3FC6] =	sst s2  }
0x8f: {  	_ = 	snop  }
0x90: {  	s2 =	sld [smem:$0x3FD0];
	(tm) =	ssettm $0x1  }
0x91: {  	s18 =	sld [smem:$0x3FFB];
	_ =	sdelay $0x3  }
0x92: {  	_ =	strace s18  }
0x93: {  	s3 =	sld [smem:$0x3FFC];
	_ =	sdelay $0x3  }
0x94: {  	_ =	strace s3  }
0x95: {  	s3 =	sld [smem:$0x3FFD];
	_ =	sdelay $0x3  }
0x96: {  	_ =	strace s3  }
0x97: {  	_ =	strace $0x8FFFFFFF  }
0x98: {  	s19 =	sld [smem:$0x3FDB];
	_ =	sdelay $0x1  }
0x99: {  	s4 =	simm.s32 $_scs_section_size  }
0x9a: {  	s5 =	simm.s32 $_size__tile_overlayer_lowered;
	s6 =	simm.s32 $_tile_overlayer_lowered  }
0x9b: {  	s22 =	simm.s32 $0x1BFF;
	s21 =	sshll.u32 s6, $0x1;
	s3 =	sadd.s32 s4, s19  }
0x9c: {  	s7 =	simm.s32 $0x0;
	s20 =	sshll.u32 s5, $0x1;
	s5 =	sadd.s32 s21, s3  }
0x9d: {  	[timem:s7], [sflag:s22] =	dma.local [hbm:s5], s20  }
0x9e: {  	_ =	swait.ge [sflag:s22], s20  }
0x9f: {  	s4 =	ssub.s32 $0x0, s20;
	[sflag:s22] =	ssyncset.done $0x0  }
0xa0: {  	[sflag:s22] =	ssyncadd.s32 s4;
	_ =	sdelay $0x1  }
0xa1: {  	s23 =	simm.s32 $0x1B8B  }
0xa2: {  	_ =	swait.ge [sflag:s23], $0x1  }
0xa3: {  	[sflag:s23] =	ssyncset.done $0x0  }
0xa4: {  	s25 =	simm.s32 $0x1B8E;
	s24 =	sld [smem:$0x3FFE];
	[sflag:s23] =	ssyncadd.s32 $0xFFFFFFFF  }
0xa5: {  	s26 =	simm.s32 $execute0_lowered;
	[smem:$0x3FD2] =	sst s25  }
0xa6: {  	s5 =	sshll.u32 s26, $0x1;
	_ =	strace $0x80000049;
	[dreg:$0x1] =	wrdreg $0xFFFFFFFF  }
0xa7: {  	s28 =	simm.s32 $_size_execute0_lowered;
	s3 =	sadd.s32 s3, s5;
	[dreg:$0x0] =	wrdreg $0x0  }
0xa8: {  	s5 =	sshll.u32 s28, $0x1;
	[dreg:$0x2] =	wrdreg s3  }
0xa9: {  	[dreg:$0x3] =	wrdreg s5  }
0xaa: {  	[dreg:$0x4] =	wrdreg $0xC0  }
0xab: {  	_ =	task [dreg:s7], $0x5FFFF  }
0xac: {  	[dreg:$0x1] =	wrdreg $0xFFFFFFFF  }
0xad: {  	[dreg:$0x0] =	wrdreg $0x60  }
0xae: {  	[dreg:$0x2] =	wrdreg s2  }
0xaf: {  	[dreg:$0x3] =	wrdreg s24  }
0xb0: {  	[dreg:$0x4] =	wrdreg $0xA8000  }
0xb1: {  	[dreg:$0x5] =	wrdreg $0x9  }
0xb2: {  	_ =	task.clear_ibuf [dreg:s7], $0x6FFFF;
	_ =	strace $0x90000049  }
0xb3: {  	s29 =	simm.s32 $0x9;
	_ =	strace $0x8000004B  }
0xb4: {  	_ =	swait.ge [sflag:s29], $0x1  }
0xb5: {  	[sflag:s29] =	ssyncadd.s32 $0xFFFFFFFF  }
0xb6: {  	_ =	strace $0x9000004B  }
0xb7: {  	_ =	sfence  }
0xb8: {  	s30 =	sld [smem:$0x0];
	_ =	sdelay $0x2  }
0xb9: {  	s31 =	sshll.u32 s1, $0xD;
	s1 =	sshrl.u32 s1, $0x2  }
0xba: {  	s3 =	sand.u32 $0x4000, s31;
	s1 =	sadd.s32 s1, s30  }
0xbb: {  	s0 =	sor.u32 s3, s0;
	s1 =	sshll.u32 s1, $0x11  }
0xbc: {  	s0 =	sor.u32 s1, s0  }
0xbd: {  	s0 =	sadd.s32 $0x8F2B, s0  }
0xbe: {  	[sflag:s0] =	ssyncadd.remote.s32 $0x1  }
0xbf: {  	_ =	sfence.sel $0xFFFF  }
0xc0: {  	[dreg:$0x0] =	wrdreg $0xFFFFFFFF;
	(pc) =	sbr.abs _section_cstart, $3  }
0xc1: {  	[dreg:$0x1] =	wrdreg $0xFFFFFFFF  }
0xc2: {  	_ =	task.clear_ibuf [dreg:s7], $0x2FFFF;
	_ =	strace $0x9FFFFFFF  }
0xc3: {  	(tm) =	ssettm $0x7FFFFFFF  }
tec
execute0_lowered:
.L_overlay_start_1:
0x0: {  	(tag) =	ssettag $0x1  }
0x1: {  	s1 =	rddreg [dreg:$0x0]  }
0x2: {  	s0 =	rddreg [dreg:$0x1]  }
0x3: {  	s3 =	rddreg [dreg:$0x2]  }
0x4: {  	s5 =	srdreg.scid;
	s2 =	stileid.u32;
	s4 =	simm.s32 $0x0  }
0x5: {  	s29 =	simm.s32 $0x6800;
	s30 =	simm.s32 $0x1;
	s31 =	simm.s32 $0x2  }
0x6: {  	s5 =	sand.u32 $0x1, s5;
	s6 =	sshll.u32 s2, $0x1;
	s9 =	smul.u32 $0x280, s2  }
0x7: {  	[smem:$0x7FF] =	sst s4;
	s16 =	sadd.s32 $0x1E00, s0;
	s13 =	smul.u32 $0x50000, s2  }
0x8: {  	p0 =	slt.u32 s2, $0xC;
	s7 =	smul.u32 $0x28000, s5;
	s12 =	sor.u32 s5, s6  }
0x9: {  	_ =	strace $0x8000004A;
	s5 =	ssub.s32 $0x2, s5;
	s6 =	smul.u32 $0x48, s12  }
0xa: {  	s8 =	sshrl.u32 s5, $0x1;
	s20 =	sadd.s32 $0x80, s9;
	s21 =	sadd.s32 $0x100, s9  }
0xb: {  	s22 =	sadd.s32 $0x180, s9;
	s23 =	sadd.s32 $0x200, s9;
	s24 =	smul.u32 $0x500, s12  }
0xc: {  	p1 =	sne.s32 s12, $0x1F;
	s18 =	sadd.s32 s7, s0;
	s19 =	ssub.s32 s5, s8  }
0xd: {  	s7 =	smul.u32 $0x50, s12;
	s5 =	sshrl.u32 s13, $0x2;
	s14 =	sshll.u32 s20, $0x7  }
0xe: {  	s15 =	sshll.u32 s21, $0x7;
	s17 =	sshll.u32 s22, $0x7;
	s9 =	sshll.u32 s23, $0x7  }
0xf: {  	s13 =	sadd.s32 $0xBA80, s0;
	s28 =	sshll.u32 s23, $0x4;
	s10 =	sadd.s32 $0xC0, s6  }
0x10: {  	s5 =	sadd.s32 s5, s3;
	s6 =	sadd.s32 s14, s3;
	s8 =	sadd.s32 s17, s3  }
0x11: {  	s9 =	sadd.s32 s9, s3;
	[dreg:$0x5] =	wrdreg s24;
	s26 =	sadd.s32 s16, s24  }
0x12: {  	s17 =	sadd.s32 $0xBA00, s0;
	s24 =	sshll.u32 s20, $0x4;
	s11 =	smov.u32 s10  }
0x13: {  	s10 =	sshll.u32 s10, $0x4;
	[dreg:$0x8] =	wrdreg s26;
	s26 =	sshll.u32 s22, $0x4  }
0x14: {  	s11 =	smov.u32 @p0 s7;
	s7 =	sadd.s32 s15, s3;
	[dreg:$0x4] =	wrdreg s10  }
0x15: {  	s10 =	sadd.s32 s16, s10;
	s15 =	smul.u32 $0x2800, s2;
	p0 =	sgt.u32 s2, $0xB  }
0x16: {  	s14 =	sshll.u32 s11, $0x4;
	[dreg:$0x6] =	wrdreg s10;
	s11 =	sadd.s32 $0x15800, s18  }
.Ltmp0:
0x17: {  	s18 =	smax.u32 s19, $0x1;
	s14 =	sadd.s32 $0x280, s14;
	(pc) =	sbr.rel .LBB2_1-.Ltmp0, $4  }
0x18: {  	s19 =	simm.s32 $0x2800;
	s20 =	sadd.s32 s15, s11;
	s25 =	sadd.s32 s16, s14  }
0x19: {  	s23 =	sadd.s32 s26, s11;
	s26 =	simm.s32 $0x1400;
	[dreg:$0x7] =	wrdreg s25  }
0x1a: {  	s25 =	sshll.u32 s21, $0x4;
	s21 =	sadd.s32 s24, s11;
	s24 =	sadd.s32 s28, s11  }
0x1b: {  	v0 =	vimm.f32 $0.0e+00;
	s28 =	simm.s32 $0x80;
	s22 =	sadd.s32 s25, s11;
	s25 =	simm.s32 $0x3  }
.LBB2_9:
0x1c: {  	s10 =	sadd.s32 $0x80, s0;
	[sflag:s25] =	ssyncadd.s32 @p2 $0xFFFFC000  }
0x1d: {  	[tilespmem:s29], [sflag:$0x2] =	stream.indirect.gather [hbm4b:s1+s28], $0x80, s10, s28, $0xb8;
	[tilespmem:$0x1E800] =	vst v63  }
0x1e: {  	_ =	swait.ge [sflag:s30], $0x4000  }
0x1f: {  	[sflag:s30] =	ssyncset.done $0x0  }
0x20: {  	s12 =	sadd.s32 $0x1400, s0;
	[sflag:s30] =	ssyncadd.s32 $0xFFFFC000  }
0x21: {  	[spmem:s3] =	stream.indirect.scatter.add.f32 [tilespmem:s19], [sflag:$0x3], $0x80, s12, s28, $0xb8;
	[tilespmem:$0x1E800] =	vst v63  }
0x22: {  	_ =	swait.ge [sflag:s25], $0x4000  }
0x23: {  	[sflag:s25] =	ssyncset.done $0x0  }
0x24: {  	s15 =	sadd.s32 $0x100, s0;
	[sflag:s25] =	ssyncadd.s32 $0xFFFFC000  }
0x25: {  	[tilespmem:s19], [sflag:$0x1] =	stream.indirect.gather [hbm4b:s1+s28], $0x80, s15, s28, $0xb8;
	[tilespmem:$0x1E800] =	vst v63  }
0x26: {  	_ =	swait.ge [sflag:s31], $0x4000  }
0x27: {  	[sflag:s31] =	ssyncset.done $0x0  }
0x28: {  	s16 =	sadd.s32 $0x1480, s0;
	[sflag:s31] =	ssyncadd.s32 $0xFFFFC000  }
0x29: {  	[spmem:s3] =	stream.indirect.scatter.add.f32 [tilespmem:s29], [sflag:$0x3], $0x80, s16, s28, $0xb8;
	[tilespmem:$0x1E800] =	vst v63  }
0x2a: {  	_ =	swait.ge [sflag:s25], $0x4000  }
0x2b: {  	s0 =	simm.s32 $0x2780;
	[sflag:s25] =	ssyncset.done $0x0  }
0x2c: {  	s12 =	simm.s32 $0x2700;
	s16 =	simm.s32 $0x1380;
	[sflag:s25] =	ssyncadd.s32 $0xFFFFC000  }
.LBB2_15:
0x2d: {  	[tilespmem:s29], [sflag:$0x2] =	stream.indirect.gather [hbm4b:s1+s28], $0x80, s16, s28, $0xb8;
	[tilespmem:$0x1E800] =	vst v63  }
0x2e: {  	_ =	swait.ge [sflag:s30], $0x4000  }
0x2f: {  	[sflag:s30] =	ssyncset.done $0x0  }
0x30: {  	[sflag:s30] =	ssyncadd.s32 $0xFFFFC000  }
0x31: {  	[spmem:s3] =	stream.indirect.scatter.add.f32 [tilespmem:s19], [sflag:$0x3], $0x80, s12, s28, $0xb8;
	[tilespmem:$0x1E800] =	vst v63  }
0x32: {  	_ =	swait.ge [sflag:s25], $0x4000  }
0x33: {  	[sflag:s25] =	ssyncset.done $0x0  }
0x34: {  	[sflag:s25] =	ssyncadd.s32 $0xFFFFC000  }
0x35: {  	_ =	swait.ge [sflag:s31], $0x4000  }
0x36: {  	[sflag:s31] =	ssyncset.done $0x0  }
0x37: {  	[sflag:s31] =	ssyncadd.s32 $0xFFFFC000  }
0x38: {  	[spmem:s3] =	stream.indirect.scatter.add.f32 [tilespmem:s29], [sflag:$0x3], $0x80, s0, s28, $0xb8;
	[tilespmem:$0x1E800] =	vst v63  }
0x39: {  	_ =	swait.ge [sflag:s25], $0x4000  }
0x3a: {  	[sflag:s25] =	ssyncset.done $0x0  }
0x3b: {  	s10 =	simm.s32 @!p1 $0x3;
	s0 =	simm.s32 @!p1 $0x0;
	[sflag:s25] =	ssyncadd.s32 $0xFFFFC000  }
0x3c: {  	[tilespmem:s0], [sflag:$0x3] =	stream.linear.gather @!p1 [hbm4b:s17+s0], $0x200, $0x38;
	[tilespmem:$0x1E800] =	vst v63  }
0x3d: {  	_ =	swait.ge @!p1 [sflag:s10], $0x200  }
0x3e: {  	[sflag:s10] =	ssyncset.done @!p1 $0x0  }
0x3f: {  	s11 =	sadd.s32 @!p1 $0x9C00, s13;
	s12 =	simm.s32 @!p1 $0x1400;
	[sflag:s10] =	ssyncadd.s32 @!p1 $0xFFFFFE00  }
0x40: {  	[tilespmem:s12], [sflag:$0x3] =	stream.linear.gather @!p1 [hbm4b:s11+s0], $0x200, $0x38;
	[tilespmem:$0x1E800] =	vst v63  }
0x41: {  	_ =	swait.ge @!p1 [sflag:s10], $0x200  }
0x42: {  	[sflag:s10] =	ssyncset.done @!p1 $0x0  }
0x43: {  	s16 =	simm.s32 @!p1 $0x2800;
	s11 =	simm.s32 @!p1 $0x80;
	[sflag:s10] =	ssyncadd.s32 @!p1 $0xFFFFFE00  }
0x44: {  	[tilespmem:s16], [sflag:$0x1] =	stream.indirect.gather @!p1 [hbm4b:s1+s11], $0x80, s0, s11, $0xb8;
	[tilespmem:$0x1E800] =	vst v63  }
0x45: {  	s2 =	simm.s32 @!p1 $0x1;
	s0 =	simm.s32 @!p1 $0x6800  }
0x46: {  	[tilespmem:s0], [sflag:$0x2] =	stream.indirect.gather @!p1 [hbm4b:s1+s11], $0x80, s11, s11, $0xb8;
	[tilespmem:$0x1E800] =	vst v63  }
0x47: {  	_ =	swait.ge @!p1 [sflag:s2], $0x4000  }
0x48: {  	[sflag:s2] =	ssyncset.done @!p1 $0x0  }
0x49: {  	[sflag:s2] =	ssyncadd.s32 @!p1 $0xFFFFC000  }
0x4a: {  	[spmem:s3] =	stream.indirect.scatter.add.f32 @!p1 [tilespmem:s16], [sflag:$0x3], $0x80, s12, s11, $0xb8;
	[tilespmem:$0x1E800] =	vst v63  }
0x4b: {  	_ =	swait.ge @!p1 [sflag:s10], $0x4000  }
0x4c: {  	[sflag:s10] =	ssyncset.done @!p1 $0x0  }
0x4d: {  	s12 =	simm.s32 @!p1 $0x100;
	[sflag:s10] =	ssyncadd.s32 @!p1 $0xFFFFC000  }
0x4e: {  	[tilespmem:s16], [sflag:$0x1] =	stream.indirect.gather @!p1 [hbm4b:s1+s11], $0x80, s12, s11, $0xb8;
	[tilespmem:$0x1E800] =	vst v63  }
0x4f: {  	s12 =	simm.s32 @!p1 $0x2  }
0x50: {  	_ =	swait.ge @!p1 [sflag:s12], $0x4000  }
0x51: {  	[sflag:s12] =	ssyncset.done @!p1 $0x0  }
0x52: {  	s15 =	simm.s32 @!p1 $0x1480;
	[sflag:s12] =	ssyncadd.s32 @!p1 $0xFFFFC000  }
0x53: {  	[spmem:s3] =	stream.indirect.scatter.add.f32 @!p1 [tilespmem:s0], [sflag:$0x3], $0x80, s15, s11, $0xb8;
	[tilespmem:$0x1E800] =	vst v63  }
0x54: {  	_ =	swait.ge @!p1 [sflag:s10], $0x4000  }
0x55: {  	[sflag:s10] =	ssyncset.done @!p1 $0x0  }
0x56: {  	s15 =	simm.s32 @!p1 $0x180;
	[sflag:s10] =	ssyncadd.s32 @!p1 $0xFFFFC000  }
0x57: {  	[tilespmem:s0], [sflag:$0x2] =	stream.indirect.gather @!p1 [hbm4b:s1+s11], $0x80, s15, s11, $0xb8;
	[tilespmem:$0x1E800] =	vst v63  }
0x58: {  	_ =	swait.ge @!p1 [sflag:s2], $0x4000  }
0x59: {  	[sflag:s2] =	ssyncset.done @!p1 $0x0  }
0x5a: {  	[sflag:s2] =	ssyncadd.s32 @!p1 $0xFFFFC000;
	s2 =	simm.s32 @!p1 $0x1500  }
0x5b: {  	[spmem:s3] =	stream.indirect.scatter.add.f32 @!p1 [tilespmem:s16], [sflag:$0x3], $0x80, s2, s11, $0xb8;
	[tilespmem:$0x1E800] =	vst v63  }
0x5c: {  	_ =	swait.ge @!p1 [sflag:s10], $0x4000  }
0x5d: {  	[sflag:s10] =	ssyncset.done @!p1 $0x0  }
0x5e: {  	[sflag:s10] =	ssyncadd.s32 @!p1 $0xFFFFC000  }
0x5f: {  	_ =	swait.ge @!p1 [sflag:s12], $0x4000  }
0x60: {  	[sflag:s12] =	ssyncset.done @!p1 $0x0  }
0x61: {  	s2 =	simm.s32 @!p1 $0x1580;
	[sflag:s12] =	ssyncadd.s32 @!p1 $0xFFFFC000  }
0x62: {  	[spmem:s3] =	stream.indirect.scatter.add.f32 @!p1 [tilespmem:s0], [sflag:$0x3], $0x80, s2, s11, $0xb8;
	[tilespmem:$0x1E800] =	vst v63  }
0x63: {  	_ =	swait.ge @!p1 [sflag:s10], $0x4000  }
0x64: {  	s2 =	stileid.u32;
	[sflag:s10] =	ssyncset.done @!p1 $0x0  }
0x65: {  	s0 =	sshll.u32 s2, $0x6;
	[sflag:s10] =	ssyncadd.s32 @!p1 $0xFFFFC000  }
0x66: {  	s0 =	sor.u32 $0x1C03, s0;
	s10 =	sshrl.u32 s5, $0x3;
	[bflag:$0x0] =	sbarrier.arrive $0xFFFF  }
0x67: {  	[hbm:s20], [sflag:s0] =	dma.local [spmem:s10], $0x800  }
0x68: {  	_ =	swait.ge [sflag:s25], $0x800  }
0x69: {  	[sflag:s25] =	ssyncset.done $0x0  }
0x6a: {  	s11 =	sshrl.u32 s6, $0x3;
	[sflag:s25] =	ssyncadd.s32 $0xFFFFF800  }
0x6b: {  	[hbm:s21], [sflag:s0] =	dma.local [spmem:s11], $0x800  }
0x6c: {  	_ =	swait.ge [sflag:s25], $0x800  }
0x6d: {  	[sflag:s25] =	ssyncset.done $0x0  }
0x6e: {  	s12 =	sshrl.u32 s7, $0x3;
	[sflag:s25] =	ssyncadd.s32 $0xFFFFF800  }
0x6f: {  	[hbm:s22], [sflag:s0] =	dma.local [spmem:s12], $0x800  }
0x70: {  	_ =	swait.ge [sflag:s25], $0x800  }
0x71: {  	[sflag:s25] =	ssyncset.done $0x0  }
0x72: {  	s15 =	sshrl.u32 s8, $0x3;
	[sflag:s25] =	ssyncadd.s32 $0xFFFFF800  }
0x73: {  	[hbm:s23], [sflag:s0] =	dma.local [spmem:s15], $0x800  }
0x74: {  	s4 =	sadd.s32 $0x1, s4;
	_ =	swait.ge [sflag:s25], $0x800  }
0x75: {  	p2 =	sne.s32 s4, s18;
	[sflag:s25] =	ssyncset.done $0x0  }
.Ltmp1:
0x76: {  	s16 =	sshrl.u32 s9, $0x3;
	[sflag:s25] =	ssyncadd.s32 $0xFFFFF800;
	(pc) =	sbr.rel @!p2 .LBB2_16-.Ltmp1, $4  }
0x77: {  	[hbm:s24], [sflag:s0] =	dma.local [spmem:s16], $0x800  }
0x78: {  	_ =	swait.ge [sflag:s25], $0x800  }
0x79: {  	[sflag:s25] =	ssyncset.done $0x0  }
0x7a: {  	[sflag:s25] =	ssyncadd.s32 $0xFFFFF800  }
.LBB2_1:
0x7b: {  	s0 =	simm.s32 $0x0;
	s12 =	simm.s32 $0x200  }
.LBB2_2:
0x7c: {  	p2 =	sne.s32 s12, $0xFE00;
	[tilespmem:s0+$0x2870] =	vst v0  }
0x7d: {  	[tilespmem:s0+$0x2800] =	vst v0  }
0x7e: {  	[tilespmem:s0+$0x2810] =	vst v0  }
.Ltmp2:
0x7f: {  	[tilespmem:s0+$0x2820] =	vst v0;
	(pc) =	sbr.rel @p2 .LBB2_2-.Ltmp2, $4  }
0x80: {  	[tilespmem:s0+$0x2830] =	vst v0  }
0x81: {  	[tilespmem:s0+$0x2840] =	vst v0  }
0x82: {  	[tilespmem:s0+$0x2850] =	vst v0  }
0x83: {  	[tilespmem:s0+$0x2860] =	vst v0;
	s0 =	sshra.s32 s12, $0x2;
	s12 =	sadd.s32 $0x200, s12  }
0x84: {  	[tilespmem:s0+$0x2870] =	vst v0  }
0x85: {  	[tilespmem:s0+$0x2800] =	vst v0  }
0x86: {  	[tilespmem:s0+$0x2810] =	vst v0  }
0x87: {  	[tilespmem:s0+$0x2820] =	vst v0  }
0x88: {  	[tilespmem:s0+$0x2830] =	vst v0  }
0x89: {  	[tilespmem:s0+$0x2840] =	vst v0  }
0x8a: {  	[tilespmem:s0+$0x2850] =	vst v0  }
0x8b: {  	[tilespmem:s0+$0x2860] =	vst v0  }
0x8c: {  	[spmem:s5] =	stream.linear.scatter [tilespmem:s19], [sflag:$0x3], $0x4000, $0x38;
	[tilespmem:$0x1E800] =	vst v63  }
0x8d: {  	_ =	swait.ge [sflag:s25], $0x4000  }
0x8e: {  	[sflag:s25] =	ssyncset.done $0x0  }
0x8f: {  	[sflag:s25] =	ssyncadd.s32 $0xFFFFC000  }
0x90: {  	[spmem:s6] =	stream.linear.scatter [tilespmem:s19], [sflag:$0x3], $0x4000, $0x38;
	[tilespmem:$0x1E800] =	vst v63  }
0x91: {  	_ =	swait.ge [sflag:s25], $0x4000  }
0x92: {  	[sflag:s25] =	ssyncset.done $0x0  }
0x93: {  	[sflag:s25] =	ssyncadd.s32 $0xFFFFC000  }
0x94: {  	[spmem:s7] =	stream.linear.scatter [tilespmem:s19], [sflag:$0x3], $0x4000, $0x38;
	[tilespmem:$0x1E800] =	vst v63  }
0x95: {  	_ =	swait.ge [sflag:s25], $0x4000  }
0x96: {  	[sflag:s25] =	ssyncset.done $0x0  }
0x97: {  	[sflag:s25] =	ssyncadd.s32 $0xFFFFC000  }
0x98: {  	[spmem:s8] =	stream.linear.scatter [tilespmem:s19], [sflag:$0x3], $0x4000, $0x38;
	[tilespmem:$0x1E800] =	vst v63  }
0x99: {  	_ =	swait.ge [sflag:s25], $0x4000  }
0x9a: {  	[sflag:s25] =	ssyncset.done $0x0  }
0x9b: {  	[sflag:s25] =	ssyncadd.s32 $0xFFFFC000  }
0x9c: {  	[spmem:s9] =	stream.linear.scatter [tilespmem:s19], [sflag:$0x3], $0x4000, $0x38;
	[tilespmem:$0x1E800] =	vst v63  }
.Ltmp3:
0x9d: {  	_ =	swait.ge [sflag:s25], $0x4000;
	(pc) =	sbr.rel @p0 .LBB2_10-.Ltmp3, $4  }
0x9e: {  	[sflag:s25] =	ssyncset.done $0x0  }
0x9f: {  	[sflag:s25] =	ssyncadd.s32 $0xFFFFC000  }
0xa0: {  	[bflag:$0x0] =	sbarrier.arrive $0xFFFF  }
0xa1: {  	s0 =	simm.s32 $0x0  }
0xa2: {  	s2 =	rddreg [dreg:$0x8]  }
0xa3: {  	[tilespmem:s0], [sflag:$0x3] =	stream.linear.gather [hbm4b:s2+s0], $0x1400, $0x38;
	[tilespmem:$0x1E800] =	vst v63  }
0xa4: {  	_ =	swait.ge [sflag:s25], $0x1400  }
0xa5: {  	[sflag:s25] =	ssyncset.done $0x0;
	s10 =	rddreg [dreg:$0x5]  }
0xa6: {  	[sflag:s25] =	ssyncadd.s32 $0xFFFFEC00;
	s12 =	sadd.s32 s10, s13  }
0xa7: {  	[tilespmem:s26], [sflag:$0x3] =	stream.linear.gather [hbm4b:s12+s0], $0x1400, $0x38;
	[tilespmem:$0x1E800] =	vst v63  }
0xa8: {  	_ =	swait.ge [sflag:s25], $0x1400  }
0xa9: {  	[sflag:s25] =	ssyncset.done $0x0  }
0xaa: {  	[sflag:s25] =	ssyncadd.s32 $0xFFFFEC00  }
0xab: {  	[tilespmem:s19], [sflag:$0x1] =	stream.indirect.gather [hbm4b:s1+s28], $0x80, s0, s28, $0xb8;
	[tilespmem:$0x1E800] =	vst v63  }
0xac: {  	s11 =	simm.s32 $0x80  }
0xad: {  	[tilespmem:s29], [sflag:$0x2] =	stream.indirect.gather [hbm4b:s1+s28], $0x80, s11, s28, $0xb8;
	[tilespmem:$0x1E800] =	vst v63  }
0xae: {  	_ =	swait.ge [sflag:s30], $0x4000  }
0xaf: {  	[sflag:s30] =	ssyncset.done $0x0  }
0xb0: {  	s12 =	simm.s32 $0x1400;
	[sflag:s30] =	ssyncadd.s32 $0xFFFFC000  }
0xb1: {  	[spmem:s3] =	stream.indirect.scatter.add.f32 [tilespmem:s19], [sflag:$0x3], $0x80, s12, s28, $0xb8;
	[tilespmem:$0x1E800] =	vst v63  }
0xb2: {  	_ =	swait.ge [sflag:s25], $0x4000  }
0xb3: {  	[sflag:s25] =	ssyncset.done $0x0  }
0xb4: {  	s15 =	simm.s32 $0x100;
	[sflag:s25] =	ssyncadd.s32 $0xFFFFC000  }
0xb5: {  	[tilespmem:s19], [sflag:$0x1] =	stream.indirect.gather [hbm4b:s1+s28], $0x80, s15, s28, $0xb8;
	[tilespmem:$0x1E800] =	vst v63  }
0xb6: {  	_ =	swait.ge [sflag:s31], $0x4000  }
0xb7: {  	[sflag:s31] =	ssyncset.done $0x0  }
0xb8: {  	s16 =	simm.s32 $0x1480;
	[sflag:s31] =	ssyncadd.s32 $0xFFFFC000  }
0xb9: {  	[spmem:s3] =	stream.indirect.scatter.add.f32 [tilespmem:s29], [sflag:$0x3], $0x80, s16, s28, $0xb8;
	[tilespmem:$0x1E800] =	vst v63  }
0xba: {  	_ =	swait.ge [sflag:s25], $0x4000  }
0xbb: {  	s0 =	simm.s32 $0x100;
	s12 =	simm.s32 $0x800;
	[sflag:s25] =	ssyncset.done $0x0  }
.LBB2_5:
0xbc: {  	s16 =	sadd.s32 $0x80, s0  }
0xbd: {  	[sflag:s25] =	ssyncadd.s32 $0xFFFFC000;
	s10 =	smov.u32 s12;
	s11 =	sadd.s32 $0x400, s12  }
0xbe: {  	[tilespmem:s29], [sflag:$0x2] =	stream.indirect.gather [hbm4b:s1+s28], $0x80, s16, s28, $0xb8;
	[tilespmem:$0x1E800] =	vst v63  }
0xbf: {  	p2 =	sne.s32 s12, $0x4800;
	_ =	swait.ge [sflag:s30], $0x4000  }
0xc0: {  	[sflag:s30] =	ssyncset.done $0x0  }
0xc1: {  	s12 =	sadd.s32 $0x1400, s0;
	[sflag:s30] =	ssyncadd.s32 $0xFFFFC000  }
0xc2: {  	[spmem:s3] =	stream.indirect.scatter.add.f32 [tilespmem:s19], [sflag:$0x3], $0x80, s12, s28, $0xb8;
	[tilespmem:$0x1E800] =	vst v63  }
0xc3: {  	_ =	swait.ge [sflag:s25], $0x4000  }
0xc4: {  	[sflag:s25] =	ssyncset.done $0x0  }
0xc5: {  	s12 =	sadd.s32 $0x100, s0;
	[sflag:s25] =	ssyncadd.s32 $0xFFFFC000  }
0xc6: {  	[tilespmem:s19], [sflag:$0x1] =	stream.indirect.gather [hbm4b:s1+s28], $0x80, s12, s28, $0xb8;
	[tilespmem:$0x1E800] =	vst v63  }
0xc7: {  	_ =	swait.ge [sflag:s31], $0x4000  }
.Ltmp4:
0xc8: {  	[sflag:s31] =	ssyncset.done $0x0;
	(pc) =	sbr.rel @p2 .LBB2_5-.Ltmp4, $4  }
0xc9: {  	s0 =	sadd.s32 $0x1480, s0;
	[sflag:s31] =	ssyncadd.s32 $0xFFFFC000  }
0xca: {  	[spmem:s3] =	stream.indirect.scatter.add.f32 [tilespmem:s29], [sflag:$0x3], $0x80, s0, s28, $0xb8;
	[tilespmem:$0x1E800] =	vst v63  }
0xcb: {  	_ =	swait.ge [sflag:s25], $0x4000  }
0xcc: {  	s12 =	smov.u32 s11;
	s0 =	sshra.s32 s10, $0x2;
	[sflag:s25] =	ssyncset.done $0x0  }
0xcd: {  	s10 =	sadd.s32 $0x80, s0;
	[sflag:s25] =	ssyncadd.s32 $0xFFFFC000  }
0xce: {  	[tilespmem:s29], [sflag:$0x2] =	stream.indirect.gather [hbm4b:s1+s28], $0x80, s10, s28, $0xb8;
	[tilespmem:$0x1E800] =	vst v63  }
0xcf: {  	_ =	swait.ge [sflag:s30], $0x4000  }
0xd0: {  	[sflag:s30] =	ssyncset.done $0x0  }
0xd1: {  	s15 =	sadd.s32 $0x1400, s0;
	[sflag:s30] =	ssyncadd.s32 $0xFFFFC000  }
0xd2: {  	[spmem:s3] =	stream.indirect.scatter.add.f32 [tilespmem:s19], [sflag:$0x3], $0x80, s15, s28, $0xb8;
	[tilespmem:$0x1E800] =	vst v63  }
0xd3: {  	_ =	swait.ge [sflag:s25], $0x4000  }
0xd4: {  	[sflag:s25] =	ssyncset.done $0x0  }
0xd5: {  	s16 =	sadd.s32 $0x100, s0;
	[sflag:s25] =	ssyncadd.s32 $0xFFFFC000  }
0xd6: {  	[tilespmem:s19], [sflag:$0x1] =	stream.indirect.gather [hbm4b:s1+s28], $0x80, s16, s28, $0xb8;
	[tilespmem:$0x1E800] =	vst v63  }
0xd7: {  	_ =	swait.ge [sflag:s31], $0x4000  }
0xd8: {  	[sflag:s31] =	ssyncset.done $0x0  }
0xd9: {  	s2 =	sadd.s32 $0x1480, s0;
	[sflag:s31] =	ssyncadd.s32 $0xFFFFC000  }
0xda: {  	[spmem:s3] =	stream.indirect.scatter.add.f32 [tilespmem:s29], [sflag:$0x3], $0x80, s2, s28, $0xb8;
	[tilespmem:$0x1E800] =	vst v63  }
0xdb: {  	_ =	swait.ge [sflag:s25], $0x4000  }
0xdc: {  	[sflag:s25] =	ssyncset.done $0x0  }
0xdd: {  	s10 =	simm.s32 $0x1380;
	[sflag:s25] =	ssyncadd.s32 $0xFFFFC000  }
0xde: {  	[tilespmem:s29], [sflag:$0x2] =	stream.indirect.gather [hbm4b:s1+s28], $0x80, s10, s28, $0xb8;
	[tilespmem:$0x1E800] =	vst v63  }
0xdf: {  	_ =	swait.ge [sflag:s30], $0x4000  }
0xe0: {  	[sflag:s30] =	ssyncset.done $0x0  }
0xe1: {  	s11 =	simm.s32 $0x2700;
	[sflag:s30] =	ssyncadd.s32 $0xFFFFC000  }
0xe2: {  	[spmem:s3] =	stream.indirect.scatter.add.f32 [tilespmem:s19], [sflag:$0x3], $0x80, s11, s28, $0xb8;
	[tilespmem:$0x1E800] =	vst v63  }
0xe3: {  	_ =	swait.ge [sflag:s25], $0x4000  }
0xe4: {  	[sflag:s25] =	ssyncset.done $0x0  }
0xe5: {  	[sflag:s25] =	ssyncadd.s32 $0xFFFFC000  }
0xe6: {  	_ =	swait.ge [sflag:s31], $0x4000  }
0xe7: {  	[sflag:s31] =	ssyncset.done $0x0  }
0xe8: {  	s12 =	simm.s32 $0x2780;
	[sflag:s31] =	ssyncadd.s32 $0xFFFFC000  }
0xe9: {  	[spmem:s3] =	stream.indirect.scatter.add.f32 [tilespmem:s29], [sflag:$0x3], $0x80, s12, s28, $0xb8;
	[tilespmem:$0x1E800] =	vst v63  }
0xea: {  	_ =	swait.ge [sflag:s25], $0x4000  }
0xeb: {  	[sflag:s25] =	ssyncset.done $0x0  }
0xec: {  	s15 =	simm.s32 $0x0;
	s2 =	rddreg [dreg:$0x7];
	[sflag:s25] =	ssyncadd.s32 $0xFFFFC000  }
0xed: {  	[tilespmem:s15], [sflag:$0x3] =	stream.linear.gather [hbm4b:s2+s15], $0x1400, $0x38;
	[tilespmem:$0x1E800] =	vst v63  }
0xee: {  	_ =	swait.ge [sflag:s25], $0x1400  }
0xef: {  	[sflag:s25] =	ssyncset.done $0x0  }
0xf0: {  	p3 =	por $0x0, $0x0;
	s16 =	sadd.s32 s14, s13;
	[sflag:s25] =	ssyncadd.s32 $0xFFFFEC00  }
0xf1: {  	[tilespmem:s26], [sflag:$0x3] =	stream.linear.gather [hbm4b:s16+s15], $0x1400, $0x38;
	[tilespmem:$0x1E800] =	vst v63  }
.Ltmp5:
0xf2: {  	_ = 	snop;
	(pc) =	sbr.rel @p3 .LBB2_9-.Ltmp5, $4  }
0xf3: {  	_ =	swait.ge [sflag:s25], $0x1400  }
0xf4: {  	[sflag:s25] =	ssyncset.done $0x0  }
0xf5: {  	s0 =	simm.s32 $0x0;
	p2 =	por $0x0, $0x0;
	[sflag:s25] =	ssyncadd.s32 $0xFFFFEC00  }
0xf6: {  	[tilespmem:s19], [sflag:$0x1] =	stream.indirect.gather [hbm4b:s1+s28], $0x80, s15, s28, $0xb8;
	[tilespmem:$0x1E800] =	vst v63  }
0xf7: {  	s0 =	simm.s32 $0x80  }
0xf8: {  	[tilespmem:s29], [sflag:$0x2] =	stream.indirect.gather [hbm4b:s1+s28], $0x80, s0, s28, $0xb8;
	[tilespmem:$0x1E800] =	vst v63  }
0xf9: {  	_ =	swait.ge [sflag:s30], $0x4000  }
0xfa: {  	[sflag:s30] =	ssyncset.done $0x0  }
0xfb: {  	s12 =	simm.s32 $0x1400;
	[sflag:s30] =	ssyncadd.s32 $0xFFFFC000  }
0xfc: {  	[spmem:s3] =	stream.indirect.scatter.add.f32 [tilespmem:s19], [sflag:$0x3], $0x80, s12, s28, $0xb8;
	[tilespmem:$0x1E800] =	vst v63  }
0xfd: {  	_ =	swait.ge [sflag:s25], $0x4000  }
0xfe: {  	[sflag:s25] =	ssyncset.done $0x0  }
0xff: {  	s15 =	simm.s32 $0x100;
	[sflag:s25] =	ssyncadd.s32 $0xFFFFC000  }
0x100: {  	[tilespmem:s19], [sflag:$0x1] =	stream.indirect.gather [hbm4b:s1+s28], $0x80, s15, s28, $0xb8;
	[tilespmem:$0x1E800] =	vst v63  }
0x101: {  	p3 =	por $0x0, $0x0;
	_ =	swait.ge [sflag:s31], $0x4000  }
.Ltmp6:
0x102: {  	[sflag:s31] =	ssyncset.done $0x0;
	(pc) =	sbr.rel @p3 .LBB2_9-.Ltmp6, $4  }
0x103: {  	s16 =	simm.s32 $0x1480;
	[sflag:s31] =	ssyncadd.s32 $0xFFFFC000  }
0x104: {  	[spmem:s3] =	stream.indirect.scatter.add.f32 [tilespmem:s29], [sflag:$0x3], $0x80, s16, s28, $0xb8;
	[tilespmem:$0x1E800] =	vst v63  }
0x105: {  	p2 =	por $0x1, $0x1;
	_ =	swait.ge [sflag:s25], $0x4000  }
0x106: {  	s0 =	simm.s32 $0x100;
	s12 =	simm.s32 $0x800;
	[sflag:s25] =	ssyncset.done $0x0  }
.LBB2_8:
0x107: {  	s10 =	sadd.s32 $0x80, s0  }
0x108: {  	[sflag:s25] =	ssyncadd.s32 $0xFFFFC000;
	s11 =	smov.u32 s12;
	s16 =	sadd.s32 $0x400, s12  }
0x109: {  	[tilespmem:s29], [sflag:$0x2] =	stream.indirect.gather [hbm4b:s1+s28], $0x80, s10, s28, $0xb8;
	[tilespmem:$0x1E800] =	vst v63  }
0x10a: {  	p3 =	seq.s32 s12, $0x4800;
	_ =	swait.ge [sflag:s30], $0x4000  }
0x10b: {  	[sflag:s30] =	ssyncset.done $0x0  }
0x10c: {  	s10 =	sadd.s32 $0x1400, s0;
	[sflag:s30] =	ssyncadd.s32 $0xFFFFC000  }
0x10d: {  	[spmem:s3] =	stream.indirect.scatter.add.f32 [tilespmem:s19], [sflag:$0x3], $0x80, s10, s28, $0xb8;
	[tilespmem:$0x1E800] =	vst v63  }
0x10e: {  	_ =	swait.ge [sflag:s25], $0x4000  }
0x10f: {  	[sflag:s25] =	ssyncset.done $0x0  }
0x110: {  	s10 =	sadd.s32 $0x100, s0;
	[sflag:s25] =	ssyncadd.s32 $0xFFFFC000  }
0x111: {  	[tilespmem:s19], [sflag:$0x1] =	stream.indirect.gather [hbm4b:s1+s28], $0x80, s10, s28, $0xb8;
	[tilespmem:$0x1E800] =	vst v63  }
0x112: {  	_ =	swait.ge [sflag:s31], $0x4000  }
.Ltmp7:
0x113: {  	[sflag:s31] =	ssyncset.done $0x0;
	(pc) =	sbr.rel @!p3 .LBB2_8-.Ltmp7, $4  }
0x114: {  	s0 =	sadd.s32 $0x1480, s0;
	[sflag:s31] =	ssyncadd.s32 $0xFFFFC000  }
0x115: {  	[spmem:s3] =	stream.indirect.scatter.add.f32 [tilespmem:s29], [sflag:$0x3], $0x80, s0, s28, $0xb8;
	[tilespmem:$0x1E800] =	vst v63  }
0x116: {  	_ =	swait.ge [sflag:s25], $0x4000  }
0x117: {  	s12 =	smov.u32 s16;
	s0 =	sshra.s32 s11, $0x2;
	[sflag:s25] =	ssyncset.done $0x0  }
.Ltmp8:
0x118: {  	_ = 	snop;
	(pc) =	sbr.rel .LBB2_9-.Ltmp8, $1  }
0x119: {  	_ =	sdelay $0x3  }
.LBB2_10:
0x11a: {  	s2 =	rddreg [dreg:$0x6]  }
0x11b: {  	[tilespmem:s0], [sflag:$0x3] =	stream.linear.gather [hbm4b:s2+s0], $0x1400, $0x38;
	[tilespmem:$0x1E800] =	vst v63  }
0x11c: {  	_ =	swait.ge [sflag:s25], $0x1400  }
0x11d: {  	[sflag:s25] =	ssyncset.done $0x0;
	s10 =	rddreg [dreg:$0x4]  }
0x11e: {  	[sflag:s25] =	ssyncadd.s32 $0xFFFFEC00;
	s10 =	sadd.s32 s10, s13  }
0x11f: {  	[tilespmem:s26], [sflag:$0x3] =	stream.linear.gather [hbm4b:s10+s0], $0x1400, $0x38;
	[tilespmem:$0x1E800] =	vst v63  }
0x120: {  	_ =	swait.ge [sflag:s25], $0x1400  }
0x121: {  	[sflag:s25] =	ssyncset.done $0x0  }
0x122: {  	[sflag:s25] =	ssyncadd.s32 $0xFFFFEC00  }
0x123: {  	[tilespmem:s19], [sflag:$0x1] =	stream.indirect.gather [hbm4b:s1+s28], $0x80, s0, s28, $0xb8;
	[tilespmem:$0x1E800] =	vst v63  }
0x124: {  	s11 =	simm.s32 $0x80  }
0x125: {  	[tilespmem:s29], [sflag:$0x2] =	stream.indirect.gather [hbm4b:s1+s28], $0x80, s11, s28, $0xb8;
	[tilespmem:$0x1E800] =	vst v63  }
0x126: {  	_ =	swait.ge [sflag:s30], $0x4000  }
0x127: {  	[sflag:s30] =	ssyncset.done $0x0  }
0x128: {  	s12 =	simm.s32 $0x1400;
	[sflag:s30] =	ssyncadd.s32 $0xFFFFC000  }
0x129: {  	[spmem:s3] =	stream.indirect.scatter.add.f32 [tilespmem:s19], [sflag:$0x3], $0x80, s12, s28, $0xb8;
	[tilespmem:$0x1E800] =	vst v63  }
0x12a: {  	_ =	swait.ge [sflag:s25], $0x4000  }
0x12b: {  	[sflag:s25] =	ssyncset.done $0x0  }
0x12c: {  	s15 =	simm.s32 $0x100;
	[sflag:s25] =	ssyncadd.s32 $0xFFFFC000  }
0x12d: {  	[tilespmem:s19], [sflag:$0x1] =	stream.indirect.gather [hbm4b:s1+s28], $0x80, s15, s28, $0xb8;
	[tilespmem:$0x1E800] =	vst v63  }
0x12e: {  	_ =	swait.ge [sflag:s31], $0x4000  }
0x12f: {  	[sflag:s31] =	ssyncset.done $0x0  }
0x130: {  	s16 =	simm.s32 $0x1480;
	[sflag:s31] =	ssyncadd.s32 $0xFFFFC000  }
0x131: {  	[spmem:s3] =	stream.indirect.scatter.add.f32 [tilespmem:s29], [sflag:$0x3], $0x80, s16, s28, $0xb8;
	[tilespmem:$0x1E800] =	vst v63  }
0x132: {  	_ =	swait.ge [sflag:s25], $0x4000  }
0x133: {  	s0 =	simm.s32 $0x100;
	s12 =	simm.s32 $0x800;
	[sflag:s25] =	ssyncset.done $0x0  }
.LBB2_11:
0x134: {  	s10 =	sadd.s32 $0x80, s0  }
0x135: {  	[sflag:s25] =	ssyncadd.s32 $0xFFFFC000;
	s11 =	smov.u32 s12;
	s16 =	sadd.s32 $0x400, s12  }
0x136: {  	[tilespmem:s29], [sflag:$0x2] =	stream.indirect.gather [hbm4b:s1+s28], $0x80, s10, s28, $0xb8;
	[tilespmem:$0x1E800] =	vst v63  }
0x137: {  	p2 =	sne.s32 s12, $0x4800;
	_ =	swait.ge [sflag:s30], $0x4000  }
0x138: {  	[sflag:s30] =	ssyncset.done $0x0  }
0x139: {  	s10 =	sadd.s32 $0x1400, s0;
	[sflag:s30] =	ssyncadd.s32 $0xFFFFC000  }
0x13a: {  	[spmem:s3] =	stream.indirect.scatter.add.f32 [tilespmem:s19], [sflag:$0x3], $0x80, s10, s28, $0xb8;
	[tilespmem:$0x1E800] =	vst v63  }
0x13b: {  	_ =	swait.ge [sflag:s25], $0x4000  }
0x13c: {  	[sflag:s25] =	ssyncset.done $0x0  }
0x13d: {  	s10 =	sadd.s32 $0x100, s0;
	[sflag:s25] =	ssyncadd.s32 $0xFFFFC000  }
0x13e: {  	[tilespmem:s19], [sflag:$0x1] =	stream.indirect.gather [hbm4b:s1+s28], $0x80, s10, s28, $0xb8;
	[tilespmem:$0x1E800] =	vst v63  }
0x13f: {  	_ =	swait.ge [sflag:s31], $0x4000  }
.Ltmp9:
0x140: {  	[sflag:s31] =	ssyncset.done $0x0;
	(pc) =	sbr.rel @p2 .LBB2_11-.Ltmp9, $4  }
0x141: {  	s0 =	sadd.s32 $0x1480, s0;
	[sflag:s31] =	ssyncadd.s32 $0xFFFFC000  }
0x142: {  	[spmem:s3] =	stream.indirect.scatter.add.f32 [tilespmem:s29], [sflag:$0x3], $0x80, s0, s28, $0xb8;
	[tilespmem:$0x1E800] =	vst v63  }
0x143: {  	_ =	swait.ge [sflag:s25], $0x4000  }
0x144: {  	s12 =	smov.u32 s16;
	s0 =	sshra.s32 s11, $0x2;
	[sflag:s25] =	ssyncset.done $0x0  }
0x145: {  	s10 =	sadd.s32 $0x80, s0;
	[sflag:s25] =	ssyncadd.s32 $0xFFFFC000  }
0x146: {  	[tilespmem:s29], [sflag:$0x2] =	stream.indirect.gather [hbm4b:s1+s28], $0x80, s10, s28, $0xb8;
	[tilespmem:$0x1E800] =	vst v63  }
0x147: {  	_ =	swait.ge [sflag:s30], $0x4000  }
0x148: {  	[sflag:s30] =	ssyncset.done $0x0  }
0x149: {  	s16 =	sadd.s32 $0x1400, s0;
	[sflag:s30] =	ssyncadd.s32 $0xFFFFC000  }
0x14a: {  	[spmem:s3] =	stream.indirect.scatter.add.f32 [tilespmem:s19], [sflag:$0x3], $0x80, s16, s28, $0xb8;
	[tilespmem:$0x1E800] =	vst v63  }
0x14b: {  	_ =	swait.ge [sflag:s25], $0x4000  }
0x14c: {  	[sflag:s25] =	ssyncset.done $0x0  }
0x14d: {  	s2 =	sadd.s32 $0x100, s0;
	[sflag:s25] =	ssyncadd.s32 $0xFFFFC000  }
0x14e: {  	[tilespmem:s19], [sflag:$0x1] =	stream.indirect.gather [hbm4b:s1+s28], $0x80, s2, s28, $0xb8;
	[tilespmem:$0x1E800] =	vst v63  }
0x14f: {  	_ =	swait.ge [sflag:s31], $0x4000  }
0x150: {  	[sflag:s31] =	ssyncset.done $0x0  }
0x151: {  	s10 =	sadd.s32 $0x1480, s0;
	[sflag:s31] =	ssyncadd.s32 $0xFFFFC000  }
0x152: {  	[spmem:s3] =	stream.indirect.scatter.add.f32 [tilespmem:s29], [sflag:$0x3], $0x80, s10, s28, $0xb8;
	[tilespmem:$0x1E800] =	vst v63  }
0x153: {  	_ =	swait.ge [sflag:s25], $0x4000  }
0x154: {  	[sflag:s25] =	ssyncset.done $0x0  }
0x155: {  	s11 =	simm.s32 $0x1380;
	[sflag:s25] =	ssyncadd.s32 $0xFFFFC000  }
0x156: {  	[tilespmem:s29], [sflag:$0x2] =	stream.indirect.gather [hbm4b:s1+s28], $0x80, s11, s28, $0xb8;
	[tilespmem:$0x1E800] =	vst v63  }
0x157: {  	_ =	swait.ge [sflag:s30], $0x4000  }
0x158: {  	[sflag:s30] =	ssyncset.done $0x0  }
0x159: {  	s12 =	simm.s32 $0x2700;
	[sflag:s30] =	ssyncadd.s32 $0xFFFFC000  }
0x15a: {  	[spmem:s3] =	stream.indirect.scatter.add.f32 [tilespmem:s19], [sflag:$0x3], $0x80, s12, s28, $0xb8;
	[tilespmem:$0x1E800] =	vst v63  }
0x15b: {  	_ =	swait.ge [sflag:s25], $0x4000  }
0x15c: {  	[sflag:s25] =	ssyncset.done $0x0  }
0x15d: {  	[sflag:s25] =	ssyncadd.s32 $0xFFFFC000  }
0x15e: {  	_ =	swait.ge [sflag:s31], $0x4000  }
0x15f: {  	[sflag:s31] =	ssyncset.done $0x0  }
0x160: {  	s15 =	simm.s32 $0x2780;
	[sflag:s31] =	ssyncadd.s32 $0xFFFFC000  }
0x161: {  	[spmem:s3] =	stream.indirect.scatter.add.f32 [tilespmem:s29], [sflag:$0x3], $0x80, s15, s28, $0xb8;
	[tilespmem:$0x1E800] =	vst v63  }
0x162: {  	_ =	swait.ge [sflag:s25], $0x4000  }
0x163: {  	[sflag:s25] =	ssyncset.done $0x0  }
0x164: {  	s16 =	simm.s32 $0x0;
	s2 =	rddreg [dreg:$0x7];
	[sflag:s25] =	ssyncadd.s32 $0xFFFFC000  }
0x165: {  	[tilespmem:s16], [sflag:$0x3] =	stream.linear.gather [hbm4b:s2+s16], $0x1000, $0x38;
	[tilespmem:$0x1E800] =	vst v63  }
0x166: {  	_ =	swait.ge [sflag:s25], $0x1000  }
0x167: {  	[sflag:s25] =	ssyncset.done $0x0  }
0x168: {  	s2 =	sadd.s32 s14, s13;
	[sflag:s25] =	ssyncadd.s32 $0xFFFFF000  }
0x169: {  	[tilespmem:s26], [sflag:$0x3] =	stream.linear.gather [hbm4b:s2+s16], $0x1000, $0x38;
	[tilespmem:$0x1E800] =	vst v63  }
0x16a: {  	_ =	swait.ge [sflag:s25], $0x1000  }
0x16b: {  	[sflag:s25] =	ssyncset.done $0x0  }
0x16c: {  	[sflag:s25] =	ssyncadd.s32 $0xFFFFF000  }
0x16d: {  	[tilespmem:s19], [sflag:$0x1] =	stream.indirect.gather [hbm4b:s1+s28], $0x80, s16, s28, $0xb8;
	[tilespmem:$0x1E800] =	vst v63  }
0x16e: {  	s11 =	simm.s32 $0x80  }
0x16f: {  	[tilespmem:s29], [sflag:$0x2] =	stream.indirect.gather [hbm4b:s1+s28], $0x80, s11, s28, $0xb8;
	[tilespmem:$0x1E800] =	vst v63  }
0x170: {  	_ =	swait.ge [sflag:s30], $0x4000  }
0x171: {  	[sflag:s30] =	ssyncset.done $0x0  }
0x172: {  	s12 =	simm.s32 $0x1400;
	[sflag:s30] =	ssyncadd.s32 $0xFFFFC000  }
0x173: {  	[spmem:s3] =	stream.indirect.scatter.add.f32 [tilespmem:s19], [sflag:$0x3], $0x80, s12, s28, $0xb8;
	[tilespmem:$0x1E800] =	vst v63  }
0x174: {  	_ =	swait.ge [sflag:s25], $0x4000  }
0x175: {  	[sflag:s25] =	ssyncset.done $0x0  }
0x176: {  	s15 =	simm.s32 $0x100;
	[sflag:s25] =	ssyncadd.s32 $0xFFFFC000  }
0x177: {  	[tilespmem:s19], [sflag:$0x1] =	stream.indirect.gather [hbm4b:s1+s28], $0x80, s15, s28, $0xb8;
	[tilespmem:$0x1E800] =	vst v63  }
0x178: {  	_ =	swait.ge [sflag:s31], $0x4000  }
0x179: {  	[sflag:s31] =	ssyncset.done $0x0  }
0x17a: {  	s16 =	simm.s32 $0x1480;
	[sflag:s31] =	ssyncadd.s32 $0xFFFFC000  }
0x17b: {  	[spmem:s3] =	stream.indirect.scatter.add.f32 [tilespmem:s29], [sflag:$0x3], $0x80, s16, s28, $0xb8;
	[tilespmem:$0x1E800] =	vst v63  }
0x17c: {  	_ =	swait.ge [sflag:s25], $0x4000  }
0x17d: {  	s0 =	simm.s32 $0x100;
	s12 =	simm.s32 $0x800;
	[sflag:s25] =	ssyncset.done $0x0  }
.LBB2_13:
0x17e: {  	s10 =	sadd.s32 $0x80, s0  }
0x17f: {  	[sflag:s25] =	ssyncadd.s32 $0xFFFFC000;
	s11 =	smov.u32 s12;
	s16 =	sadd.s32 $0x400, s12  }
0x180: {  	[tilespmem:s29], [sflag:$0x2] =	stream.indirect.gather [hbm4b:s1+s28], $0x80, s10, s28, $0xb8;
	[tilespmem:$0x1E800] =	vst v63  }
0x181: {  	p2 =	sne.s32 s12, $0x3800;
	_ =	swait.ge [sflag:s30], $0x4000  }
0x182: {  	[sflag:s30] =	ssyncset.done $0x0  }
0x183: {  	s10 =	sadd.s32 $0x1400, s0;
	[sflag:s30] =	ssyncadd.s32 $0xFFFFC000  }
0x184: {  	[spmem:s3] =	stream.indirect.scatter.add.f32 [tilespmem:s19], [sflag:$0x3], $0x80, s10, s28, $0xb8;
	[tilespmem:$0x1E800] =	vst v63  }
0x185: {  	_ =	swait.ge [sflag:s25], $0x4000  }
0x186: {  	[sflag:s25] =	ssyncset.done $0x0  }
0x187: {  	s10 =	sadd.s32 $0x100, s0;
	[sflag:s25] =	ssyncadd.s32 $0xFFFFC000  }
0x188: {  	[tilespmem:s19], [sflag:$0x1] =	stream.indirect.gather [hbm4b:s1+s28], $0x80, s10, s28, $0xb8;
	[tilespmem:$0x1E800] =	vst v63  }
0x189: {  	_ =	swait.ge [sflag:s31], $0x4000  }
.Ltmp10:
0x18a: {  	[sflag:s31] =	ssyncset.done $0x0;
	(pc) =	sbr.rel @p2 .LBB2_13-.Ltmp10, $4  }
0x18b: {  	s0 =	sadd.s32 $0x1480, s0;
	[sflag:s31] =	ssyncadd.s32 $0xFFFFC000  }
0x18c: {  	[spmem:s3] =	stream.indirect.scatter.add.f32 [tilespmem:s29], [sflag:$0x3], $0x80, s0, s28, $0xb8;
	[tilespmem:$0x1E800] =	vst v63  }
0x18d: {  	_ =	swait.ge [sflag:s25], $0x4000  }
0x18e: {  	s12 =	smov.u32 s16;
	s0 =	sshra.s32 s11, $0x2;
	[sflag:s25] =	ssyncset.done $0x0  }
0x18f: {  	s10 =	sadd.s32 $0x80, s0;
	[sflag:s25] =	ssyncadd.s32 $0xFFFFC000  }
0x190: {  	[tilespmem:s29], [sflag:$0x2] =	stream.indirect.gather [hbm4b:s1+s28], $0x80, s10, s28, $0xb8;
	[tilespmem:$0x1E800] =	vst v63  }
0x191: {  	_ =	swait.ge [sflag:s30], $0x4000  }
0x192: {  	[sflag:s30] =	ssyncset.done $0x0  }
0x193: {  	s12 =	sadd.s32 $0x1400, s0;
	[sflag:s30] =	ssyncadd.s32 $0xFFFFC000  }
0x194: {  	[spmem:s3] =	stream.indirect.scatter.add.f32 [tilespmem:s19], [sflag:$0x3], $0x80, s12, s28, $0xb8;
	[tilespmem:$0x1E800] =	vst v63  }
0x195: {  	_ =	swait.ge [sflag:s25], $0x4000  }
0x196: {  	[sflag:s25] =	ssyncset.done $0x0  }
0x197: {  	s15 =	sadd.s32 $0x100, s0;
	[sflag:s25] =	ssyncadd.s32 $0xFFFFC000  }
0x198: {  	[tilespmem:s19], [sflag:$0x1] =	stream.indirect.gather [hbm4b:s1+s28], $0x80, s15, s28, $0xb8;
	[tilespmem:$0x1E800] =	vst v63  }
0x199: {  	_ =	swait.ge [sflag:s31], $0x4000  }
0x19a: {  	[sflag:s31] =	ssyncset.done $0x0  }
.Ltmp11:
0x19b: {  	s16 =	sadd.s32 $0x1480, s0;
	[sflag:s31] =	ssyncadd.s32 $0xFFFFC000;
	(pc) =	sbr.rel .LBB2_15-.Ltmp11, $4  }
0x19c: {  	[spmem:s3] =	stream.indirect.scatter.add.f32 [tilespmem:s29], [sflag:$0x3], $0x80, s16, s28, $0xb8;
	[tilespmem:$0x1E800] =	vst v63  }
0x19d: {  	_ =	swait.ge [sflag:s25], $0x4000  }
0x19e: {  	s0 =	simm.s32 $0x2380;
	[sflag:s25] =	ssyncset.done $0x0  }
0x19f: {  	s12 =	simm.s32 $0x2300;
	s16 =	simm.s32 $0xF80;
	[sflag:s25] =	ssyncadd.s32 $0xFFFFC000  }
.LBB2_16:
0x1a0: {  	_ =	sfence.sel $0x180000  }
0x1a1: {  	[bflag:$0x0] =	sbarrier.arrive $0xFFFF  }
0x1a2: {  	_ =	strace $0x9000004A  }
0x1a3: {  	s0 =	stileid.u32;
	[bflag:$0x2] =	sbarrier.arrive $0xFFFF  }
0x1a4: {  	p0 =	sne.s32 s0, $0x0;
	s0 =	rddreg [dreg:$0x3]  }
0x1a5: {  	s0 =	sadd.s32 @!p0 $0x100000, s0  }
0x1a6: {  	[sflag:s0] =	ssyncadd.tile.s32 @!p0 $0x1;
	_ =	shalt  }
.Lfunc_end2:
_tile_overlayer_lowered:
.L_overlay_start_2:
0x1a7: {  	(tag) =	ssettag $0x2  }
0x1a8: {  	s0 =	rddreg [dreg:$0x0];
	s2 =	stileid.u32  }
0x1a9: {  	s1 =	rddreg [dreg:$0x1];
	p0 =	sne.s32 s2, $0x0  }
0x1aa: {  	s3 =	rddreg [dreg:$0x2];
	[bflag:$0x3] =	sbarrier.arrive $0xFFFF;
	s2 =	simm.s32 @!p0 $0x1C03  }
0x1ab: {  	[timem:s3], [sflag:s2] =	dma.local @!p0 [hbm:s0], s1  }
0x1ac: {  	s0 =	simm.s32 @!p0 $0x3  }
0x1ad: {  	_ =	swait.ge @!p0 [sflag:s0], s1  }
0x1ae: {  	s1 =	ssub.s32 @!p0 $0x0, s1;
	[sflag:s0] =	ssyncset.done @!p0 $0x0  }
0x1af: {  	[sflag:s0] =	ssyncadd.s32 @!p0 s1  }
0x1b0: {  	[bflag:$0x3] =	sbarrier.arrive $0xFFFF  }
0x1b1: {  	_ =	shalt  }

</sc_bundles>
